<compile_context>
chip_gen: v7x
topology: tpu7x:2x2x1
jax: 0.10.2.dev20260603
libtpu: 0.0.44.dev20260713+nightly
codegen_flags: <defaults>
</compile_context>

<pallas_src>
import functools

import jax
import jax.numpy as jnp
from jax import lax
from jax.experimental import pallas as pl
from jax.experimental.pallas import tpu as pltpu
from jax.experimental.pallas import tpu_sc as plsc

EMBED = 16
BATCH = 16384
ALPHA = 0.5

NC = 2
NS = 16
NW = NC * NS
BPW = BATCH // NW


RING = 4
NBANK = 2
NBATCH = BPW // RING
NPAIR = NBATCH // NBANK
LANE = 128


def _sc_gather_body(uidx_hbm, iidx_hbm, gu_t, gi_t, mu_t, mi_t,
                    gu_o, gi_o, mu_o, mi_o,
                    uidx_s, iidx_s,
                    gu_r, gi_r, mu_r, mi_r,
                    gu_v, gi_v, mu_v, mi_v,
                    s00, s01, s10, s11, s20, s21, s30, s31):
    wid = lax.axis_index("s") * NC + lax.axis_index("c")
    base = wid * BPW
    pltpu.sync_copy(uidx_hbm.at[wid], uidx_s.at[pl.ds(0, BPW)])
    pltpu.sync_copy(iidx_hbm.at[wid], iidx_s.at[pl.ds(0, BPW)])

    sems = ((s00, s01), (s10, s11), (s20, s21), (s30, s31))
    rings = (gu_r, gi_r, mu_r, mi_r)
    tabs = (gu_t, gi_t, mu_t, mi_t)
    outsv = (gu_v, gi_v, mu_v, mi_v)
    iota16 = lax.iota(jnp.int32, 16)

    def load_idx(gg):
        uvec = uidx_s[pl.ds(gg * NBANK * RING, 16)]
        ivec = iidx_s[pl.ds(gg * NBANK * RING, 16)]
        return uvec, ivec

    def enqueue(bank, uvec, ivec, lane_off):
        for r in range(RING):
            uu = uvec[lane_off + r]
            ii = ivec[lane_off + r]
            for t in range(4):
                idx = uu if t % 2 == 0 else ii
                col = idx & jnp.int32(-LANE)
                src = tabs[t].at[:, pl.ds(pl.multiple_of(col, LANE), LANE)]
                pltpu.async_copy(src, rings[t].at[bank * RING + r],
                                 sems[t][bank])

    def drain(bank):
        for r in range(RING):
            for t in range(4):
                pltpu.make_async_copy(tabs[t].at[:, pl.ds(0, LANE)],
                                      rings[t].at[bank * RING + r],
                                      sems[t][bank]).wait()

    def extract(bank, g, uvec, ivec, lane_off):
        for r in range(RING):
            b = g * RING + r
            for t in range(4):
                u = uvec[lane_off + r] if t % 2 == 0 else ivec[lane_off + r]
                lane = u & jnp.int32(LANE - 1)
                vec = plsc.load_gather(
                    rings[t],
                    [jnp.full((16,), bank * RING + r, jnp.int32), iota16,
                     jnp.full((16,), lane, jnp.int32)])
                plsc.store_scatter(outsv[t],
                                   [iota16, jnp.full((16,), b, jnp.int32)],
                                   vec)

    uvec0, ivec0 = load_idx(0)
    enqueue(0, uvec0, ivec0, 0)

    def outer(gg, _):
        g0 = gg * NBANK
        uvec, ivec = load_idx(gg)
        nvec, jvec = load_idx(gg + 1)
        enqueue(1, uvec, ivec, RING)
        drain(0)
        extract(0, g0, uvec, ivec, 0)

        @pl.when(gg + 1 < NPAIR)
        def _():
            enqueue(0, nvec, jvec, 0)

        drain(1)
        extract(1, g0 + 1, uvec, ivec, RING)
        return ()

    lax.fori_loop(0, NPAIR, outer, ())

    out_sl = pl.ds(base, BPW)
    pltpu.sync_copy(gu_v, gu_o.at[:, out_sl])
    pltpu.sync_copy(gi_v, gi_o.at[:, out_sl])
    pltpu.sync_copy(mu_v, mu_o.at[:, out_sl])
    pltpu.sync_copy(mi_v, mi_o.at[:, out_sl])


_sc_gather = functools.partial(
    pl.kernel,
    out_type=[jax.ShapeDtypeStruct((EMBED, BATCH), jnp.float32)] * 4,
    mesh=plsc.VectorSubcoreMesh(core_axis_name="c", subcore_axis_name="s"),
    scratch_types=[
        pltpu.VMEM((BPW + 16,), jnp.int32),
        pltpu.VMEM((BPW + 16,), jnp.int32),
        pltpu.VMEM((NBANK * RING, EMBED, LANE), jnp.float32),
        pltpu.VMEM((NBANK * RING, EMBED, LANE), jnp.float32),
        pltpu.VMEM((NBANK * RING, EMBED, LANE), jnp.float32),
        pltpu.VMEM((NBANK * RING, EMBED, LANE), jnp.float32),
        pltpu.VMEM((EMBED, BPW), jnp.float32),
        pltpu.VMEM((EMBED, BPW), jnp.float32),
        pltpu.VMEM((EMBED, BPW), jnp.float32),
        pltpu.VMEM((EMBED, BPW), jnp.float32),
        pltpu.SemaphoreType.DMA,
        pltpu.SemaphoreType.DMA,
        pltpu.SemaphoreType.DMA,
        pltpu.SemaphoreType.DMA,
        pltpu.SemaphoreType.DMA,
        pltpu.SemaphoreType.DMA,
        pltpu.SemaphoreType.DMA,
        pltpu.SemaphoreType.DMA,
    ],
    compiler_params=pltpu.CompilerParams(use_tc_tiling_on_sc=True,
                                         needs_layout_passes=False),
)(_sc_gather_body)


BLK = 2048


def _tc_mlp_body(gu, gi, mu, mi, w0, b0, w1, b1, w2, b2, w3, b3, wp, bp, out):
    f32 = jnp.float32
    dims = (((0,), (0,)), ((), ()))
    h = jnp.maximum(
        lax.dot_general(w0[0:EMBED, :], mu[...], dims, preferred_element_type=f32)
        + lax.dot_general(w0[EMBED:2 * EMBED, :], mi[...], dims,
                          preferred_element_type=f32)
        + b0[...], 0.0)
    h = jnp.maximum(
        lax.dot_general(w1[...], h, dims, preferred_element_type=f32) + b1[...], 0.0)
    h = jnp.maximum(
        lax.dot_general(w2[...], h, dims, preferred_element_type=f32) + b2[...], 0.0)
    h = jnp.maximum(
        lax.dot_general(w3[...], h, dims, preferred_element_type=f32) + b3[...], 0.0)
    gmf = gu[...] * gi[...]
    pred = (ALPHA * lax.dot_general(wp[0:EMBED, :], gmf, dims,
                                    preferred_element_type=f32)
            + (1.0 - ALPHA) * lax.dot_general(wp[EMBED:, :], h, dims,
                                              preferred_element_type=f32)
            + bp[...])
    out[...] = pred


def _tc_mlp(gu, gi, mu, mi, w0, b0, w1, b1, w2, b2, w3, b3, wp, bp):
    nb = BATCH // BLK
    col_spec = pl.BlockSpec((EMBED, BLK), lambda i: (0, i))

    def full(a):
        return pl.BlockSpec(a.shape, lambda i: tuple(0 for _ in a.shape))

    return pl.pallas_call(
        _tc_mlp_body,
        grid=(nb,),
        in_specs=[col_spec, col_spec, col_spec, col_spec,
                  full(w0), full(b0), full(w1), full(b1),
                  full(w2), full(b2), full(w3), full(b3),
                  full(wp), full(bp)],
        out_specs=pl.BlockSpec((1, BLK), lambda i: (0, i)),
        out_shape=jax.ShapeDtypeStruct((1, BATCH), jnp.float32),
    )(gu, gi, mu, mi, w0, b0, w1, b1, w2, b2, w3, b3, wp, bp)


def kernel(user_input, item_input, gmf_user_table, gmf_item_table,
           mlp_user_table, mlp_item_table,
           W0, b0, W1, b1, W2, b2, W3, b3, Wp, bp):
    uidx = user_input.astype(jnp.int32).reshape(NW, BPW)
    iidx = item_input.astype(jnp.int32).reshape(NW, BPW)
    gu, gi, mu, mi = _sc_gather(uidx, iidx,
                                gmf_user_table.T, gmf_item_table.T,
                                mlp_user_table.T, mlp_item_table.T)
    pred_t = _tc_mlp(gu, gi, mu, mi,
                     W0, b0.reshape(-1, 1), W1, b1.reshape(-1, 1),
                     W2, b2.reshape(-1, 1), W3, b3.reshape(-1, 1),
                     Wp, bp.reshape(1, 1))
    return pred_t.reshape(BATCH, 1)

# --- scband reference (transcript-rebuilt; emitter-appended) ---
"""Pipeline reference for scband-ncf-3212635538192 (READ-ONLY COPY).

The authoritative reference and input builder live on the scoring server;
editing this copy changes nothing except your own understanding.
"""

import jax, jax.numpy as jnp
import numpy as np

NUM_USERS = 1000000
NUM_ITEMS = 1000000
EMBED = 16
BATCH = 16384
MLP_UNITS = [64, 32, 16, 8]
ALPHA = 0.5


def setup_inputs(seed: int = 0) -> dict:
    key = jax.random.key(seed)
    ks = jax.random.split(key, 20)
    user_input = jax.random.randint(ks[0], (BATCH,), 0, NUM_USERS, dtype=jnp.int32).astype(jnp.int64)
    item_input = jax.random.randint(ks[1], (BATCH,), 0, NUM_ITEMS, dtype=jnp.int32).astype(jnp.int64)
    gmf_user_table = jax.random.normal(ks[2], (NUM_USERS, EMBED), dtype=jnp.float32) * 0.05
    gmf_item_table = jax.random.normal(ks[3], (NUM_ITEMS, EMBED), dtype=jnp.float32) * 0.05
    mlp_user_table = jax.random.normal(ks[4], (NUM_USERS, EMBED), dtype=jnp.float32) * 0.05
    mlp_item_table = jax.random.normal(ks[5], (NUM_ITEMS, EMBED), dtype=jnp.float32) * 0.05
    dims = [EMBED * 2] + MLP_UNITS
    params = {}
    for i in range(len(MLP_UNITS)):
        params[f"W{i}"] = jax.random.normal(ks[6 + 2 * i], (dims[i], dims[i + 1]), dtype=jnp.float32) * (1.0 / np.sqrt(dims[i]))
        params[f"b{i}"] = jnp.zeros((dims[i + 1],), dtype=jnp.float32)
    concat_dim = EMBED + MLP_UNITS[-1]
    Wp = jax.random.normal(ks[15], (concat_dim, 1), dtype=jnp.float32) * (1.0 / np.sqrt(concat_dim))
    bp = jnp.zeros((1,), dtype=jnp.float32)
    return {
        "user_input": user_input,
        "item_input": item_input,
        "gmf_user_table": gmf_user_table,
        "gmf_item_table": gmf_item_table,
        "mlp_user_table": mlp_user_table,
        "mlp_item_table": mlp_item_table,
        "W0": params["W0"], "b0": params["b0"],
        "W1": params["W1"], "b1": params["b1"],
        "W2": params["W2"], "b2": params["b2"],
        "W3": params["W3"], "b3": params["b3"],
        "Wp": Wp, "bp": bp,
    }


def reference(user_input, item_input, gmf_user_table, gmf_item_table, mlp_user_table, mlp_item_table,
              W0, b0, W1, b1, W2, b2, W3, b3, Wp, bp):
    # GMF branch: elementwise product of embeddings
    gmf_user_embed = jnp.take(gmf_user_table, user_input, axis=0)
    gmf_item_embed = jnp.take(gmf_item_table, item_input, axis=0)
    gmf_output = gmf_user_embed * gmf_item_embed
    # MLP branch: concat embeddings then dense+relu stack
    mlp_user_embed = jnp.take(mlp_user_table, user_input, axis=0)
    mlp_item_embed = jnp.take(mlp_item_table, item_input, axis=0)
    mlp_output = jnp.concatenate([mlp_user_embed, mlp_item_embed], axis=-1)
    for W, b in ((W0, b0), (W1, b1), (W2, b2), (W3, b3)):
        mlp_output = jax.nn.relu(mlp_output @ W + b)
    concat_output = jnp.concatenate([ALPHA * gmf_output, (1.0 - ALPHA) * mlp_output], axis=-1)
    prediction = concat_output @ Wp + bp
    return prediction

if __name__ == "__main__":
    import jax
    _d = setup_inputs()
    print(jax.jit(kernel)(*tuple(_d.values())))

</pallas_src>

<mosaic_0001>
#map = affine_map<(d0, d1) -> (0, 0)>
module attributes {stable_mosaic.version = 14 : i64} {
  func.func @_sc_gather_body(%arg0: i32, %arg1: i32, %arg2: memref<32x512xi32, #tpu.memory_space<hbm>>, %arg3: memref<32x512xi32, #tpu.memory_space<hbm>>, %arg4: memref<16x1000000xf32, #tpu.memory_space<hbm>>, %arg5: memref<16x1000000xf32, #tpu.memory_space<hbm>>, %arg6: memref<16x1000000xf32, #tpu.memory_space<hbm>>, %arg7: memref<16x1000000xf32, #tpu.memory_space<hbm>>, %arg8: memref<16x16384xf32, #tpu.memory_space<hbm>>, %arg9: memref<16x16384xf32, #tpu.memory_space<hbm>>, %arg10: memref<16x16384xf32, #tpu.memory_space<hbm>>, %arg11: memref<16x16384xf32, #tpu.memory_space<hbm>>, %arg12: memref<528xi32, #tpu.memory_space<vmem>>, %arg13: memref<528xi32, #tpu.memory_space<vmem>>, %arg14: memref<8x16x128xf32, #tpu.memory_space<vmem>>, %arg15: memref<8x16x128xf32, #tpu.memory_space<vmem>>, %arg16: memref<8x16x128xf32, #tpu.memory_space<vmem>>, %arg17: memref<8x16x128xf32, #tpu.memory_space<vmem>>, %arg18: memref<16x512xf32, #tpu.memory_space<vmem>>, %arg19: memref<16x512xf32, #tpu.memory_space<vmem>>, %arg20: memref<16x512xf32, #tpu.memory_space<vmem>>, %arg21: memref<16x512xf32, #tpu.memory_space<vmem>>, %arg22: memref<!tpu.dma_semaphore, #tpu.memory_space<semaphore_mem>>, %arg23: memref<!tpu.dma_semaphore, #tpu.memory_space<semaphore_mem>>, %arg24: memref<!tpu.dma_semaphore, #tpu.memory_space<semaphore_mem>>, %arg25: memref<!tpu.dma_semaphore, #tpu.memory_space<semaphore_mem>>, %arg26: memref<!tpu.dma_semaphore, #tpu.memory_space<semaphore_mem>>, %arg27: memref<!tpu.dma_semaphore, #tpu.memory_space<semaphore_mem>>, %arg28: memref<!tpu.dma_semaphore, #tpu.memory_space<semaphore_mem>>, %arg29: memref<!tpu.dma_semaphore, #tpu.memory_space<semaphore_mem>>) attributes {dimension_semantics = [#tpu.dimension_semantics<core_parallel>, #tpu.dimension_semantics<subcore_parallel>], iteration_bounds = array<i64: 2, 16>, scalar_prefetch = 0 : i64, scratch_operands = 18 : i64, tpu.core_type = #tpu.core_type<sc_vector_subcore>, window_params = [{transform_indices = #map}, {transform_indices = #map}, {transform_indices = #map}, {transform_indices = #map}, {transform_indices = #map}, {transform_indices = #map}, {transform_indices = #map}, {transform_indices = #map}, {transform_indices = #map}, {transform_indices = #map}]} {
    %mul3A = arith.constant 2 : i32
    %mul3A_0 = arith.muli %arg1, %mul3A : i32
    %add3A = arith.addi %mul3A_0, %arg0 : i32
    %mul3A_1 = arith.constant 512 : i32
    %mul3A_2 = arith.muli %add3A, %mul3A_1 : i32
    "tpu.region"() ({
      %run_scoped3A = tpu.sem_alloc : memref<!tpu.dma_semaphore, #tpu.memory_space<semaphore_mem>>
      %dma_start3A_277 = arith.constant 0 : i32
      %dma_start3A_278 = tpu.memref_slice %arg12[%dma_start3A_277] : memref<528xi32, #tpu.memory_space<vmem>> -> memref<512xi32, #tpu.memory_space<vmem>>
      %dma_start3A_279 = arith.constant 0 : i32
      %dma_start3A_280 = tpu.memref_slice %arg2[%add3A, %dma_start3A_279] : memref<32x512xi32, #tpu.memory_space<hbm>> -> memref<1x512xi32, #tpu.memory_space<hbm>>
      %dma_start3A_281 = tpu.memref_squeeze %dma_start3A_280 : memref<1x512xi32, #tpu.memory_space<hbm>> -> memref<512xi32, #tpu.memory_space<hbm>>
      %dma_start3A_282 = arith.constant 0 : i32
      %dma_start3A_283 = tpu.memref_slice %arg12[%dma_start3A_282] : memref<528xi32, #tpu.memory_space<vmem>> -> memref<512xi32, #tpu.memory_space<vmem>>
      %dma_start3A_284 = arith.constant 0 : i32
      %dma_start3A_285 = tpu.memref_slice %arg2[%add3A, %dma_start3A_284] : memref<32x512xi32, #tpu.memory_space<hbm>> -> memref<1x512xi32, #tpu.memory_space<hbm>>
      %dma_start3A_286 = tpu.memref_squeeze %dma_start3A_285 : memref<1x512xi32, #tpu.memory_space<hbm>> -> memref<512xi32, #tpu.memory_space<hbm>>
      tpu.enqueue_dma source(%dma_start3A_286 : memref<512xi32, #tpu.memory_space<hbm>>) target(%dma_start3A_283 : memref<512xi32, #tpu.memory_space<vmem>>) target_semaphore(%run_scoped3A : memref<!tpu.dma_semaphore, #tpu.memory_space<semaphore_mem>>)
      %dma_wait3A = arith.constant 0 : i32
      %dma_wait3A_287 = tpu.memref_slice %arg12[%dma_wait3A] : memref<528xi32, #tpu.memory_space<vmem>> -> memref<512xi32, #tpu.memory_space<vmem>>
      %dma_wait3A_288 = arith.constant 0 : i32
      %dma_wait3A_289 = tpu.memref_slice %arg2[%add3A, %dma_wait3A_288] : memref<32x512xi32, #tpu.memory_space<hbm>> -> memref<1x512xi32, #tpu.memory_space<hbm>>
      %dma_wait3A_290 = tpu.memref_squeeze %dma_wait3A_289 : memref<1x512xi32, #tpu.memory_space<hbm>> -> memref<512xi32, #tpu.memory_space<hbm>>
      %dma_wait3A_291 = arith.constant 0 : i32
      %dma_wait3A_292 = tpu.memref_slice %arg12[%dma_wait3A_291] : memref<528xi32, #tpu.memory_space<vmem>> -> memref<512xi32, #tpu.memory_space<vmem>>
      %dma_wait3A_293 = arith.constant 0 : i32
      %dma_wait3A_294 = tpu.memref_slice %arg2[%add3A, %dma_wait3A_293] : memref<32x512xi32, #tpu.memory_space<hbm>> -> memref<1x512xi32, #tpu.memory_space<hbm>>
      %dma_wait3A_295 = tpu.memref_squeeze %dma_wait3A_294 : memref<1x512xi32, #tpu.memory_space<hbm>> -> memref<512xi32, #tpu.memory_space<hbm>>
      tpu.wait_dma2 semaphore(%run_scoped3A : memref<!tpu.dma_semaphore, #tpu.memory_space<semaphore_mem>>) src(%dma_wait3A_295 : memref<512xi32, #tpu.memory_space<hbm>>) dst(%dma_wait3A_292 : memref<512xi32, #tpu.memory_space<vmem>>)
      tpu.yield
    }) : () -> ()
    "tpu.region"() ({
      %run_scoped3A = tpu.sem_alloc : memref<!tpu.dma_semaphore, #tpu.memory_space<semaphore_mem>>
      %dma_start3A_277 = arith.constant 0 : i32
      %dma_start3A_278 = tpu.memref_slice %arg13[%dma_start3A_277] : memref<528xi32, #tpu.memory_space<vmem>> -> memref<512xi32, #tpu.memory_space<vmem>>
      %dma_start3A_279 = arith.constant 0 : i32
      %dma_start3A_280 = tpu.memref_slice %arg3[%add3A, %dma_start3A_279] : memref<32x512xi32, #tpu.memory_space<hbm>> -> memref<1x512xi32, #tpu.memory_space<hbm>>
      %dma_start3A_281 = tpu.memref_squeeze %dma_start3A_280 : memref<1x512xi32, #tpu.memory_space<hbm>> -> memref<512xi32, #tpu.memory_space<hbm>>
      %dma_start3A_282 = arith.constant 0 : i32
      %dma_start3A_283 = tpu.memref_slice %arg13[%dma_start3A_282] : memref<528xi32, #tpu.memory_space<vmem>> -> memref<512xi32, #tpu.memory_space<vmem>>
      %dma_start3A_284 = arith.constant 0 : i32
      %dma_start3A_285 = tpu.memref_slice %arg3[%add3A, %dma_start3A_284] : memref<32x512xi32, #tpu.memory_space<hbm>> -> memref<1x512xi32, #tpu.memory_space<hbm>>
      %dma_start3A_286 = tpu.memref_squeeze %dma_start3A_285 : memref<1x512xi32, #tpu.memory_space<hbm>> -> memref<512xi32, #tpu.memory_space<hbm>>
      tpu.enqueue_dma source(%dma_start3A_286 : memref<512xi32, #tpu.memory_space<hbm>>) target(%dma_start3A_283 : memref<512xi32, #tpu.memory_space<vmem>>) target_semaphore(%run_scoped3A : memref<!tpu.dma_semaphore, #tpu.memory_space<semaphore_mem>>)
      %dma_wait3A = arith.constant 0 : i32
      %dma_wait3A_287 = tpu.memref_slice %arg13[%dma_wait3A] : memref<528xi32, #tpu.memory_space<vmem>> -> memref<512xi32, #tpu.memory_space<vmem>>
      %dma_wait3A_288 = arith.constant 0 : i32
      %dma_wait3A_289 = tpu.memref_slice %arg3[%add3A, %dma_wait3A_288] : memref<32x512xi32, #tpu.memory_space<hbm>> -> memref<1x512xi32, #tpu.memory_space<hbm>>
      %dma_wait3A_290 = tpu.memref_squeeze %dma_wait3A_289 : memref<1x512xi32, #tpu.memory_space<hbm>> -> memref<512xi32, #tpu.memory_space<hbm>>
      %dma_wait3A_291 = arith.constant 0 : i32
      %dma_wait3A_292 = tpu.memref_slice %arg13[%dma_wait3A_291] : memref<528xi32, #tpu.memory_space<vmem>> -> memref<512xi32, #tpu.memory_space<vmem>>
      %dma_wait3A_293 = arith.constant 0 : i32
      %dma_wait3A_294 = tpu.memref_slice %arg3[%add3A, %dma_wait3A_293] : memref<32x512xi32, #tpu.memory_space<hbm>> -> memref<1x512xi32, #tpu.memory_space<hbm>>
      %dma_wait3A_295 = tpu.memref_squeeze %dma_wait3A_294 : memref<1x512xi32, #tpu.memory_space<hbm>> -> memref<512xi32, #tpu.memory_space<hbm>>
      tpu.wait_dma2 semaphore(%run_scoped3A : memref<!tpu.dma_semaphore, #tpu.memory_space<semaphore_mem>>) src(%dma_wait3A_295 : memref<512xi32, #tpu.memory_space<hbm>>) dst(%dma_wait3A_292 : memref<512xi32, #tpu.memory_space<vmem>>)
      tpu.yield
    }) : () -> ()
    %iota3A = tpu.iota {dimensions = array<i32: 0>} : vector<16xi32>
    %get3A = arith.constant 0 : index
    %get3A_3 = tpu.vector_load %arg12[%get3A] {strides = array<i32>} : memref<528xi32, #tpu.memory_space<vmem>>, vector<16xi32>,
    %get3A_4 = arith.constant 0 : index
    %get3A_5 = tpu.vector_load %arg13[%get3A_4] {strides = array<i32>} : memref<528xi32, #tpu.memory_space<vmem>>, vector<16xi32>,
    %slice3A = vector.extract_strided_slice %get3A_3 {offsets = [0], sizes = [1], strides = [1]} : vector<16xi32> to vector<1xi32>
    %squeeze3A = vector.extract %slice3A[0] : i32 from vector<1xi32>
    %slice3A_6 = vector.extract_strided_slice %get3A_5 {offsets = [0], sizes = [1], strides = [1]} : vector<16xi32> to vector<1xi32>
    %squeeze3A_7 = vector.extract %slice3A_6[0] : i32 from vector<1xi32>
    %and3A = arith.constant -128 : i32
    %and3A_8 = arith.andi %squeeze3A, %and3A : i32
    %multiple_of3A = tpu.assume_multiple %and3A_8, 128 : i32
    %dma_start3A = arith.constant 0 : i32
    %dma_start3A_9 = arith.constant 0 : i32
    %dma_start3A_10 = arith.constant 0 : i32
    %dma_start3A_11 = tpu.memref_slice %arg14[%dma_start3A, %dma_start3A_9, %dma_start3A_10] : memref<8x16x128xf32, #tpu.memory_space<vmem>> -> memref<1x16x128xf32, #tpu.memory_space<vmem>>
    %dma_start3A_12 = tpu.memref_squeeze %dma_start3A_11 : memref<1x16x128xf32, #tpu.memory_space<vmem>> -> memref<16x128xf32, #tpu.memory_space<vmem>>
    %dma_start3A_13 = arith.constant 0 : i32
    %dma_start3A_14 = tpu.memref_slice %arg4[%dma_start3A_13, %multiple_of3A] : memref<16x1000000xf32, #tpu.memory_space<hbm>> -> memref<16x128xf32, #tpu.memory_space<hbm>>
    %dma_start3A_15 = arith.constant 0 : i32
    %dma_start3A_16 = arith.constant 0 : i32
    %dma_start3A_17 = tpu.memref_slice %arg14[%dma_start3A, %dma_start3A_15, %dma_start3A_16] : memref<8x16x128xf32, #tpu.memory_space<vmem>> -> memref<1x16x128xf32, #tpu.memory_space<vmem>>
    %dma_start3A_18 = tpu.memref_squeeze %dma_start3A_17 : memref<1x16x128xf32, #tpu.memory_space<vmem>> -> memref<16x128xf32, #tpu.memory_space<vmem>>
    %dma_start3A_19 = arith.constant 0 : i32
    %dma_start3A_20 = tpu.memref_slice %arg4[%dma_start3A_19, %multiple_of3A] : memref<16x1000000xf32, #tpu.memory_space<hbm>> -> memref<16x128xf32, #tpu.memory_space<hbm>>
    tpu.enqueue_dma source(%dma_start3A_20 : memref<16x128xf32, #tpu.memory_space<hbm>>) target(%dma_start3A_18 : memref<16x128xf32, #tpu.memory_space<vmem>>) target_semaphore(%arg22 : memref<!tpu.dma_semaphore, #tpu.memory_space<semaphore_mem>>)
    %and3A_21 = arith.constant -128 : i32
    %and3A_22 = arith.andi %squeeze3A_7, %and3A_21 : i32
    %multiple_of3A_23 = tpu.assume_multiple %and3A_22, 128 : i32
    %dma_start3A_24 = arith.constant 0 : i32
    %dma_start3A_25 = arith.constant 0 : i32
    %dma_start3A_26 = arith.constant 0 : i32
    %dma_start3A_27 = tpu.memref_slice %arg15[%dma_start3A_24, %dma_start3A_25, %dma_start3A_26] : memref<8x16x128xf32, #tpu.memory_space<vmem>> -> memref<1x16x128xf32, #tpu.memory_space<vmem>>
    %dma_start3A_28 = tpu.memref_squeeze %dma_start3A_27 : memref<1x16x128xf32, #tpu.memory_space<vmem>> -> memref<16x128xf32, #tpu.memory_space<vmem>>
    %dma_start3A_29 = arith.constant 0 : i32
    %dma_start3A_30 = tpu.memref_slice %arg5[%dma_start3A_29, %multiple_of3A_23] : memref<16x1000000xf32, #tpu.memory_space<hbm>> -> memref<16x128xf32, #tpu.memory_space<hbm>>
    %dma_start3A_31 = arith.constant 0 : i32
    %dma_start3A_32 = arith.constant 0 : i32
    %dma_start3A_33 = tpu.memref_slice %arg15[%dma_start3A_24, %dma_start3A_31, %dma_start3A_32] : memref<8x16x128xf32, #tpu.memory_space<vmem>> -> memref<1x16x128xf32, #tpu.memory_space<vmem>>
    %dma_start3A_34 = tpu.memref_squeeze %dma_start3A_33 : memref<1x16x128xf32, #tpu.memory_space<vmem>> -> memref<16x128xf32, #tpu.memory_space<vmem>>
    %dma_start3A_35 = arith.constant 0 : i32
    %dma_start3A_36 = tpu.memref_slice %arg5[%dma_start3A_35, %multiple_of3A_23] : memref<16x1000000xf32, #tpu.memory_space<hbm>> -> memref<16x128xf32, #tpu.memory_space<hbm>>
    tpu.enqueue_dma source(%dma_start3A_36 : memref<16x128xf32, #tpu.memory_space<hbm>>) target(%dma_start3A_34 : memref<16x128xf32, #tpu.memory_space<vmem>>) target_semaphore(%arg24 : memref<!tpu.dma_semaphore, #tpu.memory_space<semaphore_mem>>)
    %and3A_37 = arith.constant -128 : i32
    %and3A_38 = arith.andi %squeeze3A, %and3A_37 : i32
    %multiple_of3A_39 = tpu.assume_multiple %and3A_38, 128 : i32
    %dma_start3A_40 = arith.constant 0 : i32
    %dma_start3A_41 = arith.constant 0 : i32
    %dma_start3A_42 = arith.constant 0 : i32
    %dma_start3A_43 = tpu.memref_slice %arg16[%dma_start3A_40, %dma_start3A_41, %dma_start3A_42] : memref<8x16x128xf32, #tpu.memory_space<vmem>> -> memref<1x16x128xf32, #tpu.memory_space<vmem>>
    %dma_start3A_44 = tpu.memref_squeeze %dma_start3A_43 : memref<1x16x128xf32, #tpu.memory_space<vmem>> -> memref<16x128xf32, #tpu.memory_space<vmem>>
    %dma_start3A_45 = arith.constant 0 : i32
    %dma_start3A_46 = tpu.memref_slice %arg6[%dma_start3A_45, %multiple_of3A_39] : memref<16x1000000xf32, #tpu.memory_space<hbm>> -> memref<16x128xf32, #tpu.memory_space<hbm>>
    %dma_start3A_47 = arith.constant 0 : i32
    %dma_start3A_48 = arith.constant 0 : i32
    %dma_start3A_49 = tpu.memref_slice %arg16[%dma_start3A_40, %dma_start3A_47, %dma_start3A_48] : memref<8x16x128xf32, #tpu.memory_space<vmem>> -> memref<1x16x128xf32, #tpu.memory_space<vmem>>
    %dma_start3A_50 = tpu.memref_squeeze %dma_start3A_49 : memref<1x16x128xf32, #tpu.memory_space<vmem>> -> memref<16x128xf32, #tpu.memory_space<vmem>>
    %dma_start3A_51 = arith.constant 0 : i32
    %dma_start3A_52 = tpu.memref_slice %arg6[%dma_start3A_51, %multiple_of3A_39] : memref<16x1000000xf32, #tpu.memory_space<hbm>> -> memref<16x128xf32, #tpu.memory_space<hbm>>
    tpu.enqueue_dma source(%dma_start3A_52 : memref<16x128xf32, #tpu.memory_space<hbm>>) target(%dma_start3A_50 : memref<16x128xf32, #tpu.memory_space<vmem>>) target_semaphore(%arg26 : memref<!tpu.dma_semaphore, #tpu.memory_space<semaphore_mem>>)
    %and3A_53 = arith.constant -128 : i32
    %and3A_54 = arith.andi %squeeze3A_7, %and3A_53 : i32
    %multiple_of3A_55 = tpu.assume_multiple %and3A_54, 128 : i32
    %dma_start3A_56 = arith.constant 0 : i32
    %dma_start3A_57 = arith.constant 0 : i32
    %dma_start3A_58 = arith.constant 0 : i32
    %dma_start3A_59 = tpu.memref_slice %arg17[%dma_start3A_56, %dma_start3A_57, %dma_start3A_58] : memref<8x16x128xf32, #tpu.memory_space<vmem>> -> memref<1x16x128xf32, #tpu.memory_space<vmem>>
    %dma_start3A_60 = tpu.memref_squeeze %dma_start3A_59 : memref<1x16x128xf32, #tpu.memory_space<vmem>> -> memref<16x128xf32, #tpu.memory_space<vmem>>
    %dma_start3A_61 = arith.constant 0 : i32
    %dma_start3A_62 = tpu.memref_slice %arg7[%dma_start3A_61, %multiple_of3A_55] : memref<16x1000000xf32, #tpu.memory_space<hbm>> -> memref<16x128xf32, #tpu.memory_space<hbm>>
    %dma_start3A_63 = arith.constant 0 : i32
    %dma_start3A_64 = arith.constant 0 : i32
    %dma_start3A_65 = tpu.memref_slice %arg17[%dma_start3A_56, %dma_start3A_63, %dma_start3A_64] : memref<8x16x128xf32, #tpu.memory_space<vmem>> -> memref<1x16x128xf32, #tpu.memory_space<vmem>>
    %dma_start3A_66 = tpu.memref_squeeze %dma_start3A_65 : memref<1x16x128xf32, #tpu.memory_space<vmem>> -> memref<16x128xf32, #tpu.memory_space<vmem>>
    %dma_start3A_67 = arith.constant 0 : i32
    %dma_start3A_68 = tpu.memref_slice %arg7[%dma_start3A_67, %multiple_of3A_55] : memref<16x1000000xf32, #tpu.memory_space<hbm>> -> memref<16x128xf32, #tpu.memory_space<hbm>>
    tpu.enqueue_dma source(%dma_start3A_68 : memref<16x128xf32, #tpu.memory_space<hbm>>) target(%dma_start3A_66 : memref<16x128xf32, #tpu.memory_space<vmem>>) target_semaphore(%arg28 : memref<!tpu.dma_semaphore, #tpu.memory_space<semaphore_mem>>)
    %slice3A_69 = vector.extract_strided_slice %get3A_3 {offsets = [1], sizes = [1], strides = [1]} : vector<16xi32> to vector<1xi32>
    %squeeze3A_70 = vector.extract %slice3A_69[0] : i32 from vector<1xi32>
    %slice3A_71 = vector.extract_strided_slice %get3A_5 {offsets = [1], sizes = [1], strides = [1]} : vector<16xi32> to vector<1xi32>
    %squeeze3A_72 = vector.extract %slice3A_71[0] : i32 from vector<1xi32>
    %and3A_73 = arith.constant -128 : i32
    %and3A_74 = arith.andi %squeeze3A_70, %and3A_73 : i32
    %multiple_of3A_75 = tpu.assume_multiple %and3A_74, 128 : i32
    %dma_start3A_76 = arith.constant 1 : i32
    %dma_start3A_77 = arith.constant 0 : i32
    %dma_start3A_78 = arith.constant 0 : i32
    %dma_start3A_79 = tpu.memref_slice %arg14[%dma_start3A_76, %dma_start3A_77, %dma_start3A_78] : memref<8x16x128xf32, #tpu.memory_space<vmem>> -> memref<1x16x128xf32, #tpu.memory_space<vmem>>
    %dma_start3A_80 = tpu.memref_squeeze %dma_start3A_79 : memref<1x16x128xf32, #tpu.memory_space<vmem>> -> memref<16x128xf32, #tpu.memory_space<vmem>>
    %dma_start3A_81 = arith.constant 0 : i32
    %dma_start3A_82 = tpu.memref_slice %arg4[%dma_start3A_81, %multiple_of3A_75] : memref<16x1000000xf32, #tpu.memory_space<hbm>> -> memref<16x128xf32, #tpu.memory_space<hbm>>
    %dma_start3A_83 = arith.constant 0 : i32
    %dma_start3A_84 = arith.constant 0 : i32
    %dma_start3A_85 = tpu.memref_slice %arg14[%dma_start3A_76, %dma_start3A_83, %dma_start3A_84] : memref<8x16x128xf32, #tpu.memory_space<vmem>> -> memref<1x16x128xf32, #tpu.memory_space<vmem>>
    %dma_start3A_86 = tpu.memref_squeeze %dma_start3A_85 : memref<1x16x128xf32, #tpu.memory_space<vmem>> -> memref<16x128xf32, #tpu.memory_space<vmem>>
    %dma_start3A_87 = arith.constant 0 : i32
    %dma_start3A_88 = tpu.memref_slice %arg4[%dma_start3A_87, %multiple_of3A_75] : memref<16x1000000xf32, #tpu.memory_space<hbm>> -> memref<16x128xf32, #tpu.memory_space<hbm>>
    tpu.enqueue_dma source(%dma_start3A_88 : memref<16x128xf32, #tpu.memory_space<hbm>>) target(%dma_start3A_86 : memref<16x128xf32, #tpu.memory_space<vmem>>) target_semaphore(%arg22 : memref<!tpu.dma_semaphore, #tpu.memory_space<semaphore_mem>>)
    %and3A_89 = arith.constant -128 : i32
    %and3A_90 = arith.andi %squeeze3A_72, %and3A_89 : i32
    %multiple_of3A_91 = tpu.assume_multiple %and3A_90, 128 : i32
    %dma_start3A_92 = arith.constant 1 : i32
    %dma_start3A_93 = arith.constant 0 : i32
    %dma_start3A_94 = arith.constant 0 : i32
    %dma_start3A_95 = tpu.memref_slice %arg15[%dma_start3A_92, %dma_start3A_93, %dma_start3A_94] : memref<8x16x128xf32, #tpu.memory_space<vmem>> -> memref<1x16x128xf32, #tpu.memory_space<vmem>>
    %dma_start3A_96 = tpu.memref_squeeze %dma_start3A_95 : memref<1x16x128xf32, #tpu.memory_space<vmem>> -> memref<16x128xf32, #tpu.memory_space<vmem>>
    %dma_start3A_97 = arith.constant 0 : i32
    %dma_start3A_98 = tpu.memref_slice %arg5[%dma_start3A_97, %multiple_of3A_91] : memref<16x1000000xf32, #tpu.memory_space<hbm>> -> memref<16x128xf32, #tpu.memory_space<hbm>>
    %dma_start3A_99 = arith.constant 0 : i32
    %dma_start3A_100 = arith.constant 0 : i32
    %dma_start3A_101 = tpu.memref_slice %arg15[%dma_start3A_92, %dma_start3A_99, %dma_start3A_100] : memref<8x16x128xf32, #tpu.memory_space<vmem>> -> memref<1x16x128xf32, #tpu.memory_space<vmem>>
    %dma_start3A_102 = tpu.memref_squeeze %dma_start3A_101 : memref<1x16x128xf32, #tpu.memory_space<vmem>> -> memref<16x128xf32, #tpu.memory_space<vmem>>
    %dma_start3A_103 = arith.constant 0 : i32
    %dma_start3A_104 = tpu.memref_slice %arg5[%dma_start3A_103, %multiple_of3A_91] : memref<16x1000000xf32, #tpu.memory_space<hbm>> -> memref<16x128xf32, #tpu.memory_space<hbm>>
    tpu.enqueue_dma source(%dma_start3A_104 : memref<16x128xf32, #tpu.memory_space<hbm>>) target(%dma_start3A_102 : memref<16x128xf32, #tpu.memory_space<vmem>>) target_semaphore(%arg24 : memref<!tpu.dma_semaphore, #tpu.memory_space<semaphore_mem>>)
    %and3A_105 = arith.constant -128 : i32
    %and3A_106 = arith.andi %squeeze3A_70, %and3A_105 : i32
    %multiple_of3A_107 = tpu.assume_multiple %and3A_106, 128 : i32
    %dma_start3A_108 = arith.constant 1 : i32
    %dma_start3A_109 = arith.constant 0 : i32
    %dma_start3A_110 = arith.constant 0 : i32
    %dma_start3A_111 = tpu.memref_slice %arg16[%dma_start3A_108, %dma_start3A_109, %dma_start3A_110] : memref<8x16x128xf32, #tpu.memory_space<vmem>> -> memref<1x16x128xf32, #tpu.memory_space<vmem>>
    %dma_start3A_112 = tpu.memref_squeeze %dma_start3A_111 : memref<1x16x128xf32, #tpu.memory_space<vmem>> -> memref<16x128xf32, #tpu.memory_space<vmem>>
    %dma_start3A_113 = arith.constant 0 : i32
    %dma_start3A_114 = tpu.memref_slice %arg6[%dma_start3A_113, %multiple_of3A_107] : memref<16x1000000xf32, #tpu.memory_space<hbm>> -> memref<16x128xf32, #tpu.memory_space<hbm>>
    %dma_start3A_115 = arith.constant 0 : i32
    %dma_start3A_116 = arith.constant 0 : i32
    %dma_start3A_117 = tpu.memref_slice %arg16[%dma_start3A_108, %dma_start3A_115, %dma_start3A_116] : memref<8x16x128xf32, #tpu.memory_space<vmem>> -> memref<1x16x128xf32, #tpu.memory_space<vmem>>
    %dma_start3A_118 = tpu.memref_squeeze %dma_start3A_117 : memref<1x16x128xf32, #tpu.memory_space<vmem>> -> memref<16x128xf32, #tpu.memory_space<vmem>>
    %dma_start3A_119 = arith.constant 0 : i32
    %dma_start3A_120 = tpu.memref_slice %arg6[%dma_start3A_119, %multiple_of3A_107] : memref<16x1000000xf32, #tpu.memory_space<hbm>> -> memref<16x128xf32, #tpu.memory_space<hbm>>
    tpu.enqueue_dma source(%dma_start3A_120 : memref<16x128xf32, #tpu.memory_space<hbm>>) target(%dma_start3A_118 : memref<16x128xf32, #tpu.memory_space<vmem>>) target_semaphore(%arg26 : memref<!tpu.dma_semaphore, #tpu.memory_space<semaphore_mem>>)
    %and3A_121 = arith.constant -128 : i32
    %and3A_122 = arith.andi %squeeze3A_72, %and3A_121 : i32
    %multiple_of3A_123 = tpu.assume_multiple %and3A_122, 128 : i32
    %dma_start3A_124 = arith.constant 1 : i32
    %dma_start3A_125 = arith.constant 0 : i32
    %dma_start3A_126 = arith.constant 0 : i32
    %dma_start3A_127 = tpu.memref_slice %arg17[%dma_start3A_124, %dma_start3A_125, %dma_start3A_126] : memref<8x16x128xf32, #tpu.memory_space<vmem>> -> memref<1x16x128xf32, #tpu.memory_space<vmem>>
    %dma_start3A_128 = tpu.memref_squeeze %dma_start3A_127 : memref<1x16x128xf32, #tpu.memory_space<vmem>> -> memref<16x128xf32, #tpu.memory_space<vmem>>
    %dma_start3A_129 = arith.constant 0 : i32
    %dma_start3A_130 = tpu.memref_slice %arg7[%dma_start3A_129, %multiple_of3A_123] : memref<16x1000000xf32, #tpu.memory_space<hbm>> -> memref<16x128xf32, #tpu.memory_space<hbm>>
    %dma_start3A_131 = arith.constant 0 : i32
    %dma_start3A_132 = arith.constant 0 : i32
    %dma_start3A_133 = tpu.memref_slice %arg17[%dma_start3A_124, %dma_start3A_131, %dma_start3A_132] : memref<8x16x128xf32, #tpu.memory_space<vmem>> -> memref<1x16x128xf32, #tpu.memory_space<vmem>>
    %dma_start3A_134 = tpu.memref_squeeze %dma_start3A_133 : memref<1x16x128xf32, #tpu.memory_space<vmem>> -> memref<16x128xf32, #tpu.memory_space<vmem>>
    %dma_start3A_135 = arith.constant 0 : i32
    %dma_start3A_136 = tpu.memref_slice %arg7[%dma_start3A_135, %multiple_of3A_123] : memref<16x1000000xf32, #tpu.memory_space<hbm>> -> memref<16x128xf32, #tpu.memory_space<hbm>>
    tpu.enqueue_dma source(%dma_start3A_136 : memref<16x128xf32, #tpu.memory_space<hbm>>) target(%dma_start3A_134 : memref<16x128xf32, #tpu.memory_space<vmem>>) target_semaphore(%arg28 : memref<!tpu.dma_semaphore, #tpu.memory_space<semaphore_mem>>)
    %slice3A_137 = vector.extract_strided_slice %get3A_3 {offsets = [2], sizes = [1], strides = [1]} : vector<16xi32> to vector<1xi32>
    %squeeze3A_138 = vector.extract %slice3A_137[0] : i32 from vector<1xi32>
    %slice3A_139 = vector.extract_strided_slice %get3A_5 {offsets = [2], sizes = [1], strides = [1]} : vector<16xi32> to vector<1xi32>
    %squeeze3A_140 = vector.extract %slice3A_139[0] : i32 from vector<1xi32>
    %and3A_141 = arith.constant -128 : i32
    %and3A_142 = arith.andi %squeeze3A_138, %and3A_141 : i32
    %multiple_of3A_143 = tpu.assume_multiple %and3A_142, 128 : i32
    %dma_start3A_144 = arith.constant 2 : i32
    %dma_start3A_145 = arith.constant 0 : i32
    %dma_start3A_146 = arith.constant 0 : i32
    %dma_start3A_147 = tpu.memref_slice %arg14[%dma_start3A_144, %dma_start3A_145, %dma_start3A_146] : memref<8x16x128xf32, #tpu.memory_space<vmem>> -> memref<1x16x128xf32, #tpu.memory_space<vmem>>
    %dma_start3A_148 = tpu.memref_squeeze %dma_start3A_147 : memref<1x16x128xf32, #tpu.memory_space<vmem>> -> memref<16x128xf32, #tpu.memory_space<vmem>>
    %dma_start3A_149 = arith.constant 0 : i32
    %dma_start3A_150 = tpu.memref_slice %arg4[%dma_start3A_149, %multiple_of3A_143] : memref<16x1000000xf32, #tpu.memory_space<hbm>> -> memref<16x128xf32, #tpu.memory_space<hbm>>
    %dma_start3A_151 = arith.constant 0 : i32
    %dma_start3A_152 = arith.constant 0 : i32
    %dma_start3A_153 = tpu.memref_slice %arg14[%dma_start3A_144, %dma_start3A_151, %dma_start3A_152] : memref<8x16x128xf32, #tpu.memory_space<vmem>> -> memref<1x16x128xf32, #tpu.memory_space<vmem>>
    %dma_start3A_154 = tpu.memref_squeeze %dma_start3A_153 : memref<1x16x128xf32, #tpu.memory_space<vmem>> -> memref<16x128xf32, #tpu.memory_space<vmem>>
    %dma_start3A_155 = arith.constant 0 : i32
    %dma_start3A_156 = tpu.memref_slice %arg4[%dma_start3A_155, %multiple_of3A_143] : memref<16x1000000xf32, #tpu.memory_space<hbm>> -> memref<16x128xf32, #tpu.memory_space<hbm>>
    tpu.enqueue_dma source(%dma_start3A_156 : memref<16x128xf32, #tpu.memory_space<hbm>>) target(%dma_start3A_154 : memref<16x128xf32, #tpu.memory_space<vmem>>) target_semaphore(%arg22 : memref<!tpu.dma_semaphore, #tpu.memory_space<semaphore_mem>>)
    %and3A_157 = arith.constant -128 : i32
    %and3A_158 = arith.andi %squeeze3A_140, %and3A_157 : i32
    %multiple_of3A_159 = tpu.assume_multiple %and3A_158, 128 : i32
    %dma_start3A_160 = arith.constant 2 : i32
    %dma_start3A_161 = arith.constant 0 : i32
    %dma_start3A_162 = arith.constant 0 : i32
    %dma_start3A_163 = tpu.memref_slice %arg15[%dma_start3A_160, %dma_start3A_161, %dma_start3A_162] : memref<8x16x128xf32, #tpu.memory_space<vmem>> -> memref<1x16x128xf32, #tpu.memory_space<vmem>>
    %dma_start3A_164 = tpu.memref_squeeze %dma_start3A_163 : memref<1x16x128xf32, #tpu.memory_space<vmem>> -> memref<16x128xf32, #tpu.memory_space<vmem>>
    %dma_start3A_165 = arith.constant 0 : i32
    %dma_start3A_166 = tpu.memref_slice %arg5[%dma_start3A_165, %multiple_of3A_159] : memref<16x1000000xf32, #tpu.memory_space<hbm>> -> memref<16x128xf32, #tpu.memory_space<hbm>>
    %dma_start3A_167 = arith.constant 0 : i32
    %dma_start3A_168 = arith.constant 0 : i32
    %dma_start3A_169 = tpu.memref_slice %arg15[%dma_start3A_160, %dma_start3A_167, %dma_start3A_168] : memref<8x16x128xf32, #tpu.memory_space<vmem>> -> memref<1x16x128xf32, #tpu.memory_space<vmem>>
    %dma_start3A_170 = tpu.memref_squeeze %dma_start3A_169 : memref<1x16x128xf32, #tpu.memory_space<vmem>> -> memref<16x128xf32, #tpu.memory_space<vmem>>
    %dma_start3A_171 = arith.constant 0 : i32
    %dma_start3A_172 = tpu.memref_slice %arg5[%dma_start3A_171, %multiple_of3A_159] : memref<16x1000000xf32, #tpu.memory_space<hbm>> -> memref<16x128xf32, #tpu.memory_space<hbm>>
    tpu.enqueue_dma source(%dma_start3A_172 : memref<16x128xf32, #tpu.memory_space<hbm>>) target(%dma_start3A_170 : memref<16x128xf32, #tpu.memory_space<vmem>>) target_semaphore(%arg24 : memref<!tpu.dma_semaphore, #tpu.memory_space<semaphore_mem>>)
    %and3A_173 = arith.constant -128 : i32
    %and3A_174 = arith.andi %squeeze3A_138, %and3A_173 : i32
    %multiple_of3A_175 = tpu.assume_multiple %and3A_174, 128 : i32
    %dma_start3A_176 = arith.constant 2 : i32
    %dma_start3A_177 = arith.constant 0 : i32
    %dma_start3A_178 = arith.constant 0 : i32
    %dma_start3A_179 = tpu.memref_slice %arg16[%dma_start3A_176, %dma_start3A_177, %dma_start3A_178] : memref<8x16x128xf32, #tpu.memory_space<vmem>> -> memref<1x16x128xf32, #tpu.memory_space<vmem>>
    %dma_start3A_180 = tpu.memref_squeeze %dma_start3A_179 : memref<1x16x128xf32, #tpu.memory_space<vmem>> -> memref<16x128xf32, #tpu.memory_space<vmem>>
    %dma_start3A_181 = arith.constant 0 : i32
    %dma_start3A_182 = tpu.memref_slice %arg6[%dma_start3A_181, %multiple_of3A_175] : memref<16x1000000xf32, #tpu.memory_space<hbm>> -> memref<16x128xf32, #tpu.memory_space<hbm>>
    %dma_start3A_183 = arith.constant 0 : i32
    %dma_start3A_184 = arith.constant 0 : i32
    %dma_start3A_185 = tpu.memref_slice %arg16[%dma_start3A_176, %dma_start3A_183, %dma_start3A_184] : memref<8x16x128xf32, #tpu.memory_space<vmem>> -> memref<1x16x128xf32, #tpu.memory_space<vmem>>
    %dma_start3A_186 = tpu.memref_squeeze %dma_start3A_185 : memref<1x16x128xf32, #tpu.memory_space<vmem>> -> memref<16x128xf32, #tpu.memory_space<vmem>>
    %dma_start3A_187 = arith.constant 0 : i32
    %dma_start3A_188 = tpu.memref_slice %arg6[%dma_start3A_187, %multiple_of3A_175] : memref<16x1000000xf32, #tpu.memory_space<hbm>> -> memref<16x128xf32, #tpu.memory_space<hbm>>
    tpu.enqueue_dma source(%dma_start3A_188 : memref<16x128xf32, #tpu.memory_space<hbm>>) target(%dma_start3A_186 : memref<16x128xf32, #tpu.memory_space<vmem>>) target_semaphore(%arg26 : memref<!tpu.dma_semaphore, #tpu.memory_space<semaphore_mem>>)
    %and3A_189 = arith.constant -128 : i32
    %and3A_190 = arith.andi %squeeze3A_140, %and3A_189 : i32
    %multiple_of3A_191 = tpu.assume_multiple %and3A_190, 128 : i32
    %dma_start3A_192 = arith.constant 2 : i32
    %dma_start3A_193 = arith.constant 0 : i32
    %dma_start3A_194 = arith.constant 0 : i32
    %dma_start3A_195 = tpu.memref_slice %arg17[%dma_start3A_192, %dma_start3A_193, %dma_start3A_194] : memref<8x16x128xf32, #tpu.memory_space<vmem>> -> memref<1x16x128xf32, #tpu.memory_space<vmem>>
    %dma_start3A_196 = tpu.memref_squeeze %dma_start3A_195 : memref<1x16x128xf32, #tpu.memory_space<vmem>> -> memref<16x128xf32, #tpu.memory_space<vmem>>
    %dma_start3A_197 = arith.constant 0 : i32
    %dma_start3A_198 = tpu.memref_slice %arg7[%dma_start3A_197, %multiple_of3A_191] : memref<16x1000000xf32, #tpu.memory_space<hbm>> -> memref<16x128xf32, #tpu.memory_space<hbm>>
    %dma_start3A_199 = arith.constant 0 : i32
    %dma_start3A_200 = arith.constant 0 : i32
    %dma_start3A_201 = tpu.memref_slice %arg17[%dma_start3A_192, %dma_start3A_199, %dma_start3A_200] : memref<8x16x128xf32, #tpu.memory_space<vmem>> -> memref<1x16x128xf32, #tpu.memory_space<vmem>>
    %dma_start3A_202 = tpu.memref_squeeze %dma_start3A_201 : memref<1x16x128xf32, #tpu.memory_space<vmem>> -> memref<16x128xf32, #tpu.memory_space<vmem>>
    %dma_start3A_203 = arith.constant 0 : i32
    %dma_start3A_204 = tpu.memref_slice %arg7[%dma_start3A_203, %multiple_of3A_191] : memref<16x1000000xf32, #tpu.memory_space<hbm>> -> memref<16x128xf32, #tpu.memory_space<hbm>>
    tpu.enqueue_dma source(%dma_start3A_204 : memref<16x128xf32, #tpu.memory_space<hbm>>) target(%dma_start3A_202 : memref<16x128xf32, #tpu.memory_space<vmem>>) target_semaphore(%arg28 : memref<!tpu.dma_semaphore, #tpu.memory_space<semaphore_mem>>)
    %slice3A_205 = vector.extract_strided_slice %get3A_3 {offsets = [3], sizes = [1], strides = [1]} : vector<16xi32> to vector<1xi32>
    %squeeze3A_206 = vector.extract %slice3A_205[0] : i32 from vector<1xi32>
    %slice3A_207 = vector.extract_strided_slice %get3A_5 {offsets = [3], sizes = [1], strides = [1]} : vector<16xi32> to vector<1xi32>
    %squeeze3A_208 = vector.extract %slice3A_207[0] : i32 from vector<1xi32>
    %and3A_209 = arith.constant -128 : i32
    %and3A_210 = arith.andi %squeeze3A_206, %and3A_209 : i32
    %multiple_of3A_211 = tpu.assume_multiple %and3A_210, 128 : i32
    %dma_start3A_212 = arith.constant 3 : i32
    %dma_start3A_213 = arith.constant 0 : i32
    %dma_start3A_214 = arith.constant 0 : i32
    %dma_start3A_215 = tpu.memref_slice %arg14[%dma_start3A_212, %dma_start3A_213, %dma_start3A_214] : memref<8x16x128xf32, #tpu.memory_space<vmem>> -> memref<1x16x128xf32, #tpu.memory_space<vmem>>
    %dma_start3A_216 = tpu.memref_squeeze %dma_start3A_215 : memref<1x16x128xf32, #tpu.memory_space<vmem>> -> memref<16x128xf32, #tpu.memory_space<vmem>>
    %dma_start3A_217 = arith.constant 0 : i32
    %dma_start3A_218 = tpu.memref_slice %arg4[%dma_start3A_217, %multiple_of3A_211] : memref<16x1000000xf32, #tpu.memory_space<hbm>> -> memref<16x128xf32, #tpu.memory_space<hbm>>
    %dma_start3A_219 = arith.constant 0 : i32
    %dma_start3A_220 = arith.constant 0 : i32
    %dma_start3A_221 = tpu.memref_slice %arg14[%dma_start3A_212, %dma_start3A_219, %dma_start3A_220] : memref<8x16x128xf32, #tpu.memory_space<vmem>> -> memref<1x16x128xf32, #tpu.memory_space<vmem>>
    %dma_start3A_222 = tpu.memref_squeeze %dma_start3A_221 : memref<1x16x128xf32, #tpu.memory_space<vmem>> -> memref<16x128xf32, #tpu.memory_space<vmem>>
    %dma_start3A_223 = arith.constant 0 : i32
    %dma_start3A_224 = tpu.memref_slice %arg4[%dma_start3A_223, %multiple_of3A_211] : memref<16x1000000xf32, #tpu.memory_space<hbm>> -> memref<16x128xf32, #tpu.memory_space<hbm>>
    tpu.enqueue_dma source(%dma_start3A_224 : memref<16x128xf32, #tpu.memory_space<hbm>>) target(%dma_start3A_222 : memref<16x128xf32, #tpu.memory_space<vmem>>) target_semaphore(%arg22 : memref<!tpu.dma_semaphore, #tpu.memory_space<semaphore_mem>>)
    %and3A_225 = arith.constant -128 : i32
    %and3A_226 = arith.andi %squeeze3A_208, %and3A_225 : i32
    %multiple_of3A_227 = tpu.assume_multiple %and3A_226, 128 : i32
    %dma_start3A_228 = arith.constant 3 : i32
    %dma_start3A_229 = arith.constant 0 : i32
    %dma_start3A_230 = arith.constant 0 : i32
    %dma_start3A_231 = tpu.memref_slice %arg15[%dma_start3A_228, %dma_start3A_229, %dma_start3A_230] : memref<8x16x128xf32, #tpu.memory_space<vmem>> -> memref<1x16x128xf32, #tpu.memory_space<vmem>>
    %dma_start3A_232 = tpu.memref_squeeze %dma_start3A_231 : memref<1x16x128xf32, #tpu.memory_space<vmem>> -> memref<16x128xf32, #tpu.memory_space<vmem>>
    %dma_start3A_233 = arith.constant 0 : i32
    %dma_start3A_234 = tpu.memref_slice %arg5[%dma_start3A_233, %multiple_of3A_227] : memref<16x1000000xf32, #tpu.memory_space<hbm>> -> memref<16x128xf32, #tpu.memory_space<hbm>>
    %dma_start3A_235 = arith.constant 0 : i32
    %dma_start3A_236 = arith.constant 0 : i32
    %dma_start3A_237 = tpu.memref_slice %arg15[%dma_start3A_228, %dma_start3A_235, %dma_start3A_236] : memref<8x16x128xf32, #tpu.memory_space<vmem>> -> memref<1x16x128xf32, #tpu.memory_space<vmem>>
    %dma_start3A_238 = tpu.memref_squeeze %dma_start3A_237 : memref<1x16x128xf32, #tpu.memory_space<vmem>> -> memref<16x128xf32, #tpu.memory_space<vmem>>
    %dma_start3A_239 = arith.constant 0 : i32
    %dma_start3A_240 = tpu.memref_slice %arg5[%dma_start3A_239, %multiple_of3A_227] : memref<16x1000000xf32, #tpu.memory_space<hbm>> -> memref<16x128xf32, #tpu.memory_space<hbm>>
    tpu.enqueue_dma source(%dma_start3A_240 : memref<16x128xf32, #tpu.memory_space<hbm>>) target(%dma_start3A_238 : memref<16x128xf32, #tpu.memory_space<vmem>>) target_semaphore(%arg24 : memref<!tpu.dma_semaphore, #tpu.memory_space<semaphore_mem>>)
    %and3A_241 = arith.constant -128 : i32
    %and3A_242 = arith.andi %squeeze3A_206, %and3A_241 : i32
    %multiple_of3A_243 = tpu.assume_multiple %and3A_242, 128 : i32
    %dma_start3A_244 = arith.constant 3 : i32
    %dma_start3A_245 = arith.constant 0 : i32
    %dma_start3A_246 = arith.constant 0 : i32
    %dma_start3A_247 = tpu.memref_slice %arg16[%dma_start3A_244, %dma_start3A_245, %dma_start3A_246] : memref<8x16x128xf32, #tpu.memory_space<vmem>> -> memref<1x16x128xf32, #tpu.memory_space<vmem>>
    %dma_start3A_248 = tpu.memref_squeeze %dma_start3A_247 : memref<1x16x128xf32, #tpu.memory_space<vmem>> -> memref<16x128xf32, #tpu.memory_space<vmem>>
    %dma_start3A_249 = arith.constant 0 : i32
    %dma_start3A_250 = tpu.memref_slice %arg6[%dma_start3A_249, %multiple_of3A_243] : memref<16x1000000xf32, #tpu.memory_space<hbm>> -> memref<16x128xf32, #tpu.memory_space<hbm>>
    %dma_start3A_251 = arith.constant 0 : i32
    %dma_start3A_252 = arith.constant 0 : i32
    %dma_start3A_253 = tpu.memref_slice %arg16[%dma_start3A_244, %dma_start3A_251, %dma_start3A_252] : memref<8x16x128xf32, #tpu.memory_space<vmem>> -> memref<1x16x128xf32, #tpu.memory_space<vmem>>
    %dma_start3A_254 = tpu.memref_squeeze %dma_start3A_253 : memref<1x16x128xf32, #tpu.memory_space<vmem>> -> memref<16x128xf32, #tpu.memory_space<vmem>>
    %dma_start3A_255 = arith.constant 0 : i32
    %dma_start3A_256 = tpu.memref_slice %arg6[%dma_start3A_255, %multiple_of3A_243] : memref<16x1000000xf32, #tpu.memory_space<hbm>> -> memref<16x128xf32, #tpu.memory_space<hbm>>
    tpu.enqueue_dma source(%dma_start3A_256 : memref<16x128xf32, #tpu.memory_space<hbm>>) target(%dma_start3A_254 : memref<16x128xf32, #tpu.memory_space<vmem>>) target_semaphore(%arg26 : memref<!tpu.dma_semaphore, #tpu.memory_space<semaphore_mem>>)
    %and3A_257 = arith.constant -128 : i32
    %and3A_258 = arith.andi %squeeze3A_208, %and3A_257 : i32
    %multiple_of3A_259 = tpu.assume_multiple %and3A_258, 128 : i32
    %dma_start3A_260 = arith.constant 3 : i32
    %dma_start3A_261 = arith.constant 0 : i32
    %dma_start3A_262 = arith.constant 0 : i32
    %dma_start3A_263 = tpu.memref_slice %arg17[%dma_start3A_260, %dma_start3A_261, %dma_start3A_262] : memref<8x16x128xf32, #tpu.memory_space<vmem>> -> memref<1x16x128xf32, #tpu.memory_space<vmem>>
    %dma_start3A_264 = tpu.memref_squeeze %dma_start3A_263 : memref<1x16x128xf32, #tpu.memory_space<vmem>> -> memref<16x128xf32, #tpu.memory_space<vmem>>
    %dma_start3A_265 = arith.constant 0 : i32
    %dma_start3A_266 = tpu.memref_slice %arg7[%dma_start3A_265, %multiple_of3A_259] : memref<16x1000000xf32, #tpu.memory_space<hbm>> -> memref<16x128xf32, #tpu.memory_space<hbm>>
    %dma_start3A_267 = arith.constant 0 : i32
    %dma_start3A_268 = arith.constant 0 : i32
    %dma_start3A_269 = tpu.memref_slice %arg17[%dma_start3A_260, %dma_start3A_267, %dma_start3A_268] : memref<8x16x128xf32, #tpu.memory_space<vmem>> -> memref<1x16x128xf32, #tpu.memory_space<vmem>>
    %dma_start3A_270 = tpu.memref_squeeze %dma_start3A_269 : memref<1x16x128xf32, #tpu.memory_space<vmem>> -> memref<16x128xf32, #tpu.memory_space<vmem>>
    %dma_start3A_271 = arith.constant 0 : i32
    %dma_start3A_272 = tpu.memref_slice %arg7[%dma_start3A_271, %multiple_of3A_259] : memref<16x1000000xf32, #tpu.memory_space<hbm>> -> memref<16x128xf32, #tpu.memory_space<hbm>>
    tpu.enqueue_dma source(%dma_start3A_272 : memref<16x128xf32, #tpu.memory_space<hbm>>) target(%dma_start3A_270 : memref<16x128xf32, #tpu.memory_space<vmem>>) target_semaphore(%arg28 : memref<!tpu.dma_semaphore, #tpu.memory_space<semaphore_mem>>)
    %scan3A = arith.constant 0 : i32
    %scan3A_273 = arith.constant 64 : i32
    %scan3A_274 = arith.addi %scan3A, %scan3A_273 : i32
    %scan3A_275 = arith.constant 1 : i32
    scf.for %scan3A_277 = %scan3A to %scan3A_274 step %scan3A_275  : i32 {
      %mul3A_278 = arith.constant 2 : i32
      %mul3A_279 = arith.muli %scan3A_277, %mul3A_278 : i32
      %mul3A_280 = arith.constant 2 : i32
      %mul3A_281 = arith.muli %scan3A_277, %mul3A_280 : i32
      %mul3A_282 = arith.constant 4 : i32
      %mul3A_283 = arith.muli %mul3A_281, %mul3A_282 : i32
      %get3A_284 = arith.index_cast %mul3A_283 : i32 to index
      %get3A_285 = tpu.vector_load %arg12[%get3A_284] {strides = array<i32>} : memref<528xi32, #tpu.memory_space<vmem>>, vector<16xi32>,
      %mul3A_286 = arith.constant 2 : i32
      %mul3A_287 = arith.muli %scan3A_277, %mul3A_286 : i32
      %mul3A_288 = arith.constant 4 : i32
      %mul3A_289 = arith.muli %mul3A_287, %mul3A_288 : i32
      %get3A_290 = arith.index_cast %mul3A_289 : i32 to index
      %get3A_291 = tpu.vector_load %arg13[%get3A_290] {strides = array<i32>} : memref<528xi32, #tpu.memory_space<vmem>>, vector<16xi32>,
      %add3A_292 = arith.constant 1 : i32
      %add3A_293 = arith.addi %scan3A_277, %add3A_292 : i32
      %mul3A_294 = arith.constant 2 : i32
      %mul3A_295 = arith.muli %add3A_293, %mul3A_294 : i32
      %mul3A_296 = arith.constant 4 : i32
      %mul3A_297 = arith.muli %mul3A_295, %mul3A_296 : i32
      %get3A_298 = arith.index_cast %mul3A_297 : i32 to index
      %get3A_299 = tpu.vector_load %arg12[%get3A_298] {strides = array<i32>} : memref<528xi32, #tpu.memory_space<vmem>>, vector<16xi32>,
      %mul3A_300 = arith.constant 2 : i32
      %mul3A_301 = arith.muli %add3A_293, %mul3A_300 : i32
      %mul3A_302 = arith.constant 4 : i32
      %mul3A_303 = arith.muli %mul3A_301, %mul3A_302 : i32
      %get3A_304 = arith.index_cast %mul3A_303 : i32 to index
      %get3A_305 = tpu.vector_load %arg13[%get3A_304] {strides = array<i32>} : memref<528xi32, #tpu.memory_space<vmem>>, vector<16xi32>,
      %slice3A_306 = vector.extract_strided_slice %get3A_285 {offsets = [4], sizes = [1], strides = [1]} : vector<16xi32> to vector<1xi32>
      %squeeze3A_307 = vector.extract %slice3A_306[0] : i32 from vector<1xi32>
      %slice3A_308 = vector.extract_strided_slice %get3A_291 {offsets = [4], sizes = [1], strides = [1]} : vector<16xi32> to vector<1xi32>
      %squeeze3A_309 = vector.extract %slice3A_308[0] : i32 from vector<1xi32>
      %and3A_310 = arith.constant -128 : i32
      %and3A_311 = arith.andi %squeeze3A_307, %and3A_310 : i32
      %multiple_of3A_312 = tpu.assume_multiple %and3A_311, 128 : i32
      %dma_start3A_313 = arith.constant 4 : i32
      %dma_start3A_314 = arith.constant 0 : i32
      %dma_start3A_315 = arith.constant 0 : i32
      %dma_start3A_316 = tpu.memref_slice %arg14[%dma_start3A_313, %dma_start3A_314, %dma_start3A_315] : memref<8x16x128xf32, #tpu.memory_space<vmem>> -> memref<1x16x128xf32, #tpu.memory_space<vmem>>
      %dma_start3A_317 = tpu.memref_squeeze %dma_start3A_316 : memref<1x16x128xf32, #tpu.memory_space<vmem>> -> memref<16x128xf32, #tpu.memory_space<vmem>>
      %dma_start3A_318 = arith.constant 0 : i32
      %dma_start3A_319 = tpu.memref_slice %arg4[%dma_start3A_318, %multiple_of3A_312] : memref<16x1000000xf32, #tpu.memory_space<hbm>> -> memref<16x128xf32, #tpu.memory_space<hbm>>
      %dma_start3A_320 = arith.constant 0 : i32
      %dma_start3A_321 = arith.constant 0 : i32
      %dma_start3A_322 = tpu.memref_slice %arg14[%dma_start3A_313, %dma_start3A_320, %dma_start3A_321] : memref<8x16x128xf32, #tpu.memory_space<vmem>> -> memref<1x16x128xf32, #tpu.memory_space<vmem>>
      %dma_start3A_323 = tpu.memref_squeeze %dma_start3A_322 : memref<1x16x128xf32, #tpu.memory_space<vmem>> -> memref<16x128xf32, #tpu.memory_space<vmem>>
      %dma_start3A_324 = arith.constant 0 : i32
      %dma_start3A_325 = tpu.memref_slice %arg4[%dma_start3A_324, %multiple_of3A_312] : memref<16x1000000xf32, #tpu.memory_space<hbm>> -> memref<16x128xf32, #tpu.memory_space<hbm>>
      tpu.enqueue_dma source(%dma_start3A_325 : memref<16x128xf32, #tpu.memory_space<hbm>>) target(%dma_start3A_323 : memref<16x128xf32, #tpu.memory_space<vmem>>) target_semaphore(%arg23 : memref<!tpu.dma_semaphore, #tpu.memory_space<semaphore_mem>>)
      %and3A_326 = arith.constant -128 : i32
      %and3A_327 = arith.andi %squeeze3A_309, %and3A_326 : i32
      %multiple_of3A_328 = tpu.assume_multiple %and3A_327, 128 : i32
      %dma_start3A_329 = arith.constant 4 : i32
      %dma_start3A_330 = arith.constant 0 : i32
      %dma_start3A_331 = arith.constant 0 : i32
      %dma_start3A_332 = tpu.memref_slice %arg15[%dma_start3A_329, %dma_start3A_330, %dma_start3A_331] : memref<8x16x128xf32, #tpu.memory_space<vmem>> -> memref<1x16x128xf32, #tpu.memory_space<vmem>>
      %dma_start3A_333 = tpu.memref_squeeze %dma_start3A_332 : memref<1x16x128xf32, #tpu.memory_space<vmem>> -> memref<16x128xf32, #tpu.memory_space<vmem>>
      %dma_start3A_334 = arith.constant 0 : i32
      %dma_start3A_335 = tpu.memref_slice %arg5[%dma_start3A_334, %multiple_of3A_328] : memref<16x1000000xf32, #tpu.memory_space<hbm>> -> memref<16x128xf32, #tpu.memory_space<hbm>>
      %dma_start3A_336 = arith.constant 0 : i32
      %dma_start3A_337 = arith.constant 0 : i32
      %dma_start3A_338 = tpu.memref_slice %arg15[%dma_start3A_329, %dma_start3A_336, %dma_start3A_337] : memref<8x16x128xf32, #tpu.memory_space<vmem>> -> memref<1x16x128xf32, #tpu.memory_space<vmem>>
      %dma_start3A_339 = tpu.memref_squeeze %dma_start3A_338 : memref<1x16x128xf32, #tpu.memory_space<vmem>> -> memref<16x128xf32, #tpu.memory_space<vmem>>
      %dma_start3A_340 = arith.constant 0 : i32
      %dma_start3A_341 = tpu.memref_slice %arg5[%dma_start3A_340, %multiple_of3A_328] : memref<16x1000000xf32, #tpu.memory_space<hbm>> -> memref<16x128xf32, #tpu.memory_space<hbm>>
      tpu.enqueue_dma source(%dma_start3A_341 : memref<16x128xf32, #tpu.memory_space<hbm>>) target(%dma_start3A_339 : memref<16x128xf32, #tpu.memory_space<vmem>>) target_semaphore(%arg25 : memref<!tpu.dma_semaphore, #tpu.memory_space<semaphore_mem>>)
      %and3A_342 = arith.constant -128 : i32
      %and3A_343 = arith.andi %squeeze3A_307, %and3A_342 : i32
      %multiple_of3A_344 = tpu.assume_multiple %and3A_343, 128 : i32
      %dma_start3A_345 = arith.constant 4 : i32
      %dma_start3A_346 = arith.constant 0 : i32
      %dma_start3A_347 = arith.constant 0 : i32
      %dma_start3A_348 = tpu.memref_slice %arg16[%dma_start3A_345, %dma_start3A_346, %dma_start3A_347] : memref<8x16x128xf32, #tpu.memory_space<vmem>> -> memref<1x16x128xf32, #tpu.memory_space<vmem>>
      %dma_start3A_349 = tpu.memref_squeeze %dma_start3A_348 : memref<1x16x128xf32, #tpu.memory_space<vmem>> -> memref<16x128xf32, #tpu.memory_space<vmem>>
      %dma_start3A_350 = arith.constant 0 : i32
      %dma_start3A_351 = tpu.memref_slice %arg6[%dma_start3A_350, %multiple_of3A_344] : memref<16x1000000xf32, #tpu.memory_space<hbm>> -> memref<16x128xf32, #tpu.memory_space<hbm>>
      %dma_start3A_352 = arith.constant 0 : i32
      %dma_start3A_353 = arith.constant 0 : i32
      %dma_start3A_354 = tpu.memref_slice %arg16[%dma_start3A_345, %dma_start3A_352, %dma_start3A_353] : memref<8x16x128xf32, #tpu.memory_space<vmem>> -> memref<1x16x128xf32, #tpu.memory_space<vmem>>
      %dma_start3A_355 = tpu.memref_squeeze %dma_start3A_354 : memref<1x16x128xf32, #tpu.memory_space<vmem>> -> memref<16x128xf32, #tpu.memory_space<vmem>>
      %dma_start3A_356 = arith.constant 0 : i32
      %dma_start3A_357 = tpu.memref_slice %arg6[%dma_start3A_356, %multiple_of3A_344] : memref<16x1000000xf32, #tpu.memory_space<hbm>> -> memref<16x128xf32, #tpu.memory_space<hbm>>
      tpu.enqueue_dma source(%dma_start3A_357 : memref<16x128xf32, #tpu.memory_space<hbm>>) target(%dma_start3A_355 : memref<16x128xf32, #tpu.memory_space<vmem>>) target_semaphore(%arg27 : memref<!tpu.dma_semaphore, #tpu.memory_space<semaphore_mem>>)
      %and3A_358 = arith.constant -128 : i32
      %and3A_359 = arith.andi %squeeze3A_309, %and3A_358 : i32
      %multiple_of3A_360 = tpu.assume_multiple %and3A_359, 128 : i32
      %dma_start3A_361 = arith.constant 4 : i32
      %dma_start3A_362 = arith.constant 0 : i32
      %dma_start3A_363 = arith.constant 0 : i32
      %dma_start3A_364 = tpu.memref_slice %arg17[%dma_start3A_361, %dma_start3A_362, %dma_start3A_363] : memref<8x16x128xf32, #tpu.memory_space<vmem>> -> memref<1x16x128xf32, #tpu.memory_space<vmem>>
      %dma_start3A_365 = tpu.memref_squeeze %dma_start3A_364 : memref<1x16x128xf32, #tpu.memory_space<vmem>> -> memref<16x128xf32, #tpu.memory_space<vmem>>
      %dma_start3A_366 = arith.constant 0 : i32
      %dma_start3A_367 = tpu.memref_slice %arg7[%dma_start3A_366, %multiple_of3A_360] : memref<16x1000000xf32, #tpu.memory_space<hbm>> -> memref<16x128xf32, #tpu.memory_space<hbm>>
      %dma_start3A_368 = arith.constant 0 : i32
      %dma_start3A_369 = arith.constant 0 : i32
      %dma_start3A_370 = tpu.memref_slice %arg17[%dma_start3A_361, %dma_start3A_368, %dma_start3A_369] : memref<8x16x128xf32, #tpu.memory_space<vmem>> -> memref<1x16x128xf32, #tpu.memory_space<vmem>>
      %dma_start3A_371 = tpu.memref_squeeze %dma_start3A_370 : memref<1x16x128xf32, #tpu.memory_space<vmem>> -> memref<16x128xf32, #tpu.memory_space<vmem>>
      %dma_start3A_372 = arith.constant 0 : i32
      %dma_start3A_373 = tpu.memref_slice %arg7[%dma_start3A_372, %multiple_of3A_360] : memref<16x1000000xf32, #tpu.memory_space<hbm>> -> memref<16x128xf32, #tpu.memory_space<hbm>>
      tpu.enqueue_dma source(%dma_start3A_373 : memref<16x128xf32, #tpu.memory_space<hbm>>) target(%dma_start3A_371 : memref<16x128xf32, #tpu.memory_space<vmem>>) target_semaphore(%arg29 : memref<!tpu.dma_semaphore, #tpu.memory_space<semaphore_mem>>)
      %slice3A_374 = vector.extract_strided_slice %get3A_285 {offsets = [5], sizes = [1], strides = [1]} : vector<16xi32> to vector<1xi32>
      %squeeze3A_375 = vector.extract %slice3A_374[0] : i32 from vector<1xi32>
      %slice3A_376 = vector.extract_strided_slice %get3A_291 {offsets = [5], sizes = [1], strides = [1]} : vector<16xi32> to vector<1xi32>
      %squeeze3A_377 = vector.extract %slice3A_376[0] : i32 from vector<1xi32>
      %and3A_378 = arith.constant -128 : i32
      %and3A_379 = arith.andi %squeeze3A_375, %and3A_378 : i32
      %multiple_of3A_380 = tpu.assume_multiple %and3A_379, 128 : i32
      %dma_start3A_381 = arith.constant 5 : i32
      %dma_start3A_382 = arith.constant 0 : i32
      %dma_start3A_383 = arith.constant 0 : i32
      %dma_start3A_384 = tpu.memref_slice %arg14[%dma_start3A_381, %dma_start3A_382, %dma_start3A_383] : memref<8x16x128xf32, #tpu.memory_space<vmem>> -> memref<1x16x128xf32, #tpu.memory_space<vmem>>
      %dma_start3A_385 = tpu.memref_squeeze %dma_start3A_384 : memref<1x16x128xf32, #tpu.memory_space<vmem>> -> memref<16x128xf32, #tpu.memory_space<vmem>>
      %dma_start3A_386 = arith.constant 0 : i32
      %dma_start3A_387 = tpu.memref_slice %arg4[%dma_start3A_386, %multiple_of3A_380] : memref<16x1000000xf32, #tpu.memory_space<hbm>> -> memref<16x128xf32, #tpu.memory_space<hbm>>
      %dma_start3A_388 = arith.constant 0 : i32
      %dma_start3A_389 = arith.constant 0 : i32
      %dma_start3A_390 = tpu.memref_slice %arg14[%dma_start3A_381, %dma_start3A_388, %dma_start3A_389] : memref<8x16x128xf32, #tpu.memory_space<vmem>> -> memref<1x16x128xf32, #tpu.memory_space<vmem>>
      %dma_start3A_391 = tpu.memref_squeeze %dma_start3A_390 : memref<1x16x128xf32, #tpu.memory_space<vmem>> -> memref<16x128xf32, #tpu.memory_space<vmem>>
      %dma_start3A_392 = arith.constant 0 : i32
      %dma_start3A_393 = tpu.memref_slice %arg4[%dma_start3A_392, %multiple_of3A_380] : memref<16x1000000xf32, #tpu.memory_space<hbm>> -> memref<16x128xf32, #tpu.memory_space<hbm>>
      tpu.enqueue_dma source(%dma_start3A_393 : memref<16x128xf32, #tpu.memory_space<hbm>>) target(%dma_start3A_391 : memref<16x128xf32, #tpu.memory_space<vmem>>) target_semaphore(%arg23 : memref<!tpu.dma_semaphore, #tpu.memory_space<semaphore_mem>>)
      %and3A_394 = arith.constant -128 : i32
      %and3A_395 = arith.andi %squeeze3A_377, %and3A_394 : i32
      %multiple_of3A_396 = tpu.assume_multiple %and3A_395, 128 : i32
      %dma_start3A_397 = arith.constant 5 : i32
      %dma_start3A_398 = arith.constant 0 : i32
      %dma_start3A_399 = arith.constant 0 : i32
      %dma_start3A_400 = tpu.memref_slice %arg15[%dma_start3A_397, %dma_start3A_398, %dma_start3A_399] : memref<8x16x128xf32, #tpu.memory_space<vmem>> -> memref<1x16x128xf32, #tpu.memory_space<vmem>>
      %dma_start3A_401 = tpu.memref_squeeze %dma_start3A_400 : memref<1x16x128xf32, #tpu.memory_space<vmem>> -> memref<16x128xf32, #tpu.memory_space<vmem>>
      %dma_start3A_402 = arith.constant 0 : i32
      %dma_start3A_403 = tpu.memref_slice %arg5[%dma_start3A_402, %multiple_of3A_396] : memref<16x1000000xf32, #tpu.memory_space<hbm>> -> memref<16x128xf32, #tpu.memory_space<hbm>>
      %dma_start3A_404 = arith.constant 0 : i32
      %dma_start3A_405 = arith.constant 0 : i32
      %dma_start3A_406 = tpu.memref_slice %arg15[%dma_start3A_397, %dma_start3A_404, %dma_start3A_405] : memref<8x16x128xf32, #tpu.memory_space<vmem>> -> memref<1x16x128xf32, #tpu.memory_space<vmem>>
      %dma_start3A_407 = tpu.memref_squeeze %dma_start3A_406 : memref<1x16x128xf32, #tpu.memory_space<vmem>> -> memref<16x128xf32, #tpu.memory_space<vmem>>
      %dma_start3A_408 = arith.constant 0 : i32
      %dma_start3A_409 = tpu.memref_slice %arg5[%dma_start3A_408, %multiple_of3A_396] : memref<16x1000000xf32, #tpu.memory_space<hbm>> -> memref<16x128xf32, #tpu.memory_space<hbm>>
      tpu.enqueue_dma source(%dma_start3A_409 : memref<16x128xf32, #tpu.memory_space<hbm>>) target(%dma_start3A_407 : memref<16x128xf32, #tpu.memory_space<vmem>>) target_semaphore(%arg25 : memref<!tpu.dma_semaphore, #tpu.memory_space<semaphore_mem>>)
      %and3A_410 = arith.constant -128 : i32
      %and3A_411 = arith.andi %squeeze3A_375, %and3A_410 : i32
      %multiple_of3A_412 = tpu.assume_multiple %and3A_411, 128 : i32
      %dma_start3A_413 = arith.constant 5 : i32
      %dma_start3A_414 = arith.constant 0 : i32
      %dma_start3A_415 = arith.constant 0 : i32
      %dma_start3A_416 = tpu.memref_slice %arg16[%dma_start3A_413, %dma_start3A_414, %dma_start3A_415] : memref<8x16x128xf32, #tpu.memory_space<vmem>> -> memref<1x16x128xf32, #tpu.memory_space<vmem>>
      %dma_start3A_417 = tpu.memref_squeeze %dma_start3A_416 : memref<1x16x128xf32, #tpu.memory_space<vmem>> -> memref<16x128xf32, #tpu.memory_space<vmem>>
      %dma_start3A_418 = arith.constant 0 : i32
      %dma_start3A_419 = tpu.memref_slice %arg6[%dma_start3A_418, %multiple_of3A_412] : memref<16x1000000xf32, #tpu.memory_space<hbm>> -> memref<16x128xf32, #tpu.memory_space<hbm>>
      %dma_start3A_420 = arith.constant 0 : i32
      %dma_start3A_421 = arith.constant 0 : i32
      %dma_start3A_422 = tpu.memref_slice %arg16[%dma_start3A_413, %dma_start3A_420, %dma_start3A_421] : memref<8x16x128xf32, #tpu.memory_space<vmem>> -> memref<1x16x128xf32, #tpu.memory_space<vmem>>
      %dma_start3A_423 = tpu.memref_squeeze %dma_start3A_422 : memref<1x16x128xf32, #tpu.memory_space<vmem>> -> memref<16x128xf32, #tpu.memory_space<vmem>>
      %dma_start3A_424 = arith.constant 0 : i32
      %dma_start3A_425 = tpu.memref_slice %arg6[%dma_start3A_424, %multiple_of3A_412] : memref<16x1000000xf32, #tpu.memory_space<hbm>> -> memref<16x128xf32, #tpu.memory_space<hbm>>
      tpu.enqueue_dma source(%dma_start3A_425 : memref<16x128xf32, #tpu.memory_space<hbm>>) target(%dma_start3A_423 : memref<16x128xf32, #tpu.memory_space<vmem>>) target_semaphore(%arg27 : memref<!tpu.dma_semaphore, #tpu.memory_space<semaphore_mem>>)
      %and3A_426 = arith.constant -128 : i32
      %and3A_427 = arith.andi %squeeze3A_377, %and3A_426 : i32
      %multiple_of3A_428 = tpu.assume_multiple %and3A_427, 128 : i32
      %dma_start3A_429 = arith.constant 5 : i32
      %dma_start3A_430 = arith.constant 0 : i32
      %dma_start3A_431 = arith.constant 0 : i32
      %dma_start3A_432 = tpu.memref_slice %arg17[%dma_start3A_429, %dma_start3A_430, %dma_start3A_431] : memref<8x16x128xf32, #tpu.memory_space<vmem>> -> memref<1x16x128xf32, #tpu.memory_space<vmem>>
      %dma_start3A_433 = tpu.memref_squeeze %dma_start3A_432 : memref<1x16x128xf32, #tpu.memory_space<vmem>> -> memref<16x128xf32, #tpu.memory_space<vmem>>
      %dma_start3A_434 = arith.constant 0 : i32
      %dma_start3A_435 = tpu.memref_slice %arg7[%dma_start3A_434, %multiple_of3A_428] : memref<16x1000000xf32, #tpu.memory_space<hbm>> -> memref<16x128xf32, #tpu.memory_space<hbm>>
      %dma_start3A_436 = arith.constant 0 : i32
      %dma_start3A_437 = arith.constant 0 : i32
      %dma_start3A_438 = tpu.memref_slice %arg17[%dma_start3A_429, %dma_start3A_436, %dma_start3A_437] : memref<8x16x128xf32, #tpu.memory_space<vmem>> -> memref<1x16x128xf32, #tpu.memory_space<vmem>>
      %dma_start3A_439 = tpu.memref_squeeze %dma_start3A_438 : memref<1x16x128xf32, #tpu.memory_space<vmem>> -> memref<16x128xf32, #tpu.memory_space<vmem>>
      %dma_start3A_440 = arith.constant 0 : i32
      %dma_start3A_441 = tpu.memref_slice %arg7[%dma_start3A_440, %multiple_of3A_428] : memref<16x1000000xf32, #tpu.memory_space<hbm>> -> memref<16x128xf32, #tpu.memory_space<hbm>>
      tpu.enqueue_dma source(%dma_start3A_441 : memref<16x128xf32, #tpu.memory_space<hbm>>) target(%dma_start3A_439 : memref<16x128xf32, #tpu.memory_space<vmem>>) target_semaphore(%arg29 : memref<!tpu.dma_semaphore, #tpu.memory_space<semaphore_mem>>)
      %slice3A_442 = vector.extract_strided_slice %get3A_285 {offsets = [6], sizes = [1], strides = [1]} : vector<16xi32> to vector<1xi32>
      %squeeze3A_443 = vector.extract %slice3A_442[0] : i32 from vector<1xi32>
      %slice3A_444 = vector.extract_strided_slice %get3A_291 {offsets = [6], sizes = [1], strides = [1]} : vector<16xi32> to vector<1xi32>
      %squeeze3A_445 = vector.extract %slice3A_444[0] : i32 from vector<1xi32>
      %and3A_446 = arith.constant -128 : i32
      %and3A_447 = arith.andi %squeeze3A_443, %and3A_446 : i32
      %multiple_of3A_448 = tpu.assume_multiple %and3A_447, 128 : i32
      %dma_start3A_449 = arith.constant 6 : i32
      %dma_start3A_450 = arith.constant 0 : i32
      %dma_start3A_451 = arith.constant 0 : i32
      %dma_start3A_452 = tpu.memref_slice %arg14[%dma_start3A_449, %dma_start3A_450, %dma_start3A_451] : memref<8x16x128xf32, #tpu.memory_space<vmem>> -> memref<1x16x128xf32, #tpu.memory_space<vmem>>
      %dma_start3A_453 = tpu.memref_squeeze %dma_start3A_452 : memref<1x16x128xf32, #tpu.memory_space<vmem>> -> memref<16x128xf32, #tpu.memory_space<vmem>>
      %dma_start3A_454 = arith.constant 0 : i32
      %dma_start3A_455 = tpu.memref_slice %arg4[%dma_start3A_454, %multiple_of3A_448] : memref<16x1000000xf32, #tpu.memory_space<hbm>> -> memref<16x128xf32, #tpu.memory_space<hbm>>
      %dma_start3A_456 = arith.constant 0 : i32
      %dma_start3A_457 = arith.constant 0 : i32
      %dma_start3A_458 = tpu.memref_slice %arg14[%dma_start3A_449, %dma_start3A_456, %dma_start3A_457] : memref<8x16x128xf32, #tpu.memory_space<vmem>> -> memref<1x16x128xf32, #tpu.memory_space<vmem>>
      %dma_start3A_459 = tpu.memref_squeeze %dma_start3A_458 : memref<1x16x128xf32, #tpu.memory_space<vmem>> -> memref<16x128xf32, #tpu.memory_space<vmem>>
      %dma_start3A_460 = arith.constant 0 : i32
      %dma_start3A_461 = tpu.memref_slice %arg4[%dma_start3A_460, %multiple_of3A_448] : memref<16x1000000xf32, #tpu.memory_space<hbm>> -> memref<16x128xf32, #tpu.memory_space<hbm>>
      tpu.enqueue_dma source(%dma_start3A_461 : memref<16x128xf32, #tpu.memory_space<hbm>>) target(%dma_start3A_459 : memref<16x128xf32, #tpu.memory_space<vmem>>) target_semaphore(%arg23 : memref<!tpu.dma_semaphore, #tpu.memory_space<semaphore_mem>>)
      %and3A_462 = arith.constant -128 : i32
      %and3A_463 = arith.andi %squeeze3A_445, %and3A_462 : i32
      %multiple_of3A_464 = tpu.assume_multiple %and3A_463, 128 : i32
      %dma_start3A_465 = arith.constant 6 : i32
      %dma_start3A_466 = arith.constant 0 : i32
      %dma_start3A_467 = arith.constant 0 : i32
      %dma_start3A_468 = tpu.memref_slice %arg15[%dma_start3A_465, %dma_start3A_466, %dma_start3A_467] : memref<8x16x128xf32, #tpu.memory_space<vmem>> -> memref<1x16x128xf32, #tpu.memory_space<vmem>>
      %dma_start3A_469 = tpu.memref_squeeze %dma_start3A_468 : memref<1x16x128xf32, #tpu.memory_space<vmem>> -> memref<16x128xf32, #tpu.memory_space<vmem>>
      %dma_start3A_470 = arith.constant 0 : i32
      %dma_start3A_471 = tpu.memref_slice %arg5[%dma_start3A_470, %multiple_of3A_464] : memref<16x1000000xf32, #tpu.memory_space<hbm>> -> memref<16x128xf32, #tpu.memory_space<hbm>>
      %dma_start3A_472 = arith.constant 0 : i32
      %dma_start3A_473 = arith.constant 0 : i32
      %dma_start3A_474 = tpu.memref_slice %arg15[%dma_start3A_465, %dma_start3A_472, %dma_start3A_473] : memref<8x16x128xf32, #tpu.memory_space<vmem>> -> memref<1x16x128xf32, #tpu.memory_space<vmem>>
      %dma_start3A_475 = tpu.memref_squeeze %dma_start3A_474 : memref<1x16x128xf32, #tpu.memory_space<vmem>> -> memref<16x128xf32, #tpu.memory_space<vmem>>
      %dma_start3A_476 = arith.constant 0 : i32
      %dma_start3A_477 = tpu.memref_slice %arg5[%dma_start3A_476, %multiple_of3A_464] : memref<16x1000000xf32, #tpu.memory_space<hbm>> -> memref<16x128xf32, #tpu.memory_space<hbm>>
      tpu.enqueue_dma source(%dma_start3A_477 : memref<16x128xf32, #tpu.memory_space<hbm>>) target(%dma_start3A_475 : memref<16x128xf32, #tpu.memory_space<vmem>>) target_semaphore(%arg25 : memref<!tpu.dma_semaphore, #tpu.memory_space<semaphore_mem>>)
      %and3A_478 = arith.constant -128 : i32
      %and3A_479 = arith.andi %squeeze3A_443, %and3A_478 : i32
      %multiple_of3A_480 = tpu.assume_multiple %and3A_479, 128 : i32
      %dma_start3A_481 = arith.constant 6 : i32
      %dma_start3A_482 = arith.constant 0 : i32
      %dma_start3A_483 = arith.constant 0 : i32
      %dma_start3A_484 = tpu.memref_slice %arg16[%dma_start3A_481, %dma_start3A_482, %dma_start3A_483] : memref<8x16x128xf32, #tpu.memory_space<vmem>> -> memref<1x16x128xf32, #tpu.memory_space<vmem>>
      %dma_start3A_485 = tpu.memref_squeeze %dma_start3A_484 : memref<1x16x128xf32, #tpu.memory_space<vmem>> -> memref<16x128xf32, #tpu.memory_space<vmem>>
      %dma_start3A_486 = arith.constant 0 : i32
      %dma_start3A_487 = tpu.memref_slice %arg6[%dma_start3A_486, %multiple_of3A_480] : memref<16x1000000xf32, #tpu.memory_space<hbm>> -> memref<16x128xf32, #tpu.memory_space<hbm>>
      %dma_start3A_488 = arith.constant 0 : i32
      %dma_start3A_489 = arith.constant 0 : i32
      %dma_start3A_490 = tpu.memref_slice %arg16[%dma_start3A_481, %dma_start3A_488, %dma_start3A_489] : memref<8x16x128xf32, #tpu.memory_space<vmem>> -> memref<1x16x128xf32, #tpu.memory_space<vmem>>
      %dma_start3A_491 = tpu.memref_squeeze %dma_start3A_490 : memref<1x16x128xf32, #tpu.memory_space<vmem>> -> memref<16x128xf32, #tpu.memory_space<vmem>>
      %dma_start3A_492 = arith.constant 0 : i32
      %dma_start3A_493 = tpu.memref_slice %arg6[%dma_start3A_492, %multiple_of3A_480] : memref<16x1000000xf32, #tpu.memory_space<hbm>> -> memref<16x128xf32, #tpu.memory_space<hbm>>
      tpu.enqueue_dma source(%dma_start3A_493 : memref<16x128xf32, #tpu.memory_space<hbm>>) target(%dma_start3A_491 : memref<16x128xf32, #tpu.memory_space<vmem>>) target_semaphore(%arg27 : memref<!tpu.dma_semaphore, #tpu.memory_space<semaphore_mem>>)
      %and3A_494 = arith.constant -128 : i32
      %and3A_495 = arith.andi %squeeze3A_445, %and3A_494 : i32
      %multiple_of3A_496 = tpu.assume_multiple %and3A_495, 128 : i32
      %dma_start3A_497 = arith.constant 6 : i32
      %dma_start3A_498 = arith.constant 0 : i32
      %dma_start3A_499 = arith.constant 0 : i32
      %dma_start3A_500 = tpu.memref_slice %arg17[%dma_start3A_497, %dma_start3A_498, %dma_start3A_499] : memref<8x16x128xf32, #tpu.memory_space<vmem>> -> memref<1x16x128xf32, #tpu.memory_space<vmem>>
      %dma_start3A_501 = tpu.memref_squeeze %dma_start3A_500 : memref<1x16x128xf32, #tpu.memory_space<vmem>> -> memref<16x128xf32, #tpu.memory_space<vmem>>
      %dma_start3A_502 = arith.constant 0 : i32
      %dma_start3A_503 = tpu.memref_slice %arg7[%dma_start3A_502, %multiple_of3A_496] : memref<16x1000000xf32, #tpu.memory_space<hbm>> -> memref<16x128xf32, #tpu.memory_space<hbm>>
      %dma_start3A_504 = arith.constant 0 : i32
      %dma_start3A_505 = arith.constant 0 : i32
      %dma_start3A_506 = tpu.memref_slice %arg17[%dma_start3A_497, %dma_start3A_504, %dma_start3A_505] : memref<8x16x128xf32, #tpu.memory_space<vmem>> -> memref<1x16x128xf32, #tpu.memory_space<vmem>>
      %dma_start3A_507 = tpu.memref_squeeze %dma_start3A_506 : memref<1x16x128xf32, #tpu.memory_space<vmem>> -> memref<16x128xf32, #tpu.memory_space<vmem>>
      %dma_start3A_508 = arith.constant 0 : i32
      %dma_start3A_509 = tpu.memref_slice %arg7[%dma_start3A_508, %multiple_of3A_496] : memref<16x1000000xf32, #tpu.memory_space<hbm>> -> memref<16x128xf32, #tpu.memory_space<hbm>>
      tpu.enqueue_dma source(%dma_start3A_509 : memref<16x128xf32, #tpu.memory_space<hbm>>) target(%dma_start3A_507 : memref<16x128xf32, #tpu.memory_space<vmem>>) target_semaphore(%arg29 : memref<!tpu.dma_semaphore, #tpu.memory_space<semaphore_mem>>)
      %slice3A_510 = vector.extract_strided_slice %get3A_285 {offsets = [7], sizes = [1], strides = [1]} : vector<16xi32> to vector<1xi32>
      %squeeze3A_511 = vector.extract %slice3A_510[0] : i32 from vector<1xi32>
      %slice3A_512 = vector.extract_strided_slice %get3A_291 {offsets = [7], sizes = [1], strides = [1]} : vector<16xi32> to vector<1xi32>
      %squeeze3A_513 = vector.extract %slice3A_512[0] : i32 from vector<1xi32>
      %and3A_514 = arith.constant -128 : i32
      %and3A_515 = arith.andi %squeeze3A_511, %and3A_514 : i32
      %multiple_of3A_516 = tpu.assume_multiple %and3A_515, 128 : i32
      %dma_start3A_517 = arith.constant 7 : i32
      %dma_start3A_518 = arith.constant 0 : i32
      %dma_start3A_519 = arith.constant 0 : i32
      %dma_start3A_520 = tpu.memref_slice %arg14[%dma_start3A_517, %dma_start3A_518, %dma_start3A_519] : memref<8x16x128xf32, #tpu.memory_space<vmem>> -> memref<1x16x128xf32, #tpu.memory_space<vmem>>
      %dma_start3A_521 = tpu.memref_squeeze %dma_start3A_520 : memref<1x16x128xf32, #tpu.memory_space<vmem>> -> memref<16x128xf32, #tpu.memory_space<vmem>>
      %dma_start3A_522 = arith.constant 0 : i32
      %dma_start3A_523 = tpu.memref_slice %arg4[%dma_start3A_522, %multiple_of3A_516] : memref<16x1000000xf32, #tpu.memory_space<hbm>> -> memref<16x128xf32, #tpu.memory_space<hbm>>
      %dma_start3A_524 = arith.constant 0 : i32
      %dma_start3A_525 = arith.constant 0 : i32
      %dma_start3A_526 = tpu.memref_slice %arg14[%dma_start3A_517, %dma_start3A_524, %dma_start3A_525] : memref<8x16x128xf32, #tpu.memory_space<vmem>> -> memref<1x16x128xf32, #tpu.memory_space<vmem>>
      %dma_start3A_527 = tpu.memref_squeeze %dma_start3A_526 : memref<1x16x128xf32, #tpu.memory_space<vmem>> -> memref<16x128xf32, #tpu.memory_space<vmem>>
      %dma_start3A_528 = arith.constant 0 : i32
      %dma_start3A_529 = tpu.memref_slice %arg4[%dma_start3A_528, %multiple_of3A_516] : memref<16x1000000xf32, #tpu.memory_space<hbm>> -> memref<16x128xf32, #tpu.memory_space<hbm>>
      tpu.enqueue_dma source(%dma_start3A_529 : memref<16x128xf32, #tpu.memory_space<hbm>>) target(%dma_start3A_527 : memref<16x128xf32, #tpu.memory_space<vmem>>) target_semaphore(%arg23 : memref<!tpu.dma_semaphore, #tpu.memory_space<semaphore_mem>>)
      %and3A_530 = arith.constant -128 : i32
      %and3A_531 = arith.andi %squeeze3A_513, %and3A_530 : i32
      %multiple_of3A_532 = tpu.assume_multiple %and3A_531, 128 : i32
      %dma_start3A_533 = arith.constant 7 : i32
      %dma_start3A_534 = arith.constant 0 : i32
      %dma_start3A_535 = arith.constant 0 : i32
      %dma_start3A_536 = tpu.memref_slice %arg15[%dma_start3A_533, %dma_start3A_534, %dma_start3A_535] : memref<8x16x128xf32, #tpu.memory_space<vmem>> -> memref<1x16x128xf32, #tpu.memory_space<vmem>>
      %dma_start3A_537 = tpu.memref_squeeze %dma_start3A_536 : memref<1x16x128xf32, #tpu.memory_space<vmem>> -> memref<16x128xf32, #tpu.memory_space<vmem>>
      %dma_start3A_538 = arith.constant 0 : i32
      %dma_start3A_539 = tpu.memref_slice %arg5[%dma_start3A_538, %multiple_of3A_532] : memref<16x1000000xf32, #tpu.memory_space<hbm>> -> memref<16x128xf32, #tpu.memory_space<hbm>>
      %dma_start3A_540 = arith.constant 0 : i32
      %dma_start3A_541 = arith.constant 0 : i32
      %dma_start3A_542 = tpu.memref_slice %arg15[%dma_start3A_533, %dma_start3A_540, %dma_start3A_541] : memref<8x16x128xf32, #tpu.memory_space<vmem>> -> memref<1x16x128xf32, #tpu.memory_space<vmem>>
      %dma_start3A_543 = tpu.memref_squeeze %dma_start3A_542 : memref<1x16x128xf32, #tpu.memory_space<vmem>> -> memref<16x128xf32, #tpu.memory_space<vmem>>
      %dma_start3A_544 = arith.constant 0 : i32
      %dma_start3A_545 = tpu.memref_slice %arg5[%dma_start3A_544, %multiple_of3A_532] : memref<16x1000000xf32, #tpu.memory_space<hbm>> -> memref<16x128xf32, #tpu.memory_space<hbm>>
      tpu.enqueue_dma source(%dma_start3A_545 : memref<16x128xf32, #tpu.memory_space<hbm>>) target(%dma_start3A_543 : memref<16x128xf32, #tpu.memory_space<vmem>>) target_semaphore(%arg25 : memref<!tpu.dma_semaphore, #tpu.memory_space<semaphore_mem>>)
      %and3A_546 = arith.constant -128 : i32
      %and3A_547 = arith.andi %squeeze3A_511, %and3A_546 : i32
      %multiple_of3A_548 = tpu.assume_multiple %and3A_547, 128 : i32
      %dma_start3A_549 = arith.constant 7 : i32
      %dma_start3A_550 = arith.constant 0 : i32
      %dma_start3A_551 = arith.constant 0 : i32
      %dma_start3A_552 = tpu.memref_slice %arg16[%dma_start3A_549, %dma_start3A_550, %dma_start3A_551] : memref<8x16x128xf32, #tpu.memory_space<vmem>> -> memref<1x16x128xf32, #tpu.memory_space<vmem>>
      %dma_start3A_553 = tpu.memref_squeeze %dma_start3A_552 : memref<1x16x128xf32, #tpu.memory_space<vmem>> -> memref<16x128xf32, #tpu.memory_space<vmem>>
      %dma_start3A_554 = arith.constant 0 : i32
      %dma_start3A_555 = tpu.memref_slice %arg6[%dma_start3A_554, %multiple_of3A_548] : memref<16x1000000xf32, #tpu.memory_space<hbm>> -> memref<16x128xf32, #tpu.memory_space<hbm>>
      %dma_start3A_556 = arith.constant 0 : i32
      %dma_start3A_557 = arith.constant 0 : i32
      %dma_start3A_558 = tpu.memref_slice %arg16[%dma_start3A_549, %dma_start3A_556, %dma_start3A_557] : memref<8x16x128xf32, #tpu.memory_space<vmem>> -> memref<1x16x128xf32, #tpu.memory_space<vmem>>
      %dma_start3A_559 = tpu.memref_squeeze %dma_start3A_558 : memref<1x16x128xf32, #tpu.memory_space<vmem>> -> memref<16x128xf32, #tpu.memory_space<vmem>>
      %dma_start3A_560 = arith.constant 0 : i32
      %dma_start3A_561 = tpu.memref_slice %arg6[%dma_start3A_560, %multiple_of3A_548] : memref<16x1000000xf32, #tpu.memory_space<hbm>> -> memref<16x128xf32, #tpu.memory_space<hbm>>
      tpu.enqueue_dma source(%dma_start3A_561 : memref<16x128xf32, #tpu.memory_space<hbm>>) target(%dma_start3A_559 : memref<16x128xf32, #tpu.memory_space<vmem>>) target_semaphore(%arg27 : memref<!tpu.dma_semaphore, #tpu.memory_space<semaphore_mem>>)
      %and3A_562 = arith.constant -128 : i32
      %and3A_563 = arith.andi %squeeze3A_513, %and3A_562 : i32
      %multiple_of3A_564 = tpu.assume_multiple %and3A_563, 128 : i32
      %dma_start3A_565 = arith.constant 7 : i32
      %dma_start3A_566 = arith.constant 0 : i32
      %dma_start3A_567 = arith.constant 0 : i32
      %dma_start3A_568 = tpu.memref_slice %arg17[%dma_start3A_565, %dma_start3A_566, %dma_start3A_567] : memref<8x16x128xf32, #tpu.memory_space<vmem>> -> memref<1x16x128xf32, #tpu.memory_space<vmem>>
      %dma_start3A_569 = tpu.memref_squeeze %dma_start3A_568 : memref<1x16x128xf32, #tpu.memory_space<vmem>> -> memref<16x128xf32, #tpu.memory_space<vmem>>
      %dma_start3A_570 = arith.constant 0 : i32
      %dma_start3A_571 = tpu.memref_slice %arg7[%dma_start3A_570, %multiple_of3A_564] : memref<16x1000000xf32, #tpu.memory_space<hbm>> -> memref<16x128xf32, #tpu.memory_space<hbm>>
      %dma_start3A_572 = arith.constant 0 : i32
      %dma_start3A_573 = arith.constant 0 : i32
      %dma_start3A_574 = tpu.memref_slice %arg17[%dma_start3A_565, %dma_start3A_572, %dma_start3A_573] : memref<8x16x128xf32, #tpu.memory_space<vmem>> -> memref<1x16x128xf32, #tpu.memory_space<vmem>>
      %dma_start3A_575 = tpu.memref_squeeze %dma_start3A_574 : memref<1x16x128xf32, #tpu.memory_space<vmem>> -> memref<16x128xf32, #tpu.memory_space<vmem>>
      %dma_start3A_576 = arith.constant 0 : i32
      %dma_start3A_577 = tpu.memref_slice %arg7[%dma_start3A_576, %multiple_of3A_564] : memref<16x1000000xf32, #tpu.memory_space<hbm>> -> memref<16x128xf32, #tpu.memory_space<hbm>>
      tpu.enqueue_dma source(%dma_start3A_577 : memref<16x128xf32, #tpu.memory_space<hbm>>) target(%dma_start3A_575 : memref<16x128xf32, #tpu.memory_space<vmem>>) target_semaphore(%arg29 : memref<!tpu.dma_semaphore, #tpu.memory_space<semaphore_mem>>)
      %dma_wait3A = arith.constant 0 : i32
      %dma_wait3A_578 = arith.constant 0 : i32
      %dma_wait3A_579 = arith.constant 0 : i32
      %dma_wait3A_580 = tpu.memref_slice %arg14[%dma_wait3A, %dma_wait3A_578, %dma_wait3A_579] : memref<8x16x128xf32, #tpu.memory_space<vmem>> -> memref<1x16x128xf32, #tpu.memory_space<vmem>>
      %dma_wait3A_581 = tpu.memref_squeeze %dma_wait3A_580 : memref<1x16x128xf32, #tpu.memory_space<vmem>> -> memref<16x128xf32, #tpu.memory_space<vmem>>
      %dma_wait3A_582 = arith.constant 0 : i32
      %dma_wait3A_583 = arith.constant 0 : i32
      %dma_wait3A_584 = tpu.memref_slice %arg4[%dma_wait3A_582, %dma_wait3A_583] : memref<16x1000000xf32, #tpu.memory_space<hbm>> -> memref<16x128xf32, #tpu.memory_space<hbm>>
      %dma_wait3A_585 = arith.constant 0 : i32
      %dma_wait3A_586 = arith.constant 0 : i32
      %dma_wait3A_587 = tpu.memref_slice %arg14[%dma_wait3A, %dma_wait3A_585, %dma_wait3A_586] : memref<8x16x128xf32, #tpu.memory_space<vmem>> -> memref<1x16x128xf32, #tpu.memory_space<vmem>>
      %dma_wait3A_588 = tpu.memref_squeeze %dma_wait3A_587 : memref<1x16x128xf32, #tpu.memory_space<vmem>> -> memref<16x128xf32, #tpu.memory_space<vmem>>
      %dma_wait3A_589 = arith.constant 0 : i32
      %dma_wait3A_590 = arith.constant 0 : i32
      %dma_wait3A_591 = tpu.memref_slice %arg4[%dma_wait3A_589, %dma_wait3A_590] : memref<16x1000000xf32, #tpu.memory_space<hbm>> -> memref<16x128xf32, #tpu.memory_space<hbm>>
      tpu.wait_dma2 semaphore(%arg22 : memref<!tpu.dma_semaphore, #tpu.memory_space<semaphore_mem>>) src(%dma_wait3A_591 : memref<16x128xf32, #tpu.memory_space<hbm>>) dst(%dma_wait3A_588 : memref<16x128xf32, #tpu.memory_space<vmem>>)
      %dma_wait3A_592 = arith.constant 0 : i32
      %dma_wait3A_593 = arith.constant 0 : i32
      %dma_wait3A_594 = arith.constant 0 : i32
      %dma_wait3A_595 = tpu.memref_slice %arg15[%dma_wait3A_592, %dma_wait3A_593, %dma_wait3A_594] : memref<8x16x128xf32, #tpu.memory_space<vmem>> -> memref<1x16x128xf32, #tpu.memory_space<vmem>>
      %dma_wait3A_596 = tpu.memref_squeeze %dma_wait3A_595 : memref<1x16x128xf32, #tpu.memory_space<vmem>> -> memref<16x128xf32, #tpu.memory_space<vmem>>
      %dma_wait3A_597 = arith.constant 0 : i32
      %dma_wait3A_598 = arith.constant 0 : i32
      %dma_wait3A_599 = tpu.memref_slice %arg5[%dma_wait3A_597, %dma_wait3A_598] : memref<16x1000000xf32, #tpu.memory_space<hbm>> -> memref<16x128xf32, #tpu.memory_space<hbm>>
      %dma_wait3A_600 = arith.constant 0 : i32
      %dma_wait3A_601 = arith.constant 0 : i32
      %dma_wait3A_602 = tpu.memref_slice %arg15[%dma_wait3A_592, %dma_wait3A_600, %dma_wait3A_601] : memref<8x16x128xf32, #tpu.memory_space<vmem>> -> memref<1x16x128xf32, #tpu.memory_space<vmem>>
      %dma_wait3A_603 = tpu.memref_squeeze %dma_wait3A_602 : memref<1x16x128xf32, #tpu.memory_space<vmem>> -> memref<16x128xf32, #tpu.memory_space<vmem>>
      %dma_wait3A_604 = arith.constant 0 : i32
      %dma_wait3A_605 = arith.constant 0 : i32
      %dma_wait3A_606 = tpu.memref_slice %arg5[%dma_wait3A_604, %dma_wait3A_605] : memref<16x1000000xf32, #tpu.memory_space<hbm>> -> memref<16x128xf32, #tpu.memory_space<hbm>>
      tpu.wait_dma2 semaphore(%arg24 : memref<!tpu.dma_semaphore, #tpu.memory_space<semaphore_mem>>) src(%dma_wait3A_606 : memref<16x128xf32, #tpu.memory_space<hbm>>) dst(%dma_wait3A_603 : memref<16x128xf32, #tpu.memory_space<vmem>>)
      %dma_wait3A_607 = arith.constant 0 : i32
      %dma_wait3A_608 = arith.constant 0 : i32
      %dma_wait3A_609 = arith.constant 0 : i32
      %dma_wait3A_610 = tpu.memref_slice %arg16[%dma_wait3A_607, %dma_wait3A_608, %dma_wait3A_609] : memref<8x16x128xf32, #tpu.memory_space<vmem>> -> memref<1x16x128xf32, #tpu.memory_space<vmem>>
      %dma_wait3A_611 = tpu.memref_squeeze %dma_wait3A_610 : memref<1x16x128xf32, #tpu.memory_space<vmem>> -> memref<16x128xf32, #tpu.memory_space<vmem>>
      %dma_wait3A_612 = arith.constant 0 : i32
      %dma_wait3A_613 = arith.constant 0 : i32
      %dma_wait3A_614 = tpu.memref_slice %arg6[%dma_wait3A_612, %dma_wait3A_613] : memref<16x1000000xf32, #tpu.memory_space<hbm>> -> memref<16x128xf32, #tpu.memory_space<hbm>>
      %dma_wait3A_615 = arith.constant 0 : i32
      %dma_wait3A_616 = arith.constant 0 : i32
      %dma_wait3A_617 = tpu.memref_slice %arg16[%dma_wait3A_607, %dma_wait3A_615, %dma_wait3A_616] : memref<8x16x128xf32, #tpu.memory_space<vmem>> -> memref<1x16x128xf32, #tpu.memory_space<vmem>>
      %dma_wait3A_618 = tpu.memref_squeeze %dma_wait3A_617 : memref<1x16x128xf32, #tpu.memory_space<vmem>> -> memref<16x128xf32, #tpu.memory_space<vmem>>
      %dma_wait3A_619 = arith.constant 0 : i32
      %dma_wait3A_620 = arith.constant 0 : i32
      %dma_wait3A_621 = tpu.memref_slice %arg6[%dma_wait3A_619, %dma_wait3A_620] : memref<16x1000000xf32, #tpu.memory_space<hbm>> -> memref<16x128xf32, #tpu.memory_space<hbm>>
      tpu.wait_dma2 semaphore(%arg26 : memref<!tpu.dma_semaphore, #tpu.memory_space<semaphore_mem>>) src(%dma_wait3A_621 : memref<16x128xf32, #tpu.memory_space<hbm>>) dst(%dma_wait3A_618 : memref<16x128xf32, #tpu.memory_space<vmem>>)
      %dma_wait3A_622 = arith.constant 0 : i32
      %dma_wait3A_623 = arith.constant 0 : i32
      %dma_wait3A_624 = arith.constant 0 : i32
      %dma_wait3A_625 = tpu.memref_slice %arg17[%dma_wait3A_622, %dma_wait3A_623, %dma_wait3A_624] : memref<8x16x128xf32, #tpu.memory_space<vmem>> -> memref<1x16x128xf32, #tpu.memory_space<vmem>>
      %dma_wait3A_626 = tpu.memref_squeeze %dma_wait3A_625 : memref<1x16x128xf32, #tpu.memory_space<vmem>> -> memref<16x128xf32, #tpu.memory_space<vmem>>
      %dma_wait3A_627 = arith.constant 0 : i32
      %dma_wait3A_628 = arith.constant 0 : i32
      %dma_wait3A_629 = tpu.memref_slice %arg7[%dma_wait3A_627, %dma_wait3A_628] : memref<16x1000000xf32, #tpu.memory_space<hbm>> -> memref<16x128xf32, #tpu.memory_space<hbm>>
      %dma_wait3A_630 = arith.constant 0 : i32
      %dma_wait3A_631 = arith.constant 0 : i32
      %dma_wait3A_632 = tpu.memref_slice %arg17[%dma_wait3A_622, %dma_wait3A_630, %dma_wait3A_631] : memref<8x16x128xf32, #tpu.memory_space<vmem>> -> memref<1x16x128xf32, #tpu.memory_space<vmem>>
      %dma_wait3A_633 = tpu.memref_squeeze %dma_wait3A_632 : memref<1x16x128xf32, #tpu.memory_space<vmem>> -> memref<16x128xf32, #tpu.memory_space<vmem>>
      %dma_wait3A_634 = arith.constant 0 : i32
      %dma_wait3A_635 = arith.constant 0 : i32
      %dma_wait3A_636 = tpu.memref_slice %arg7[%dma_wait3A_634, %dma_wait3A_635] : memref<16x1000000xf32, #tpu.memory_space<hbm>> -> memref<16x128xf32, #tpu.memory_space<hbm>>
      tpu.wait_dma2 semaphore(%arg28 : memref<!tpu.dma_semaphore, #tpu.memory_space<semaphore_mem>>) src(%dma_wait3A_636 : memref<16x128xf32, #tpu.memory_space<hbm>>) dst(%dma_wait3A_633 : memref<16x128xf32, #tpu.memory_space<vmem>>)
      %dma_wait3A_637 = arith.constant 1 : i32
      %dma_wait3A_638 = arith.constant 0 : i32
      %dma_wait3A_639 = arith.constant 0 : i32
      %dma_wait3A_640 = tpu.memref_slice %arg14[%dma_wait3A_637, %dma_wait3A_638, %dma_wait3A_639] : memref<8x16x128xf32, #tpu.memory_space<vmem>> -> memref<1x16x128xf32, #tpu.memory_space<vmem>>
      %dma_wait3A_641 = tpu.memref_squeeze %dma_wait3A_640 : memref<1x16x128xf32, #tpu.memory_space<vmem>> -> memref<16x128xf32, #tpu.memory_space<vmem>>
      %dma_wait3A_642 = arith.constant 0 : i32
      %dma_wait3A_643 = arith.constant 0 : i32
      %dma_wait3A_644 = tpu.memref_slice %arg4[%dma_wait3A_642, %dma_wait3A_643] : memref<16x1000000xf32, #tpu.memory_space<hbm>> -> memref<16x128xf32, #tpu.memory_space<hbm>>
      %dma_wait3A_645 = arith.constant 0 : i32
      %dma_wait3A_646 = arith.constant 0 : i32
      %dma_wait3A_647 = tpu.memref_slice %arg14[%dma_wait3A_637, %dma_wait3A_645, %dma_wait3A_646] : memref<8x16x128xf32, #tpu.memory_space<vmem>> -> memref<1x16x128xf32, #tpu.memory_space<vmem>>
      %dma_wait3A_648 = tpu.memref_squeeze %dma_wait3A_647 : memref<1x16x128xf32, #tpu.memory_space<vmem>> -> memref<16x128xf32, #tpu.memory_space<vmem>>
      %dma_wait3A_649 = arith.constant 0 : i32
      %dma_wait3A_650 = arith.constant 0 : i32
      %dma_wait3A_651 = tpu.memref_slice %arg4[%dma_wait3A_649, %dma_wait3A_650] : memref<16x1000000xf32, #tpu.memory_space<hbm>> -> memref<16x128xf32, #tpu.memory_space<hbm>>
      tpu.wait_dma2 semaphore(%arg22 : memref<!tpu.dma_semaphore, #tpu.memory_space<semaphore_mem>>) src(%dma_wait3A_651 : memref<16x128xf32, #tpu.memory_space<hbm>>) dst(%dma_wait3A_648 : memref<16x128xf32, #tpu.memory_space<vmem>>)
      %dma_wait3A_652 = arith.constant 1 : i32
      %dma_wait3A_653 = arith.constant 0 : i32
      %dma_wait3A_654 = arith.constant 0 : i32
      %dma_wait3A_655 = tpu.memref_slice %arg15[%dma_wait3A_652, %dma_wait3A_653, %dma_wait3A_654] : memref<8x16x128xf32, #tpu.memory_space<vmem>> -> memref<1x16x128xf32, #tpu.memory_space<vmem>>
      %dma_wait3A_656 = tpu.memref_squeeze %dma_wait3A_655 : memref<1x16x128xf32, #tpu.memory_space<vmem>> -> memref<16x128xf32, #tpu.memory_space<vmem>>
      %dma_wait3A_657 = arith.constant 0 : i32
      %dma_wait3A_658 = arith.constant 0 : i32
      %dma_wait3A_659 = tpu.memref_slice %arg5[%dma_wait3A_657, %dma_wait3A_658] : memref<16x1000000xf32, #tpu.memory_space<hbm>> -> memref<16x128xf32, #tpu.memory_space<hbm>>
      %dma_wait3A_660 = arith.constant 0 : i32
      %dma_wait3A_661 = arith.constant 0 : i32
      %dma_wait3A_662 = tpu.memref_slice %arg15[%dma_wait3A_652, %dma_wait3A_660, %dma_wait3A_661] : memref<8x16x128xf32, #tpu.memory_space<vmem>> -> memref<1x16x128xf32, #tpu.memory_space<vmem>>
      %dma_wait3A_663 = tpu.memref_squeeze %dma_wait3A_662 : memref<1x16x128xf32, #tpu.memory_space<vmem>> -> memref<16x128xf32, #tpu.memory_space<vmem>>
      %dma_wait3A_664 = arith.constant 0 : i32
      %dma_wait3A_665 = arith.constant 0 : i32
      %dma_wait3A_666 = tpu.memref_slice %arg5[%dma_wait3A_664, %dma_wait3A_665] : memref<16x1000000xf32, #tpu.memory_space<hbm>> -> memref<16x128xf32, #tpu.memory_space<hbm>>
      tpu.wait_dma2 semaphore(%arg24 : memref<!tpu.dma_semaphore, #tpu.memory_space<semaphore_mem>>) src(%dma_wait3A_666 : memref<16x128xf32, #tpu.memory_space<hbm>>) dst(%dma_wait3A_663 : memref<16x128xf32, #tpu.memory_space<vmem>>)
      %dma_wait3A_667 = arith.constant 1 : i32
      %dma_wait3A_668 = arith.constant 0 : i32
      %dma_wait3A_669 = arith.constant 0 : i32
      %dma_wait3A_670 = tpu.memref_slice %arg16[%dma_wait3A_667, %dma_wait3A_668, %dma_wait3A_669] : memref<8x16x128xf32, #tpu.memory_space<vmem>> -> memref<1x16x128xf32, #tpu.memory_space<vmem>>
      %dma_wait3A_671 = tpu.memref_squeeze %dma_wait3A_670 : memref<1x16x128xf32, #tpu.memory_space<vmem>> -> memref<16x128xf32, #tpu.memory_space<vmem>>
      %dma_wait3A_672 = arith.constant 0 : i32
      %dma_wait3A_673 = arith.constant 0 : i32
      %dma_wait3A_674 = tpu.memref_slice %arg6[%dma_wait3A_672, %dma_wait3A_673] : memref<16x1000000xf32, #tpu.memory_space<hbm>> -> memref<16x128xf32, #tpu.memory_space<hbm>>
      %dma_wait3A_675 = arith.constant 0 : i32
      %dma_wait3A_676 = arith.constant 0 : i32
      %dma_wait3A_677 = tpu.memref_slice %arg16[%dma_wait3A_667, %dma_wait3A_675, %dma_wait3A_676] : memref<8x16x128xf32, #tpu.memory_space<vmem>> -> memref<1x16x128xf32, #tpu.memory_space<vmem>>
      %dma_wait3A_678 = tpu.memref_squeeze %dma_wait3A_677 : memref<1x16x128xf32, #tpu.memory_space<vmem>> -> memref<16x128xf32, #tpu.memory_space<vmem>>
      %dma_wait3A_679 = arith.constant 0 : i32
      %dma_wait3A_680 = arith.constant 0 : i32
      %dma_wait3A_681 = tpu.memref_slice %arg6[%dma_wait3A_679, %dma_wait3A_680] : memref<16x1000000xf32, #tpu.memory_space<hbm>> -> memref<16x128xf32, #tpu.memory_space<hbm>>
      tpu.wait_dma2 semaphore(%arg26 : memref<!tpu.dma_semaphore, #tpu.memory_space<semaphore_mem>>) src(%dma_wait3A_681 : memref<16x128xf32, #tpu.memory_space<hbm>>) dst(%dma_wait3A_678 : memref<16x128xf32, #tpu.memory_space<vmem>>)
      %dma_wait3A_682 = arith.constant 1 : i32
      %dma_wait3A_683 = arith.constant 0 : i32
      %dma_wait3A_684 = arith.constant 0 : i32
      %dma_wait3A_685 = tpu.memref_slice %arg17[%dma_wait3A_682, %dma_wait3A_683, %dma_wait3A_684] : memref<8x16x128xf32, #tpu.memory_space<vmem>> -> memref<1x16x128xf32, #tpu.memory_space<vmem>>
      %dma_wait3A_686 = tpu.memref_squeeze %dma_wait3A_685 : memref<1x16x128xf32, #tpu.memory_space<vmem>> -> memref<16x128xf32, #tpu.memory_space<vmem>>
      %dma_wait3A_687 = arith.constant 0 : i32
      %dma_wait3A_688 = arith.constant 0 : i32
      %dma_wait3A_689 = tpu.memref_slice %arg7[%dma_wait3A_687, %dma_wait3A_688] : memref<16x1000000xf32, #tpu.memory_space<hbm>> -> memref<16x128xf32, #tpu.memory_space<hbm>>
      %dma_wait3A_690 = arith.constant 0 : i32
      %dma_wait3A_691 = arith.constant 0 : i32
      %dma_wait3A_692 = tpu.memref_slice %arg17[%dma_wait3A_682, %dma_wait3A_690, %dma_wait3A_691] : memref<8x16x128xf32, #tpu.memory_space<vmem>> -> memref<1x16x128xf32, #tpu.memory_space<vmem>>
      %dma_wait3A_693 = tpu.memref_squeeze %dma_wait3A_692 : memref<1x16x128xf32, #tpu.memory_space<vmem>> -> memref<16x128xf32, #tpu.memory_space<vmem>>
      %dma_wait3A_694 = arith.constant 0 : i32
      %dma_wait3A_695 = arith.constant 0 : i32
      %dma_wait3A_696 = tpu.memref_slice %arg7[%dma_wait3A_694, %dma_wait3A_695] : memref<16x1000000xf32, #tpu.memory_space<hbm>> -> memref<16x128xf32, #tpu.memory_space<hbm>>
      tpu.wait_dma2 semaphore(%arg28 : memref<!tpu.dma_semaphore, #tpu.memory_space<semaphore_mem>>) src(%dma_wait3A_696 : memref<16x128xf32, #tpu.memory_space<hbm>>) dst(%dma_wait3A_693 : memref<16x128xf32, #tpu.memory_space<vmem>>)
      %dma_wait3A_697 = arith.constant 2 : i32
      %dma_wait3A_698 = arith.constant 0 : i32
      %dma_wait3A_699 = arith.constant 0 : i32
      %dma_wait3A_700 = tpu.memref_slice %arg14[%dma_wait3A_697, %dma_wait3A_698, %dma_wait3A_699] : memref<8x16x128xf32, #tpu.memory_space<vmem>> -> memref<1x16x128xf32, #tpu.memory_space<vmem>>
      %dma_wait3A_701 = tpu.memref_squeeze %dma_wait3A_700 : memref<1x16x128xf32, #tpu.memory_space<vmem>> -> memref<16x128xf32, #tpu.memory_space<vmem>>
      %dma_wait3A_702 = arith.constant 0 : i32
      %dma_wait3A_703 = arith.constant 0 : i32
      %dma_wait3A_704 = tpu.memref_slice %arg4[%dma_wait3A_702, %dma_wait3A_703] : memref<16x1000000xf32, #tpu.memory_space<hbm>> -> memref<16x128xf32, #tpu.memory_space<hbm>>
      %dma_wait3A_705 = arith.constant 0 : i32
      %dma_wait3A_706 = arith.constant 0 : i32
      %dma_wait3A_707 = tpu.memref_slice %arg14[%dma_wait3A_697, %dma_wait3A_705, %dma_wait3A_706] : memref<8x16x128xf32, #tpu.memory_space<vmem>> -> memref<1x16x128xf32, #tpu.memory_space<vmem>>
      %dma_wait3A_708 = tpu.memref_squeeze %dma_wait3A_707 : memref<1x16x128xf32, #tpu.memory_space<vmem>> -> memref<16x128xf32, #tpu.memory_space<vmem>>
      %dma_wait3A_709 = arith.constant 0 : i32
      %dma_wait3A_710 = arith.constant 0 : i32
      %dma_wait3A_711 = tpu.memref_slice %arg4[%dma_wait3A_709, %dma_wait3A_710] : memref<16x1000000xf32, #tpu.memory_space<hbm>> -> memref<16x128xf32, #tpu.memory_space<hbm>>
      tpu.wait_dma2 semaphore(%arg22 : memref<!tpu.dma_semaphore, #tpu.memory_space<semaphore_mem>>) src(%dma_wait3A_711 : memref<16x128xf32, #tpu.memory_space<hbm>>) dst(%dma_wait3A_708 : memref<16x128xf32, #tpu.memory_space<vmem>>)
      %dma_wait3A_712 = arith.constant 2 : i32
      %dma_wait3A_713 = arith.constant 0 : i32
      %dma_wait3A_714 = arith.constant 0 : i32
      %dma_wait3A_715 = tpu.memref_slice %arg15[%dma_wait3A_712, %dma_wait3A_713, %dma_wait3A_714] : memref<8x16x128xf32, #tpu.memory_space<vmem>> -> memref<1x16x128xf32, #tpu.memory_space<vmem>>
      %dma_wait3A_716 = tpu.memref_squeeze %dma_wait3A_715 : memref<1x16x128xf32, #tpu.memory_space<vmem>> -> memref<16x128xf32, #tpu.memory_space<vmem>>
      %dma_wait3A_717 = arith.constant 0 : i32
      %dma_wait3A_718 = arith.constant 0 : i32
      %dma_wait3A_719 = tpu.memref_slice %arg5[%dma_wait3A_717, %dma_wait3A_718] : memref<16x1000000xf32, #tpu.memory_space<hbm>> -> memref<16x128xf32, #tpu.memory_space<hbm>>
      %dma_wait3A_720 = arith.constant 0 : i32
      %dma_wait3A_721 = arith.constant 0 : i32
      %dma_wait3A_722 = tpu.memref_slice %arg15[%dma_wait3A_712, %dma_wait3A_720, %dma_wait3A_721] : memref<8x16x128xf32, #tpu.memory_space<vmem>> -> memref<1x16x128xf32, #tpu.memory_space<vmem>>
      %dma_wait3A_723 = tpu.memref_squeeze %dma_wait3A_722 : memref<1x16x128xf32, #tpu.memory_space<vmem>> -> memref<16x128xf32, #tpu.memory_space<vmem>>
      %dma_wait3A_724 = arith.constant 0 : i32
      %dma_wait3A_725 = arith.constant 0 : i32
      %dma_wait3A_726 = tpu.memref_slice %arg5[%dma_wait3A_724, %dma_wait3A_725] : memref<16x1000000xf32, #tpu.memory_space<hbm>> -> memref<16x128xf32, #tpu.memory_space<hbm>>
      tpu.wait_dma2 semaphore(%arg24 : memref<!tpu.dma_semaphore, #tpu.memory_space<semaphore_mem>>) src(%dma_wait3A_726 : memref<16x128xf32, #tpu.memory_space<hbm>>) dst(%dma_wait3A_723 : memref<16x128xf32, #tpu.memory_space<vmem>>)
      %dma_wait3A_727 = arith.constant 2 : i32
      %dma_wait3A_728 = arith.constant 0 : i32
      %dma_wait3A_729 = arith.constant 0 : i32
      %dma_wait3A_730 = tpu.memref_slice %arg16[%dma_wait3A_727, %dma_wait3A_728, %dma_wait3A_729] : memref<8x16x128xf32, #tpu.memory_space<vmem>> -> memref<1x16x128xf32, #tpu.memory_space<vmem>>
      %dma_wait3A_731 = tpu.memref_squeeze %dma_wait3A_730 : memref<1x16x128xf32, #tpu.memory_space<vmem>> -> memref<16x128xf32, #tpu.memory_space<vmem>>
      %dma_wait3A_732 = arith.constant 0 : i32
      %dma_wait3A_733 = arith.constant 0 : i32
      %dma_wait3A_734 = tpu.memref_slice %arg6[%dma_wait3A_732, %dma_wait3A_733] : memref<16x1000000xf32, #tpu.memory_space<hbm>> -> memref<16x128xf32, #tpu.memory_space<hbm>>
      %dma_wait3A_735 = arith.constant 0 : i32
      %dma_wait3A_736 = arith.constant 0 : i32
      %dma_wait3A_737 = tpu.memref_slice %arg16[%dma_wait3A_727, %dma_wait3A_735, %dma_wait3A_736] : memref<8x16x128xf32, #tpu.memory_space<vmem>> -> memref<1x16x128xf32, #tpu.memory_space<vmem>>
      %dma_wait3A_738 = tpu.memref_squeeze %dma_wait3A_737 : memref<1x16x128xf32, #tpu.memory_space<vmem>> -> memref<16x128xf32, #tpu.memory_space<vmem>>
      %dma_wait3A_739 = arith.constant 0 : i32
      %dma_wait3A_740 = arith.constant 0 : i32
      %dma_wait3A_741 = tpu.memref_slice %arg6[%dma_wait3A_739, %dma_wait3A_740] : memref<16x1000000xf32, #tpu.memory_space<hbm>> -> memref<16x128xf32, #tpu.memory_space<hbm>>
      tpu.wait_dma2 semaphore(%arg26 : memref<!tpu.dma_semaphore, #tpu.memory_space<semaphore_mem>>) src(%dma_wait3A_741 : memref<16x128xf32, #tpu.memory_space<hbm>>) dst(%dma_wait3A_738 : memref<16x128xf32, #tpu.memory_space<vmem>>)
      %dma_wait3A_742 = arith.constant 2 : i32
      %dma_wait3A_743 = arith.constant 0 : i32
      %dma_wait3A_744 = arith.constant 0 : i32
      %dma_wait3A_745 = tpu.memref_slice %arg17[%dma_wait3A_742, %dma_wait3A_743, %dma_wait3A_744] : memref<8x16x128xf32, #tpu.memory_space<vmem>> -> memref<1x16x128xf32, #tpu.memory_space<vmem>>
      %dma_wait3A_746 = tpu.memref_squeeze %dma_wait3A_745 : memref<1x16x128xf32, #tpu.memory_space<vmem>> -> memref<16x128xf32, #tpu.memory_space<vmem>>
      %dma_wait3A_747 = arith.constant 0 : i32
      %dma_wait3A_748 = arith.constant 0 : i32
      %dma_wait3A_749 = tpu.memref_slice %arg7[%dma_wait3A_747, %dma_wait3A_748] : memref<16x1000000xf32, #tpu.memory_space<hbm>> -> memref<16x128xf32, #tpu.memory_space<hbm>>
      %dma_wait3A_750 = arith.constant 0 : i32
      %dma_wait3A_751 = arith.constant 0 : i32
      %dma_wait3A_752 = tpu.memref_slice %arg17[%dma_wait3A_742, %dma_wait3A_750, %dma_wait3A_751] : memref<8x16x128xf32, #tpu.memory_space<vmem>> -> memref<1x16x128xf32, #tpu.memory_space<vmem>>
      %dma_wait3A_753 = tpu.memref_squeeze %dma_wait3A_752 : memref<1x16x128xf32, #tpu.memory_space<vmem>> -> memref<16x128xf32, #tpu.memory_space<vmem>>
      %dma_wait3A_754 = arith.constant 0 : i32
      %dma_wait3A_755 = arith.constant 0 : i32
      %dma_wait3A_756 = tpu.memref_slice %arg7[%dma_wait3A_754, %dma_wait3A_755] : memref<16x1000000xf32, #tpu.memory_space<hbm>> -> memref<16x128xf32, #tpu.memory_space<hbm>>
      tpu.wait_dma2 semaphore(%arg28 : memref<!tpu.dma_semaphore, #tpu.memory_space<semaphore_mem>>) src(%dma_wait3A_756 : memref<16x128xf32, #tpu.memory_space<hbm>>) dst(%dma_wait3A_753 : memref<16x128xf32, #tpu.memory_space<vmem>>)
      %dma_wait3A_757 = arith.constant 3 : i32
      %dma_wait3A_758 = arith.constant 0 : i32
      %dma_wait3A_759 = arith.constant 0 : i32
      %dma_wait3A_760 = tpu.memref_slice %arg14[%dma_wait3A_757, %dma_wait3A_758, %dma_wait3A_759] : memref<8x16x128xf32, #tpu.memory_space<vmem>> -> memref<1x16x128xf32, #tpu.memory_space<vmem>>
      %dma_wait3A_761 = tpu.memref_squeeze %dma_wait3A_760 : memref<1x16x128xf32, #tpu.memory_space<vmem>> -> memref<16x128xf32, #tpu.memory_space<vmem>>
      %dma_wait3A_762 = arith.constant 0 : i32
      %dma_wait3A_763 = arith.constant 0 : i32
      %dma_wait3A_764 = tpu.memref_slice %arg4[%dma_wait3A_762, %dma_wait3A_763] : memref<16x1000000xf32, #tpu.memory_space<hbm>> -> memref<16x128xf32, #tpu.memory_space<hbm>>
      %dma_wait3A_765 = arith.constant 0 : i32
      %dma_wait3A_766 = arith.constant 0 : i32
      %dma_wait3A_767 = tpu.memref_slice %arg14[%dma_wait3A_757, %dma_wait3A_765, %dma_wait3A_766] : memref<8x16x128xf32, #tpu.memory_space<vmem>> -> memref<1x16x128xf32, #tpu.memory_space<vmem>>
      %dma_wait3A_768 = tpu.memref_squeeze %dma_wait3A_767 : memref<1x16x128xf32, #tpu.memory_space<vmem>> -> memref<16x128xf32, #tpu.memory_space<vmem>>
      %dma_wait3A_769 = arith.constant 0 : i32
      %dma_wait3A_770 = arith.constant 0 : i32
      %dma_wait3A_771 = tpu.memref_slice %arg4[%dma_wait3A_769, %dma_wait3A_770] : memref<16x1000000xf32, #tpu.memory_space<hbm>> -> memref<16x128xf32, #tpu.memory_space<hbm>>
      tpu.wait_dma2 semaphore(%arg22 : memref<!tpu.dma_semaphore, #tpu.memory_space<semaphore_mem>>) src(%dma_wait3A_771 : memref<16x128xf32, #tpu.memory_space<hbm>>) dst(%dma_wait3A_768 : memref<16x128xf32, #tpu.memory_space<vmem>>)
      %dma_wait3A_772 = arith.constant 3 : i32
      %dma_wait3A_773 = arith.constant 0 : i32
      %dma_wait3A_774 = arith.constant 0 : i32
      %dma_wait3A_775 = tpu.memref_slice %arg15[%dma_wait3A_772, %dma_wait3A_773, %dma_wait3A_774] : memref<8x16x128xf32, #tpu.memory_space<vmem>> -> memref<1x16x128xf32, #tpu.memory_space<vmem>>
      %dma_wait3A_776 = tpu.memref_squeeze %dma_wait3A_775 : memref<1x16x128xf32, #tpu.memory_space<vmem>> -> memref<16x128xf32, #tpu.memory_space<vmem>>
      %dma_wait3A_777 = arith.constant 0 : i32
      %dma_wait3A_778 = arith.constant 0 : i32
      %dma_wait3A_779 = tpu.memref_slice %arg5[%dma_wait3A_777, %dma_wait3A_778] : memref<16x1000000xf32, #tpu.memory_space<hbm>> -> memref<16x128xf32, #tpu.memory_space<hbm>>
      %dma_wait3A_780 = arith.constant 0 : i32
      %dma_wait3A_781 = arith.constant 0 : i32
      %dma_wait3A_782 = tpu.memref_slice %arg15[%dma_wait3A_772, %dma_wait3A_780, %dma_wait3A_781] : memref<8x16x128xf32, #tpu.memory_space<vmem>> -> memref<1x16x128xf32, #tpu.memory_space<vmem>>
      %dma_wait3A_783 = tpu.memref_squeeze %dma_wait3A_782 : memref<1x16x128xf32, #tpu.memory_space<vmem>> -> memref<16x128xf32, #tpu.memory_space<vmem>>
      %dma_wait3A_784 = arith.constant 0 : i32
      %dma_wait3A_785 = arith.constant 0 : i32
      %dma_wait3A_786 = tpu.memref_slice %arg5[%dma_wait3A_784, %dma_wait3A_785] : memref<16x1000000xf32, #tpu.memory_space<hbm>> -> memref<16x128xf32, #tpu.memory_space<hbm>>
      tpu.wait_dma2 semaphore(%arg24 : memref<!tpu.dma_semaphore, #tpu.memory_space<semaphore_mem>>) src(%dma_wait3A_786 : memref<16x128xf32, #tpu.memory_space<hbm>>) dst(%dma_wait3A_783 : memref<16x128xf32, #tpu.memory_space<vmem>>)
      %dma_wait3A_787 = arith.constant 3 : i32
      %dma_wait3A_788 = arith.constant 0 : i32
      %dma_wait3A_789 = arith.constant 0 : i32
      %dma_wait3A_790 = tpu.memref_slice %arg16[%dma_wait3A_787, %dma_wait3A_788, %dma_wait3A_789] : memref<8x16x128xf32, #tpu.memory_space<vmem>> -> memref<1x16x128xf32, #tpu.memory_space<vmem>>
      %dma_wait3A_791 = tpu.memref_squeeze %dma_wait3A_790 : memref<1x16x128xf32, #tpu.memory_space<vmem>> -> memref<16x128xf32, #tpu.memory_space<vmem>>
      %dma_wait3A_792 = arith.constant 0 : i32
      %dma_wait3A_793 = arith.constant 0 : i32
      %dma_wait3A_794 = tpu.memref_slice %arg6[%dma_wait3A_792, %dma_wait3A_793] : memref<16x1000000xf32, #tpu.memory_space<hbm>> -> memref<16x128xf32, #tpu.memory_space<hbm>>
      %dma_wait3A_795 = arith.constant 0 : i32
      %dma_wait3A_796 = arith.constant 0 : i32
      %dma_wait3A_797 = tpu.memref_slice %arg16[%dma_wait3A_787, %dma_wait3A_795, %dma_wait3A_796] : memref<8x16x128xf32, #tpu.memory_space<vmem>> -> memref<1x16x128xf32, #tpu.memory_space<vmem>>
      %dma_wait3A_798 = tpu.memref_squeeze %dma_wait3A_797 : memref<1x16x128xf32, #tpu.memory_space<vmem>> -> memref<16x128xf32, #tpu.memory_space<vmem>>
      %dma_wait3A_799 = arith.constant 0 : i32
      %dma_wait3A_800 = arith.constant 0 : i32
      %dma_wait3A_801 = tpu.memref_slice %arg6[%dma_wait3A_799, %dma_wait3A_800] : memref<16x1000000xf32, #tpu.memory_space<hbm>> -> memref<16x128xf32, #tpu.memory_space<hbm>>
      tpu.wait_dma2 semaphore(%arg26 : memref<!tpu.dma_semaphore, #tpu.memory_space<semaphore_mem>>) src(%dma_wait3A_801 : memref<16x128xf32, #tpu.memory_space<hbm>>) dst(%dma_wait3A_798 : memref<16x128xf32, #tpu.memory_space<vmem>>)
      %dma_wait3A_802 = arith.constant 3 : i32
      %dma_wait3A_803 = arith.constant 0 : i32
      %dma_wait3A_804 = arith.constant 0 : i32
      %dma_wait3A_805 = tpu.memref_slice %arg17[%dma_wait3A_802, %dma_wait3A_803, %dma_wait3A_804] : memref<8x16x128xf32, #tpu.memory_space<vmem>> -> memref<1x16x128xf32, #tpu.memory_space<vmem>>
      %dma_wait3A_806 = tpu.memref_squeeze %dma_wait3A_805 : memref<1x16x128xf32, #tpu.memory_space<vmem>> -> memref<16x128xf32, #tpu.memory_space<vmem>>
      %dma_wait3A_807 = arith.constant 0 : i32
      %dma_wait3A_808 = arith.constant 0 : i32
      %dma_wait3A_809 = tpu.memref_slice %arg7[%dma_wait3A_807, %dma_wait3A_808] : memref<16x1000000xf32, #tpu.memory_space<hbm>> -> memref<16x128xf32, #tpu.memory_space<hbm>>
      %dma_wait3A_810 = arith.constant 0 : i32
      %dma_wait3A_811 = arith.constant 0 : i32
      %dma_wait3A_812 = tpu.memref_slice %arg17[%dma_wait3A_802, %dma_wait3A_810, %dma_wait3A_811] : memref<8x16x128xf32, #tpu.memory_space<vmem>> -> memref<1x16x128xf32, #tpu.memory_space<vmem>>
      %dma_wait3A_813 = tpu.memref_squeeze %dma_wait3A_812 : memref<1x16x128xf32, #tpu.memory_space<vmem>> -> memref<16x128xf32, #tpu.memory_space<vmem>>
      %dma_wait3A_814 = arith.constant 0 : i32
      %dma_wait3A_815 = arith.constant 0 : i32
      %dma_wait3A_816 = tpu.memref_slice %arg7[%dma_wait3A_814, %dma_wait3A_815] : memref<16x1000000xf32, #tpu.memory_space<hbm>> -> memref<16x128xf32, #tpu.memory_space<hbm>>
      tpu.wait_dma2 semaphore(%arg28 : memref<!tpu.dma_semaphore, #tpu.memory_space<semaphore_mem>>) src(%dma_wait3A_816 : memref<16x128xf32, #tpu.memory_space<hbm>>) dst(%dma_wait3A_813 : memref<16x128xf32, #tpu.memory_space<vmem>>)
      %mul3A_817 = arith.constant 4 : i32
      %mul3A_818 = arith.muli %mul3A_279, %mul3A_817 : i32
      %add3A_819 = arith.constant 0 : i32
      %add3A_820 = arith.addi %mul3A_818, %add3A_819 : i32
      %slice3A_821 = vector.extract_strided_slice %get3A_285 {offsets = [0], sizes = [1], strides = [1]} : vector<16xi32> to vector<1xi32>
      %squeeze3A_822 = vector.extract %slice3A_821[0] : i32 from vector<1xi32>
      %and3A_823 = arith.constant 127 : i32
      %and3A_824 = arith.andi %squeeze3A_822, %and3A_823 : i32
      %broadcast_in_dim3A = arith.constant 0 : i32
      %broadcast_in_dim3A_825 = vector.broadcast %broadcast_in_dim3A : i32 to vector<16xi32>
      %broadcast_in_dim3A_826 = vector.broadcast %and3A_824 : i32 to vector<16xi32>
      %gather3A = tpu.vector_load_idx %arg14[%broadcast_in_dim3A_825, %iota3A, %broadcast_in_dim3A_826] : memref<8x16x128xf32, #tpu.memory_space<vmem>>[vector<16xi32>, vector<16xi32>, vector<16xi32>], vector<16xf32>,
      %broadcast_in_dim3A_827 = vector.broadcast %add3A_820 : i32 to vector<16xi32>
      tpu.vector_store_idx %arg18[%iota3A, %broadcast_in_dim3A_827], %gather3A : memref<16x512xf32, #tpu.memory_space<vmem>>[vector<16xi32>, vector<16xi32>], vector<16xf32>,
      %slice3A_828 = vector.extract_strided_slice %get3A_291 {offsets = [0], sizes = [1], strides = [1]} : vector<16xi32> to vector<1xi32>
      %squeeze3A_829 = vector.extract %slice3A_828[0] : i32 from vector<1xi32>
      %and3A_830 = arith.constant 127 : i32
      %and3A_831 = arith.andi %squeeze3A_829, %and3A_830 : i32
      %broadcast_in_dim3A_832 = arith.constant 0 : i32
      %broadcast_in_dim3A_833 = vector.broadcast %broadcast_in_dim3A_832 : i32 to vector<16xi32>
      %broadcast_in_dim3A_834 = vector.broadcast %and3A_831 : i32 to vector<16xi32>
      %gather3A_835 = tpu.vector_load_idx %arg15[%broadcast_in_dim3A_833, %iota3A, %broadcast_in_dim3A_834] : memref<8x16x128xf32, #tpu.memory_space<vmem>>[vector<16xi32>, vector<16xi32>, vector<16xi32>], vector<16xf32>,
      %broadcast_in_dim3A_836 = vector.broadcast %add3A_820 : i32 to vector<16xi32>
      tpu.vector_store_idx %arg19[%iota3A, %broadcast_in_dim3A_836], %gather3A_835 : memref<16x512xf32, #tpu.memory_space<vmem>>[vector<16xi32>, vector<16xi32>], vector<16xf32>,
      %slice3A_837 = vector.extract_strided_slice %get3A_285 {offsets = [0], sizes = [1], strides = [1]} : vector<16xi32> to vector<1xi32>
      %squeeze3A_838 = vector.extract %slice3A_837[0] : i32 from vector<1xi32>
      %and3A_839 = arith.constant 127 : i32
      %and3A_840 = arith.andi %squeeze3A_838, %and3A_839 : i32
      %broadcast_in_dim3A_841 = arith.constant 0 : i32
      %broadcast_in_dim3A_842 = vector.broadcast %broadcast_in_dim3A_841 : i32 to vector<16xi32>
      %broadcast_in_dim3A_843 = vector.broadcast %and3A_840 : i32 to vector<16xi32>
      %gather3A_844 = tpu.vector_load_idx %arg16[%broadcast_in_dim3A_842, %iota3A, %broadcast_in_dim3A_843] : memref<8x16x128xf32, #tpu.memory_space<vmem>>[vector<16xi32>, vector<16xi32>, vector<16xi32>], vector<16xf32>,
      %broadcast_in_dim3A_845 = vector.broadcast %add3A_820 : i32 to vector<16xi32>
      tpu.vector_store_idx %arg20[%iota3A, %broadcast_in_dim3A_845], %gather3A_844 : memref<16x512xf32, #tpu.memory_space<vmem>>[vector<16xi32>, vector<16xi32>], vector<16xf32>,
      %slice3A_846 = vector.extract_strided_slice %get3A_291 {offsets = [0], sizes = [1], strides = [1]} : vector<16xi32> to vector<1xi32>
      %squeeze3A_847 = vector.extract %slice3A_846[0] : i32 from vector<1xi32>
      %and3A_848 = arith.constant 127 : i32
      %and3A_849 = arith.andi %squeeze3A_847, %and3A_848 : i32
      %broadcast_in_dim3A_850 = arith.constant 0 : i32
      %broadcast_in_dim3A_851 = vector.broadcast %broadcast_in_dim3A_850 : i32 to vector<16xi32>
      %broadcast_in_dim3A_852 = vector.broadcast %and3A_849 : i32 to vector<16xi32>
      %gather3A_853 = tpu.vector_load_idx %arg17[%broadcast_in_dim3A_851, %iota3A, %broadcast_in_dim3A_852] : memref<8x16x128xf32, #tpu.memory_space<vmem>>[vector<16xi32>, vector<16xi32>, vector<16xi32>], vector<16xf32>,
      %broadcast_in_dim3A_854 = vector.broadcast %add3A_820 : i32 to vector<16xi32>
      tpu.vector_store_idx %arg21[%iota3A, %broadcast_in_dim3A_854], %gather3A_853 : memref<16x512xf32, #tpu.memory_space<vmem>>[vector<16xi32>, vector<16xi32>], vector<16xf32>,
      %mul3A_855 = arith.constant 4 : i32
      %mul3A_856 = arith.muli %mul3A_279, %mul3A_855 : i32
      %add3A_857 = arith.constant 1 : i32
      %add3A_858 = arith.addi %mul3A_856, %add3A_857 : i32
      %slice3A_859 = vector.extract_strided_slice %get3A_285 {offsets = [1], sizes = [1], strides = [1]} : vector<16xi32> to vector<1xi32>
      %squeeze3A_860 = vector.extract %slice3A_859[0] : i32 from vector<1xi32>
      %and3A_861 = arith.constant 127 : i32
      %and3A_862 = arith.andi %squeeze3A_860, %and3A_861 : i32
      %broadcast_in_dim3A_863 = arith.constant 1 : i32
      %broadcast_in_dim3A_864 = vector.broadcast %broadcast_in_dim3A_863 : i32 to vector<16xi32>
      %broadcast_in_dim3A_865 = vector.broadcast %and3A_862 : i32 to vector<16xi32>
      %gather3A_866 = tpu.vector_load_idx %arg14[%broadcast_in_dim3A_864, %iota3A, %broadcast_in_dim3A_865] : memref<8x16x128xf32, #tpu.memory_space<vmem>>[vector<16xi32>, vector<16xi32>, vector<16xi32>], vector<16xf32>,
      %broadcast_in_dim3A_867 = vector.broadcast %add3A_858 : i32 to vector<16xi32>
      tpu.vector_store_idx %arg18[%iota3A, %broadcast_in_dim3A_867], %gather3A_866 : memref<16x512xf32, #tpu.memory_space<vmem>>[vector<16xi32>, vector<16xi32>], vector<16xf32>,
      %slice3A_868 = vector.extract_strided_slice %get3A_291 {offsets = [1], sizes = [1], strides = [1]} : vector<16xi32> to vector<1xi32>
      %squeeze3A_869 = vector.extract %slice3A_868[0] : i32 from vector<1xi32>
      %and3A_870 = arith.constant 127 : i32
      %and3A_871 = arith.andi %squeeze3A_869, %and3A_870 : i32
      %broadcast_in_dim3A_872 = arith.constant 1 : i32
      %broadcast_in_dim3A_873 = vector.broadcast %broadcast_in_dim3A_872 : i32 to vector<16xi32>
      %broadcast_in_dim3A_874 = vector.broadcast %and3A_871 : i32 to vector<16xi32>
      %gather3A_875 = tpu.vector_load_idx %arg15[%broadcast_in_dim3A_873, %iota3A, %broadcast_in_dim3A_874] : memref<8x16x128xf32, #tpu.memory_space<vmem>>[vector<16xi32>, vector<16xi32>, vector<16xi32>], vector<16xf32>,
      %broadcast_in_dim3A_876 = vector.broadcast %add3A_858 : i32 to vector<16xi32>
      tpu.vector_store_idx %arg19[%iota3A, %broadcast_in_dim3A_876], %gather3A_875 : memref<16x512xf32, #tpu.memory_space<vmem>>[vector<16xi32>, vector<16xi32>], vector<16xf32>,
      %slice3A_877 = vector.extract_strided_slice %get3A_285 {offsets = [1], sizes = [1], strides = [1]} : vector<16xi32> to vector<1xi32>
      %squeeze3A_878 = vector.extract %slice3A_877[0] : i32 from vector<1xi32>
      %and3A_879 = arith.constant 127 : i32
      %and3A_880 = arith.andi %squeeze3A_878, %and3A_879 : i32
      %broadcast_in_dim3A_881 = arith.constant 1 : i32
      %broadcast_in_dim3A_882 = vector.broadcast %broadcast_in_dim3A_881 : i32 to vector<16xi32>
      %broadcast_in_dim3A_883 = vector.broadcast %and3A_880 : i32 to vector<16xi32>
      %gather3A_884 = tpu.vector_load_idx %arg16[%broadcast_in_dim3A_882, %iota3A, %broadcast_in_dim3A_883] : memref<8x16x128xf32, #tpu.memory_space<vmem>>[vector<16xi32>, vector<16xi32>, vector<16xi32>], vector<16xf32>,
      %broadcast_in_dim3A_885 = vector.broadcast %add3A_858 : i32 to vector<16xi32>
      tpu.vector_store_idx %arg20[%iota3A, %broadcast_in_dim3A_885], %gather3A_884 : memref<16x512xf32, #tpu.memory_space<vmem>>[vector<16xi32>, vector<16xi32>], vector<16xf32>,
      %slice3A_886 = vector.extract_strided_slice %get3A_291 {offsets = [1], sizes = [1], strides = [1]} : vector<16xi32> to vector<1xi32>
      %squeeze3A_887 = vector.extract %slice3A_886[0] : i32 from vector<1xi32>
      %and3A_888 = arith.constant 127 : i32
      %and3A_889 = arith.andi %squeeze3A_887, %and3A_888 : i32
      %broadcast_in_dim3A_890 = arith.constant 1 : i32
      %broadcast_in_dim3A_891 = vector.broadcast %broadcast_in_dim3A_890 : i32 to vector<16xi32>
      %broadcast_in_dim3A_892 = vector.broadcast %and3A_889 : i32 to vector<16xi32>
      %gather3A_893 = tpu.vector_load_idx %arg17[%broadcast_in_dim3A_891, %iota3A, %broadcast_in_dim3A_892] : memref<8x16x128xf32, #tpu.memory_space<vmem>>[vector<16xi32>, vector<16xi32>, vector<16xi32>], vector<16xf32>,
      %broadcast_in_dim3A_894 = vector.broadcast %add3A_858 : i32 to vector<16xi32>
      tpu.vector_store_idx %arg21[%iota3A, %broadcast_in_dim3A_894], %gather3A_893 : memref<16x512xf32, #tpu.memory_space<vmem>>[vector<16xi32>, vector<16xi32>], vector<16xf32>,
      %mul3A_895 = arith.constant 4 : i32
      %mul3A_896 = arith.muli %mul3A_279, %mul3A_895 : i32
      %add3A_897 = arith.constant 2 : i32
      %add3A_898 = arith.addi %mul3A_896, %add3A_897 : i32
      %slice3A_899 = vector.extract_strided_slice %get3A_285 {offsets = [2], sizes = [1], strides = [1]} : vector<16xi32> to vector<1xi32>
      %squeeze3A_900 = vector.extract %slice3A_899[0] : i32 from vector<1xi32>
      %and3A_901 = arith.constant 127 : i32
      %and3A_902 = arith.andi %squeeze3A_900, %and3A_901 : i32
      %broadcast_in_dim3A_903 = arith.constant 2 : i32
      %broadcast_in_dim3A_904 = vector.broadcast %broadcast_in_dim3A_903 : i32 to vector<16xi32>
      %broadcast_in_dim3A_905 = vector.broadcast %and3A_902 : i32 to vector<16xi32>
      %gather3A_906 = tpu.vector_load_idx %arg14[%broadcast_in_dim3A_904, %iota3A, %broadcast_in_dim3A_905] : memref<8x16x128xf32, #tpu.memory_space<vmem>>[vector<16xi32>, vector<16xi32>, vector<16xi32>], vector<16xf32>,
      %broadcast_in_dim3A_907 = vector.broadcast %add3A_898 : i32 to vector<16xi32>
      tpu.vector_store_idx %arg18[%iota3A, %broadcast_in_dim3A_907], %gather3A_906 : memref<16x512xf32, #tpu.memory_space<vmem>>[vector<16xi32>, vector<16xi32>], vector<16xf32>,
      %slice3A_908 = vector.extract_strided_slice %get3A_291 {offsets = [2], sizes = [1], strides = [1]} : vector<16xi32> to vector<1xi32>
      %squeeze3A_909 = vector.extract %slice3A_908[0] : i32 from vector<1xi32>
      %and3A_910 = arith.constant 127 : i32
      %and3A_911 = arith.andi %squeeze3A_909, %and3A_910 : i32
      %broadcast_in_dim3A_912 = arith.constant 2 : i32
      %broadcast_in_dim3A_913 = vector.broadcast %broadcast_in_dim3A_912 : i32 to vector<16xi32>
      %broadcast_in_dim3A_914 = vector.broadcast %and3A_911 : i32 to vector<16xi32>
      %gather3A_915 = tpu.vector_load_idx %arg15[%broadcast_in_dim3A_913, %iota3A, %broadcast_in_dim3A_914] : memref<8x16x128xf32, #tpu.memory_space<vmem>>[vector<16xi32>, vector<16xi32>, vector<16xi32>], vector<16xf32>,
      %broadcast_in_dim3A_916 = vector.broadcast %add3A_898 : i32 to vector<16xi32>
      tpu.vector_store_idx %arg19[%iota3A, %broadcast_in_dim3A_916], %gather3A_915 : memref<16x512xf32, #tpu.memory_space<vmem>>[vector<16xi32>, vector<16xi32>], vector<16xf32>,
      %slice3A_917 = vector.extract_strided_slice %get3A_285 {offsets = [2], sizes = [1], strides = [1]} : vector<16xi32> to vector<1xi32>
      %squeeze3A_918 = vector.extract %slice3A_917[0] : i32 from vector<1xi32>
      %and3A_919 = arith.constant 127 : i32
      %and3A_920 = arith.andi %squeeze3A_918, %and3A_919 : i32
      %broadcast_in_dim3A_921 = arith.constant 2 : i32
      %broadcast_in_dim3A_922 = vector.broadcast %broadcast_in_dim3A_921 : i32 to vector<16xi32>
      %broadcast_in_dim3A_923 = vector.broadcast %and3A_920 : i32 to vector<16xi32>
      %gather3A_924 = tpu.vector_load_idx %arg16[%broadcast_in_dim3A_922, %iota3A, %broadcast_in_dim3A_923] : memref<8x16x128xf32, #tpu.memory_space<vmem>>[vector<16xi32>, vector<16xi32>, vector<16xi32>], vector<16xf32>,
      %broadcast_in_dim3A_925 = vector.broadcast %add3A_898 : i32 to vector<16xi32>
      tpu.vector_store_idx %arg20[%iota3A, %broadcast_in_dim3A_925], %gather3A_924 : memref<16x512xf32, #tpu.memory_space<vmem>>[vector<16xi32>, vector<16xi32>], vector<16xf32>,
      %slice3A_926 = vector.extract_strided_slice %get3A_291 {offsets = [2], sizes = [1], strides = [1]} : vector<16xi32> to vector<1xi32>
      %squeeze3A_927 = vector.extract %slice3A_926[0] : i32 from vector<1xi32>
      %and3A_928 = arith.constant 127 : i32
      %and3A_929 = arith.andi %squeeze3A_927, %and3A_928 : i32
      %broadcast_in_dim3A_930 = arith.constant 2 : i32
      %broadcast_in_dim3A_931 = vector.broadcast %broadcast_in_dim3A_930 : i32 to vector<16xi32>
      %broadcast_in_dim3A_932 = vector.broadcast %and3A_929 : i32 to vector<16xi32>
      %gather3A_933 = tpu.vector_load_idx %arg17[%broadcast_in_dim3A_931, %iota3A, %broadcast_in_dim3A_932] : memref<8x16x128xf32, #tpu.memory_space<vmem>>[vector<16xi32>, vector<16xi32>, vector<16xi32>], vector<16xf32>,
      %broadcast_in_dim3A_934 = vector.broadcast %add3A_898 : i32 to vector<16xi32>
      tpu.vector_store_idx %arg21[%iota3A, %broadcast_in_dim3A_934], %gather3A_933 : memref<16x512xf32, #tpu.memory_space<vmem>>[vector<16xi32>, vector<16xi32>], vector<16xf32>,
      %mul3A_935 = arith.constant 4 : i32
      %mul3A_936 = arith.muli %mul3A_279, %mul3A_935 : i32
      %add3A_937 = arith.constant 3 : i32
      %add3A_938 = arith.addi %mul3A_936, %add3A_937 : i32
      %slice3A_939 = vector.extract_strided_slice %get3A_285 {offsets = [3], sizes = [1], strides = [1]} : vector<16xi32> to vector<1xi32>
      %squeeze3A_940 = vector.extract %slice3A_939[0] : i32 from vector<1xi32>
      %and3A_941 = arith.constant 127 : i32
      %and3A_942 = arith.andi %squeeze3A_940, %and3A_941 : i32
      %broadcast_in_dim3A_943 = arith.constant 3 : i32
      %broadcast_in_dim3A_944 = vector.broadcast %broadcast_in_dim3A_943 : i32 to vector<16xi32>
      %broadcast_in_dim3A_945 = vector.broadcast %and3A_942 : i32 to vector<16xi32>
      %gather3A_946 = tpu.vector_load_idx %arg14[%broadcast_in_dim3A_944, %iota3A, %broadcast_in_dim3A_945] : memref<8x16x128xf32, #tpu.memory_space<vmem>>[vector<16xi32>, vector<16xi32>, vector<16xi32>], vector<16xf32>,
      %broadcast_in_dim3A_947 = vector.broadcast %add3A_938 : i32 to vector<16xi32>
      tpu.vector_store_idx %arg18[%iota3A, %broadcast_in_dim3A_947], %gather3A_946 : memref<16x512xf32, #tpu.memory_space<vmem>>[vector<16xi32>, vector<16xi32>], vector<16xf32>,
      %slice3A_948 = vector.extract_strided_slice %get3A_291 {offsets = [3], sizes = [1], strides = [1]} : vector<16xi32> to vector<1xi32>
      %squeeze3A_949 = vector.extract %slice3A_948[0] : i32 from vector<1xi32>
      %and3A_950 = arith.constant 127 : i32
      %and3A_951 = arith.andi %squeeze3A_949, %and3A_950 : i32
      %broadcast_in_dim3A_952 = arith.constant 3 : i32
      %broadcast_in_dim3A_953 = vector.broadcast %broadcast_in_dim3A_952 : i32 to vector<16xi32>
      %broadcast_in_dim3A_954 = vector.broadcast %and3A_951 : i32 to vector<16xi32>
      %gather3A_955 = tpu.vector_load_idx %arg15[%broadcast_in_dim3A_953, %iota3A, %broadcast_in_dim3A_954] : memref<8x16x128xf32, #tpu.memory_space<vmem>>[vector<16xi32>, vector<16xi32>, vector<16xi32>], vector<16xf32>,
      %broadcast_in_dim3A_956 = vector.broadcast %add3A_938 : i32 to vector<16xi32>
      tpu.vector_store_idx %arg19[%iota3A, %broadcast_in_dim3A_956], %gather3A_955 : memref<16x512xf32, #tpu.memory_space<vmem>>[vector<16xi32>, vector<16xi32>], vector<16xf32>,
      %slice3A_957 = vector.extract_strided_slice %get3A_285 {offsets = [3], sizes = [1], strides = [1]} : vector<16xi32> to vector<1xi32>
      %squeeze3A_958 = vector.extract %slice3A_957[0] : i32 from vector<1xi32>
      %and3A_959 = arith.constant 127 : i32
      %and3A_960 = arith.andi %squeeze3A_958, %and3A_959 : i32
      %broadcast_in_dim3A_961 = arith.constant 3 : i32
      %broadcast_in_dim3A_962 = vector.broadcast %broadcast_in_dim3A_961 : i32 to vector<16xi32>
      %broadcast_in_dim3A_963 = vector.broadcast %and3A_960 : i32 to vector<16xi32>
      %gather3A_964 = tpu.vector_load_idx %arg16[%broadcast_in_dim3A_962, %iota3A, %broadcast_in_dim3A_963] : memref<8x16x128xf32, #tpu.memory_space<vmem>>[vector<16xi32>, vector<16xi32>, vector<16xi32>], vector<16xf32>,
      %broadcast_in_dim3A_965 = vector.broadcast %add3A_938 : i32 to vector<16xi32>
      tpu.vector_store_idx %arg20[%iota3A, %broadcast_in_dim3A_965], %gather3A_964 : memref<16x512xf32, #tpu.memory_space<vmem>>[vector<16xi32>, vector<16xi32>], vector<16xf32>,
      %slice3A_966 = vector.extract_strided_slice %get3A_291 {offsets = [3], sizes = [1], strides = [1]} : vector<16xi32> to vector<1xi32>
      %squeeze3A_967 = vector.extract %slice3A_966[0] : i32 from vector<1xi32>
      %and3A_968 = arith.constant 127 : i32
      %and3A_969 = arith.andi %squeeze3A_967, %and3A_968 : i32
      %broadcast_in_dim3A_970 = arith.constant 3 : i32
      %broadcast_in_dim3A_971 = vector.broadcast %broadcast_in_dim3A_970 : i32 to vector<16xi32>
      %broadcast_in_dim3A_972 = vector.broadcast %and3A_969 : i32 to vector<16xi32>
      %gather3A_973 = tpu.vector_load_idx %arg17[%broadcast_in_dim3A_971, %iota3A, %broadcast_in_dim3A_972] : memref<8x16x128xf32, #tpu.memory_space<vmem>>[vector<16xi32>, vector<16xi32>, vector<16xi32>], vector<16xf32>,
      %broadcast_in_dim3A_974 = vector.broadcast %add3A_938 : i32 to vector<16xi32>
      tpu.vector_store_idx %arg21[%iota3A, %broadcast_in_dim3A_974], %gather3A_973 : memref<16x512xf32, #tpu.memory_space<vmem>>[vector<16xi32>, vector<16xi32>], vector<16xf32>,
      %add3A_975 = arith.constant 1 : i32
      %add3A_976 = arith.addi %scan3A_277, %add3A_975 : i32
      %lt3A = arith.constant 64 : i32
      %lt3A_977 = arith.cmpi slt, %add3A_976, %lt3A : i32
      %convert_element_type3A = arith.extui %lt3A_977 : i1 to i32
      %cond3A = arith.constant 0 : i32
      %cond3A_978 = arith.cmpi ne, %convert_element_type3A, %cond3A : i32
      scf.if %cond3A_978 {
        %slice3A_1381 = vector.extract_strided_slice %get3A_299 {offsets = [0], sizes = [1], strides = [1]} : vector<16xi32> to vector<1xi32>
        %squeeze3A_1382 = vector.extract %slice3A_1381[0] : i32 from vector<1xi32>
        %slice3A_1383 = vector.extract_strided_slice %get3A_305 {offsets = [0], sizes = [1], strides = [1]} : vector<16xi32> to vector<1xi32>
        %squeeze3A_1384 = vector.extract %slice3A_1383[0] : i32 from vector<1xi32>
        %and3A_1385 = arith.constant -128 : i32
        %and3A_1386 = arith.andi %squeeze3A_1382, %and3A_1385 : i32
        %multiple_of3A_1387 = tpu.assume_multiple %and3A_1386, 128 : i32
        %dma_start3A_1388 = arith.constant 0 : i32
        %dma_start3A_1389 = arith.constant 0 : i32
        %dma_start3A_1390 = arith.constant 0 : i32
        %dma_start3A_1391 = tpu.memref_slice %arg14[%dma_start3A_1388, %dma_start3A_1389, %dma_start3A_1390] : memref<8x16x128xf32, #tpu.memory_space<vmem>> -> memref<1x16x128xf32, #tpu.memory_space<vmem>>
        %dma_start3A_1392 = tpu.memref_squeeze %dma_start3A_1391 : memref<1x16x128xf32, #tpu.memory_space<vmem>> -> memref<16x128xf32, #tpu.memory_space<vmem>>
        %dma_start3A_1393 = arith.constant 0 : i32
        %dma_start3A_1394 = tpu.memref_slice %arg4[%dma_start3A_1393, %multiple_of3A_1387] : memref<16x1000000xf32, #tpu.memory_space<hbm>> -> memref<16x128xf32, #tpu.memory_space<hbm>>
        %dma_start3A_1395 = arith.constant 0 : i32
        %dma_start3A_1396 = arith.constant 0 : i32
        %dma_start3A_1397 = tpu.memref_slice %arg14[%dma_start3A_1388, %dma_start3A_1395, %dma_start3A_1396] : memref<8x16x128xf32, #tpu.memory_space<vmem>> -> memref<1x16x128xf32, #tpu.memory_space<vmem>>
        %dma_start3A_1398 = tpu.memref_squeeze %dma_start3A_1397 : memref<1x16x128xf32, #tpu.memory_space<vmem>> -> memref<16x128xf32, #tpu.memory_space<vmem>>
        %dma_start3A_1399 = arith.constant 0 : i32
        %dma_start3A_1400 = tpu.memref_slice %arg4[%dma_start3A_1399, %multiple_of3A_1387] : memref<16x1000000xf32, #tpu.memory_space<hbm>> -> memref<16x128xf32, #tpu.memory_space<hbm>>
        tpu.enqueue_dma source(%dma_start3A_1400 : memref<16x128xf32, #tpu.memory_space<hbm>>) target(%dma_start3A_1398 : memref<16x128xf32, #tpu.memory_space<vmem>>) target_semaphore(%arg22 : memref<!tpu.dma_semaphore, #tpu.memory_space<semaphore_mem>>)
        %and3A_1401 = arith.constant -128 : i32
        %and3A_1402 = arith.andi %squeeze3A_1384, %and3A_1401 : i32
        %multiple_of3A_1403 = tpu.assume_multiple %and3A_1402, 128 : i32
        %dma_start3A_1404 = arith.constant 0 : i32
        %dma_start3A_1405 = arith.constant 0 : i32
        %dma_start3A_1406 = arith.constant 0 : i32
        %dma_start3A_1407 = tpu.memref_slice %arg15[%dma_start3A_1404, %dma_start3A_1405, %dma_start3A_1406] : memref<8x16x128xf32, #tpu.memory_space<vmem>> -> memref<1x16x128xf32, #tpu.memory_space<vmem>>
        %dma_start3A_1408 = tpu.memref_squeeze %dma_start3A_1407 : memref<1x16x128xf32, #tpu.memory_space<vmem>> -> memref<16x128xf32, #tpu.memory_space<vmem>>
        %dma_start3A_1409 = arith.constant 0 : i32
        %dma_start3A_1410 = tpu.memref_slice %arg5[%dma_start3A_1409, %multiple_of3A_1403] : memref<16x1000000xf32, #tpu.memory_space<hbm>> -> memref<16x128xf32, #tpu.memory_space<hbm>>
        %dma_start3A_1411 = arith.constant 0 : i32
        %dma_start3A_1412 = arith.constant 0 : i32
        %dma_start3A_1413 = tpu.memref_slice %arg15[%dma_start3A_1404, %dma_start3A_1411, %dma_start3A_1412] : memref<8x16x128xf32, #tpu.memory_space<vmem>> -> memref<1x16x128xf32, #tpu.memory_space<vmem>>
        %dma_start3A_1414 = tpu.memref_squeeze %dma_start3A_1413 : memref<1x16x128xf32, #tpu.memory_space<vmem>> -> memref<16x128xf32, #tpu.memory_space<vmem>>
        %dma_start3A_1415 = arith.constant 0 : i32
        %dma_start3A_1416 = tpu.memref_slice %arg5[%dma_start3A_1415, %multiple_of3A_1403] : memref<16x1000000xf32, #tpu.memory_space<hbm>> -> memref<16x128xf32, #tpu.memory_space<hbm>>
        tpu.enqueue_dma source(%dma_start3A_1416 : memref<16x128xf32, #tpu.memory_space<hbm>>) target(%dma_start3A_1414 : memref<16x128xf32, #tpu.memory_space<vmem>>) target_semaphore(%arg24 : memref<!tpu.dma_semaphore, #tpu.memory_space<semaphore_mem>>)
        %and3A_1417 = arith.constant -128 : i32
        %and3A_1418 = arith.andi %squeeze3A_1382, %and3A_1417 : i32
        %multiple_of3A_1419 = tpu.assume_multiple %and3A_1418, 128 : i32
        %dma_start3A_1420 = arith.constant 0 : i32
        %dma_start3A_1421 = arith.constant 0 : i32
        %dma_start3A_1422 = arith.constant 0 : i32
        %dma_start3A_1423 = tpu.memref_slice %arg16[%dma_start3A_1420, %dma_start3A_1421, %dma_start3A_1422] : memref<8x16x128xf32, #tpu.memory_space<vmem>> -> memref<1x16x128xf32, #tpu.memory_space<vmem>>
        %dma_start3A_1424 = tpu.memref_squeeze %dma_start3A_1423 : memref<1x16x128xf32, #tpu.memory_space<vmem>> -> memref<16x128xf32, #tpu.memory_space<vmem>>
        %dma_start3A_1425 = arith.constant 0 : i32
        %dma_start3A_1426 = tpu.memref_slice %arg6[%dma_start3A_1425, %multiple_of3A_1419] : memref<16x1000000xf32, #tpu.memory_space<hbm>> -> memref<16x128xf32, #tpu.memory_space<hbm>>
        %dma_start3A_1427 = arith.constant 0 : i32
        %dma_start3A_1428 = arith.constant 0 : i32
        %dma_start3A_1429 = tpu.memref_slice %arg16[%dma_start3A_1420, %dma_start3A_1427, %dma_start3A_1428] : memref<8x16x128xf32, #tpu.memory_space<vmem>> -> memref<1x16x128xf32, #tpu.memory_space<vmem>>
        %dma_start3A_1430 = tpu.memref_squeeze %dma_start3A_1429 : memref<1x16x128xf32, #tpu.memory_space<vmem>> -> memref<16x128xf32, #tpu.memory_space<vmem>>
        %dma_start3A_1431 = arith.constant 0 : i32
        %dma_start3A_1432 = tpu.memref_slice %arg6[%dma_start3A_1431, %multiple_of3A_1419] : memref<16x1000000xf32, #tpu.memory_space<hbm>> -> memref<16x128xf32, #tpu.memory_space<hbm>>
        tpu.enqueue_dma source(%dma_start3A_1432 : memref<16x128xf32, #tpu.memory_space<hbm>>) target(%dma_start3A_1430 : memref<16x128xf32, #tpu.memory_space<vmem>>) target_semaphore(%arg26 : memref<!tpu.dma_semaphore, #tpu.memory_space<semaphore_mem>>)
        %and3A_1433 = arith.constant -128 : i32
        %and3A_1434 = arith.andi %squeeze3A_1384, %and3A_1433 : i32
        %multiple_of3A_1435 = tpu.assume_multiple %and3A_1434, 128 : i32
        %dma_start3A_1436 = arith.constant 0 : i32
        %dma_start3A_1437 = arith.constant 0 : i32
        %dma_start3A_1438 = arith.constant 0 : i32
        %dma_start3A_1439 = tpu.memref_slice %arg17[%dma_start3A_1436, %dma_start3A_1437, %dma_start3A_1438] : memref<8x16x128xf32, #tpu.memory_space<vmem>> -> memref<1x16x128xf32, #tpu.memory_space<vmem>>
        %dma_start3A_1440 = tpu.memref_squeeze %dma_start3A_1439 : memref<1x16x128xf32, #tpu.memory_space<vmem>> -> memref<16x128xf32, #tpu.memory_space<vmem>>
        %dma_start3A_1441 = arith.constant 0 : i32
        %dma_start3A_1442 = tpu.memref_slice %arg7[%dma_start3A_1441, %multiple_of3A_1435] : memref<16x1000000xf32, #tpu.memory_space<hbm>> -> memref<16x128xf32, #tpu.memory_space<hbm>>
        %dma_start3A_1443 = arith.constant 0 : i32
        %dma_start3A_1444 = arith.constant 0 : i32
        %dma_start3A_1445 = tpu.memref_slice %arg17[%dma_start3A_1436, %dma_start3A_1443, %dma_start3A_1444] : memref<8x16x128xf32, #tpu.memory_space<vmem>> -> memref<1x16x128xf32, #tpu.memory_space<vmem>>
        %dma_start3A_1446 = tpu.memref_squeeze %dma_start3A_1445 : memref<1x16x128xf32, #tpu.memory_space<vmem>> -> memref<16x128xf32, #tpu.memory_space<vmem>>
        %dma_start3A_1447 = arith.constant 0 : i32
        %dma_start3A_1448 = tpu.memref_slice %arg7[%dma_start3A_1447, %multiple_of3A_1435] : memref<16x1000000xf32, #tpu.memory_space<hbm>> -> memref<16x128xf32, #tpu.memory_space<hbm>>
        tpu.enqueue_dma source(%dma_start3A_1448 : memref<16x128xf32, #tpu.memory_space<hbm>>) target(%dma_start3A_1446 : memref<16x128xf32, #tpu.memory_space<vmem>>) target_semaphore(%arg28 : memref<!tpu.dma_semaphore, #tpu.memory_space<semaphore_mem>>)
        %slice3A_1449 = vector.extract_strided_slice %get3A_299 {offsets = [1], sizes = [1], strides = [1]} : vector<16xi32> to vector<1xi32>
        %squeeze3A_1450 = vector.extract %slice3A_1449[0] : i32 from vector<1xi32>
        %slice3A_1451 = vector.extract_strided_slice %get3A_305 {offsets = [1], sizes = [1], strides = [1]} : vector<16xi32> to vector<1xi32>
        %squeeze3A_1452 = vector.extract %slice3A_1451[0] : i32 from vector<1xi32>
        %and3A_1453 = arith.constant -128 : i32
        %and3A_1454 = arith.andi %squeeze3A_1450, %and3A_1453 : i32
        %multiple_of3A_1455 = tpu.assume_multiple %and3A_1454, 128 : i32
        %dma_start3A_1456 = arith.constant 1 : i32
        %dma_start3A_1457 = arith.constant 0 : i32
        %dma_start3A_1458 = arith.constant 0 : i32
        %dma_start3A_1459 = tpu.memref_slice %arg14[%dma_start3A_1456, %dma_start3A_1457, %dma_start3A_1458] : memref<8x16x128xf32, #tpu.memory_space<vmem>> -> memref<1x16x128xf32, #tpu.memory_space<vmem>>
        %dma_start3A_1460 = tpu.memref_squeeze %dma_start3A_1459 : memref<1x16x128xf32, #tpu.memory_space<vmem>> -> memref<16x128xf32, #tpu.memory_space<vmem>>
        %dma_start3A_1461 = arith.constant 0 : i32
        %dma_start3A_1462 = tpu.memref_slice %arg4[%dma_start3A_1461, %multiple_of3A_1455] : memref<16x1000000xf32, #tpu.memory_space<hbm>> -> memref<16x128xf32, #tpu.memory_space<hbm>>
        %dma_start3A_1463 = arith.constant 0 : i32
        %dma_start3A_1464 = arith.constant 0 : i32
        %dma_start3A_1465 = tpu.memref_slice %arg14[%dma_start3A_1456, %dma_start3A_1463, %dma_start3A_1464] : memref<8x16x128xf32, #tpu.memory_space<vmem>> -> memref<1x16x128xf32, #tpu.memory_space<vmem>>
        %dma_start3A_1466 = tpu.memref_squeeze %dma_start3A_1465 : memref<1x16x128xf32, #tpu.memory_space<vmem>> -> memref<16x128xf32, #tpu.memory_space<vmem>>
        %dma_start3A_1467 = arith.constant 0 : i32
        %dma_start3A_1468 = tpu.memref_slice %arg4[%dma_start3A_1467, %multiple_of3A_1455] : memref<16x1000000xf32, #tpu.memory_space<hbm>> -> memref<16x128xf32, #tpu.memory_space<hbm>>
        tpu.enqueue_dma source(%dma_start3A_1468 : memref<16x128xf32, #tpu.memory_space<hbm>>) target(%dma_start3A_1466 : memref<16x128xf32, #tpu.memory_space<vmem>>) target_semaphore(%arg22 : memref<!tpu.dma_semaphore, #tpu.memory_space<semaphore_mem>>)
        %and3A_1469 = arith.constant -128 : i32
        %and3A_1470 = arith.andi %squeeze3A_1452, %and3A_1469 : i32
        %multiple_of3A_1471 = tpu.assume_multiple %and3A_1470, 128 : i32
        %dma_start3A_1472 = arith.constant 1 : i32
        %dma_start3A_1473 = arith.constant 0 : i32
        %dma_start3A_1474 = arith.constant 0 : i32
        %dma_start3A_1475 = tpu.memref_slice %arg15[%dma_start3A_1472, %dma_start3A_1473, %dma_start3A_1474] : memref<8x16x128xf32, #tpu.memory_space<vmem>> -> memref<1x16x128xf32, #tpu.memory_space<vmem>>
        %dma_start3A_1476 = tpu.memref_squeeze %dma_start3A_1475 : memref<1x16x128xf32, #tpu.memory_space<vmem>> -> memref<16x128xf32, #tpu.memory_space<vmem>>
        %dma_start3A_1477 = arith.constant 0 : i32
        %dma_start3A_1478 = tpu.memref_slice %arg5[%dma_start3A_1477, %multiple_of3A_1471] : memref<16x1000000xf32, #tpu.memory_space<hbm>> -> memref<16x128xf32, #tpu.memory_space<hbm>>
        %dma_start3A_1479 = arith.constant 0 : i32
        %dma_start3A_1480 = arith.constant 0 : i32
        %dma_start3A_1481 = tpu.memref_slice %arg15[%dma_start3A_1472, %dma_start3A_1479, %dma_start3A_1480] : memref<8x16x128xf32, #tpu.memory_space<vmem>> -> memref<1x16x128xf32, #tpu.memory_space<vmem>>
        %dma_start3A_1482 = tpu.memref_squeeze %dma_start3A_1481 : memref<1x16x128xf32, #tpu.memory_space<vmem>> -> memref<16x128xf32, #tpu.memory_space<vmem>>
        %dma_start3A_1483 = arith.constant 0 : i32
        %dma_start3A_1484 = tpu.memref_slice %arg5[%dma_start3A_1483, %multiple_of3A_1471] : memref<16x1000000xf32, #tpu.memory_space<hbm>> -> memref<16x128xf32, #tpu.memory_space<hbm>>
        tpu.enqueue_dma source(%dma_start3A_1484 : memref<16x128xf32, #tpu.memory_space<hbm>>) target(%dma_start3A_1482 : memref<16x128xf32, #tpu.memory_space<vmem>>) target_semaphore(%arg24 : memref<!tpu.dma_semaphore, #tpu.memory_space<semaphore_mem>>)
        %and3A_1485 = arith.constant -128 : i32
        %and3A_1486 = arith.andi %squeeze3A_1450, %and3A_1485 : i32
        %multiple_of3A_1487 = tpu.assume_multiple %and3A_1486, 128 : i32
        %dma_start3A_1488 = arith.constant 1 : i32
        %dma_start3A_1489 = arith.constant 0 : i32
        %dma_start3A_1490 = arith.constant 0 : i32
        %dma_start3A_1491 = tpu.memref_slice %arg16[%dma_start3A_1488, %dma_start3A_1489, %dma_start3A_1490] : memref<8x16x128xf32, #tpu.memory_space<vmem>> -> memref<1x16x128xf32, #tpu.memory_space<vmem>>
        %dma_start3A_1492 = tpu.memref_squeeze %dma_start3A_1491 : memref<1x16x128xf32, #tpu.memory_space<vmem>> -> memref<16x128xf32, #tpu.memory_space<vmem>>
        %dma_start3A_1493 = arith.constant 0 : i32
        %dma_start3A_1494 = tpu.memref_slice %arg6[%dma_start3A_1493, %multiple_of3A_1487] : memref<16x1000000xf32, #tpu.memory_space<hbm>> -> memref<16x128xf32, #tpu.memory_space<hbm>>
        %dma_start3A_1495 = arith.constant 0 : i32
        %dma_start3A_1496 = arith.constant 0 : i32
        %dma_start3A_1497 = tpu.memref_slice %arg16[%dma_start3A_1488, %dma_start3A_1495, %dma_start3A_1496] : memref<8x16x128xf32, #tpu.memory_space<vmem>> -> memref<1x16x128xf32, #tpu.memory_space<vmem>>
        %dma_start3A_1498 = tpu.memref_squeeze %dma_start3A_1497 : memref<1x16x128xf32, #tpu.memory_space<vmem>> -> memref<16x128xf32, #tpu.memory_space<vmem>>
        %dma_start3A_1499 = arith.constant 0 : i32
        %dma_start3A_1500 = tpu.memref_slice %arg6[%dma_start3A_1499, %multiple_of3A_1487] : memref<16x1000000xf32, #tpu.memory_space<hbm>> -> memref<16x128xf32, #tpu.memory_space<hbm>>
        tpu.enqueue_dma source(%dma_start3A_1500 : memref<16x128xf32, #tpu.memory_space<hbm>>) target(%dma_start3A_1498 : memref<16x128xf32, #tpu.memory_space<vmem>>) target_semaphore(%arg26 : memref<!tpu.dma_semaphore, #tpu.memory_space<semaphore_mem>>)
        %and3A_1501 = arith.constant -128 : i32
        %and3A_1502 = arith.andi %squeeze3A_1452, %and3A_1501 : i32
        %multiple_of3A_1503 = tpu.assume_multiple %and3A_1502, 128 : i32
        %dma_start3A_1504 = arith.constant 1 : i32
        %dma_start3A_1505 = arith.constant 0 : i32
        %dma_start3A_1506 = arith.constant 0 : i32
        %dma_start3A_1507 = tpu.memref_slice %arg17[%dma_start3A_1504, %dma_start3A_1505, %dma_start3A_1506] : memref<8x16x128xf32, #tpu.memory_space<vmem>> -> memref<1x16x128xf32, #tpu.memory_space<vmem>>
        %dma_start3A_1508 = tpu.memref_squeeze %dma_start3A_1507 : memref<1x16x128xf32, #tpu.memory_space<vmem>> -> memref<16x128xf32, #tpu.memory_space<vmem>>
        %dma_start3A_1509 = arith.constant 0 : i32
        %dma_start3A_1510 = tpu.memref_slice %arg7[%dma_start3A_1509, %multiple_of3A_1503] : memref<16x1000000xf32, #tpu.memory_space<hbm>> -> memref<16x128xf32, #tpu.memory_space<hbm>>
        %dma_start3A_1511 = arith.constant 0 : i32
        %dma_start3A_1512 = arith.constant 0 : i32
        %dma_start3A_1513 = tpu.memref_slice %arg17[%dma_start3A_1504, %dma_start3A_1511, %dma_start3A_1512] : memref<8x16x128xf32, #tpu.memory_space<vmem>> -> memref<1x16x128xf32, #tpu.memory_space<vmem>>
        %dma_start3A_1514 = tpu.memref_squeeze %dma_start3A_1513 : memref<1x16x128xf32, #tpu.memory_space<vmem>> -> memref<16x128xf32, #tpu.memory_space<vmem>>
        %dma_start3A_1515 = arith.constant 0 : i32
        %dma_start3A_1516 = tpu.memref_slice %arg7[%dma_start3A_1515, %multiple_of3A_1503] : memref<16x1000000xf32, #tpu.memory_space<hbm>> -> memref<16x128xf32, #tpu.memory_space<hbm>>
        tpu.enqueue_dma source(%dma_start3A_1516 : memref<16x128xf32, #tpu.memory_space<hbm>>) target(%dma_start3A_1514 : memref<16x128xf32, #tpu.memory_space<vmem>>) target_semaphore(%arg28 : memref<!tpu.dma_semaphore, #tpu.memory_space<semaphore_mem>>)
        %slice3A_1517 = vector.extract_strided_slice %get3A_299 {offsets = [2], sizes = [1], strides = [1]} : vector<16xi32> to vector<1xi32>
        %squeeze3A_1518 = vector.extract %slice3A_1517[0] : i32 from vector<1xi32>
        %slice3A_1519 = vector.extract_strided_slice %get3A_305 {offsets = [2], sizes = [1], strides = [1]} : vector<16xi32> to vector<1xi32>
        %squeeze3A_1520 = vector.extract %slice3A_1519[0] : i32 from vector<1xi32>
        %and3A_1521 = arith.constant -128 : i32
        %and3A_1522 = arith.andi %squeeze3A_1518, %and3A_1521 : i32
        %multiple_of3A_1523 = tpu.assume_multiple %and3A_1522, 128 : i32
        %dma_start3A_1524 = arith.constant 2 : i32
        %dma_start3A_1525 = arith.constant 0 : i32
        %dma_start3A_1526 = arith.constant 0 : i32
        %dma_start3A_1527 = tpu.memref_slice %arg14[%dma_start3A_1524, %dma_start3A_1525, %dma_start3A_1526] : memref<8x16x128xf32, #tpu.memory_space<vmem>> -> memref<1x16x128xf32, #tpu.memory_space<vmem>>
        %dma_start3A_1528 = tpu.memref_squeeze %dma_start3A_1527 : memref<1x16x128xf32, #tpu.memory_space<vmem>> -> memref<16x128xf32, #tpu.memory_space<vmem>>
        %dma_start3A_1529 = arith.constant 0 : i32
        %dma_start3A_1530 = tpu.memref_slice %arg4[%dma_start3A_1529, %multiple_of3A_1523] : memref<16x1000000xf32, #tpu.memory_space<hbm>> -> memref<16x128xf32, #tpu.memory_space<hbm>>
        %dma_start3A_1531 = arith.constant 0 : i32
        %dma_start3A_1532 = arith.constant 0 : i32
        %dma_start3A_1533 = tpu.memref_slice %arg14[%dma_start3A_1524, %dma_start3A_1531, %dma_start3A_1532] : memref<8x16x128xf32, #tpu.memory_space<vmem>> -> memref<1x16x128xf32, #tpu.memory_space<vmem>>
        %dma_start3A_1534 = tpu.memref_squeeze %dma_start3A_1533 : memref<1x16x128xf32, #tpu.memory_space<vmem>> -> memref<16x128xf32, #tpu.memory_space<vmem>>
        %dma_start3A_1535 = arith.constant 0 : i32
        %dma_start3A_1536 = tpu.memref_slice %arg4[%dma_start3A_1535, %multiple_of3A_1523] : memref<16x1000000xf32, #tpu.memory_space<hbm>> -> memref<16x128xf32, #tpu.memory_space<hbm>>
        tpu.enqueue_dma source(%dma_start3A_1536 : memref<16x128xf32, #tpu.memory_space<hbm>>) target(%dma_start3A_1534 : memref<16x128xf32, #tpu.memory_space<vmem>>) target_semaphore(%arg22 : memref<!tpu.dma_semaphore, #tpu.memory_space<semaphore_mem>>)
        %and3A_1537 = arith.constant -128 : i32
        %and3A_1538 = arith.andi %squeeze3A_1520, %and3A_1537 : i32
        %multiple_of3A_1539 = tpu.assume_multiple %and3A_1538, 128 : i32
        %dma_start3A_1540 = arith.constant 2 : i32
        %dma_start3A_1541 = arith.constant 0 : i32
        %dma_start3A_1542 = arith.constant 0 : i32
        %dma_start3A_1543 = tpu.memref_slice %arg15[%dma_start3A_1540, %dma_start3A_1541, %dma_start3A_1542] : memref<8x16x128xf32, #tpu.memory_space<vmem>> -> memref<1x16x128xf32, #tpu.memory_space<vmem>>
        %dma_start3A_1544 = tpu.memref_squeeze %dma_start3A_1543 : memref<1x16x128xf32, #tpu.memory_space<vmem>> -> memref<16x128xf32, #tpu.memory_space<vmem>>
        %dma_start3A_1545 = arith.constant 0 : i32
        %dma_start3A_1546 = tpu.memref_slice %arg5[%dma_start3A_1545, %multiple_of3A_1539] : memref<16x1000000xf32, #tpu.memory_space<hbm>> -> memref<16x128xf32, #tpu.memory_space<hbm>>
        %dma_start3A_1547 = arith.constant 0 : i32
        %dma_start3A_1548 = arith.constant 0 : i32
        %dma_start3A_1549 = tpu.memref_slice %arg15[%dma_start3A_1540, %dma_start3A_1547, %dma_start3A_1548] : memref<8x16x128xf32, #tpu.memory_space<vmem>> -> memref<1x16x128xf32, #tpu.memory_space<vmem>>
        %dma_start3A_1550 = tpu.memref_squeeze %dma_start3A_1549 : memref<1x16x128xf32, #tpu.memory_space<vmem>> -> memref<16x128xf32, #tpu.memory_space<vmem>>
        %dma_start3A_1551 = arith.constant 0 : i32
        %dma_start3A_1552 = tpu.memref_slice %arg5[%dma_start3A_1551, %multiple_of3A_1539] : memref<16x1000000xf32, #tpu.memory_space<hbm>> -> memref<16x128xf32, #tpu.memory_space<hbm>>
        tpu.enqueue_dma source(%dma_start3A_1552 : memref<16x128xf32, #tpu.memory_space<hbm>>) target(%dma_start3A_1550 : memref<16x128xf32, #tpu.memory_space<vmem>>) target_semaphore(%arg24 : memref<!tpu.dma_semaphore, #tpu.memory_space<semaphore_mem>>)
        %and3A_1553 = arith.constant -128 : i32
        %and3A_1554 = arith.andi %squeeze3A_1518, %and3A_1553 : i32
        %multiple_of3A_1555 = tpu.assume_multiple %and3A_1554, 128 : i32
        %dma_start3A_1556 = arith.constant 2 : i32
        %dma_start3A_1557 = arith.constant 0 : i32
        %dma_start3A_1558 = arith.constant 0 : i32
        %dma_start3A_1559 = tpu.memref_slice %arg16[%dma_start3A_1556, %dma_start3A_1557, %dma_start3A_1558] : memref<8x16x128xf32, #tpu.memory_space<vmem>> -> memref<1x16x128xf32, #tpu.memory_space<vmem>>
        %dma_start3A_1560 = tpu.memref_squeeze %dma_start3A_1559 : memref<1x16x128xf32, #tpu.memory_space<vmem>> -> memref<16x128xf32, #tpu.memory_space<vmem>>
        %dma_start3A_1561 = arith.constant 0 : i32
        %dma_start3A_1562 = tpu.memref_slice %arg6[%dma_start3A_1561, %multiple_of3A_1555] : memref<16x1000000xf32, #tpu.memory_space<hbm>> -> memref<16x128xf32, #tpu.memory_space<hbm>>
        %dma_start3A_1563 = arith.constant 0 : i32
        %dma_start3A_1564 = arith.constant 0 : i32
        %dma_start3A_1565 = tpu.memref_slice %arg16[%dma_start3A_1556, %dma_start3A_1563, %dma_start3A_1564] : memref<8x16x128xf32, #tpu.memory_space<vmem>> -> memref<1x16x128xf32, #tpu.memory_space<vmem>>
        %dma_start3A_1566 = tpu.memref_squeeze %dma_start3A_1565 : memref<1x16x128xf32, #tpu.memory_space<vmem>> -> memref<16x128xf32, #tpu.memory_space<vmem>>
        %dma_start3A_1567 = arith.constant 0 : i32
        %dma_start3A_1568 = tpu.memref_slice %arg6[%dma_start3A_1567, %multiple_of3A_1555] : memref<16x1000000xf32, #tpu.memory_space<hbm>> -> memref<16x128xf32, #tpu.memory_space<hbm>>
        tpu.enqueue_dma source(%dma_start3A_1568 : memref<16x128xf32, #tpu.memory_space<hbm>>) target(%dma_start3A_1566 : memref<16x128xf32, #tpu.memory_space<vmem>>) target_semaphore(%arg26 : memref<!tpu.dma_semaphore, #tpu.memory_space<semaphore_mem>>)
        %and3A_1569 = arith.constant -128 : i32
        %and3A_1570 = arith.andi %squeeze3A_1520, %and3A_1569 : i32
        %multiple_of3A_1571 = tpu.assume_multiple %and3A_1570, 128 : i32
        %dma_start3A_1572 = arith.constant 2 : i32
        %dma_start3A_1573 = arith.constant 0 : i32
        %dma_start3A_1574 = arith.constant 0 : i32
        %dma_start3A_1575 = tpu.memref_slice %arg17[%dma_start3A_1572, %dma_start3A_1573, %dma_start3A_1574] : memref<8x16x128xf32, #tpu.memory_space<vmem>> -> memref<1x16x128xf32, #tpu.memory_space<vmem>>
        %dma_start3A_1576 = tpu.memref_squeeze %dma_start3A_1575 : memref<1x16x128xf32, #tpu.memory_space<vmem>> -> memref<16x128xf32, #tpu.memory_space<vmem>>
        %dma_start3A_1577 = arith.constant 0 : i32
        %dma_start3A_1578 = tpu.memref_slice %arg7[%dma_start3A_1577, %multiple_of3A_1571] : memref<16x1000000xf32, #tpu.memory_space<hbm>> -> memref<16x128xf32, #tpu.memory_space<hbm>>
        %dma_start3A_1579 = arith.constant 0 : i32
        %dma_start3A_1580 = arith.constant 0 : i32
        %dma_start3A_1581 = tpu.memref_slice %arg17[%dma_start3A_1572, %dma_start3A_1579, %dma_start3A_1580] : memref<8x16x128xf32, #tpu.memory_space<vmem>> -> memref<1x16x128xf32, #tpu.memory_space<vmem>>
        %dma_start3A_1582 = tpu.memref_squeeze %dma_start3A_1581 : memref<1x16x128xf32, #tpu.memory_space<vmem>> -> memref<16x128xf32, #tpu.memory_space<vmem>>
        %dma_start3A_1583 = arith.constant 0 : i32
        %dma_start3A_1584 = tpu.memref_slice %arg7[%dma_start3A_1583, %multiple_of3A_1571] : memref<16x1000000xf32, #tpu.memory_space<hbm>> -> memref<16x128xf32, #tpu.memory_space<hbm>>
        tpu.enqueue_dma source(%dma_start3A_1584 : memref<16x128xf32, #tpu.memory_space<hbm>>) target(%dma_start3A_1582 : memref<16x128xf32, #tpu.memory_space<vmem>>) target_semaphore(%arg28 : memref<!tpu.dma_semaphore, #tpu.memory_space<semaphore_mem>>)
        %slice3A_1585 = vector.extract_strided_slice %get3A_299 {offsets = [3], sizes = [1], strides = [1]} : vector<16xi32> to vector<1xi32>
        %squeeze3A_1586 = vector.extract %slice3A_1585[0] : i32 from vector<1xi32>
        %slice3A_1587 = vector.extract_strided_slice %get3A_305 {offsets = [3], sizes = [1], strides = [1]} : vector<16xi32> to vector<1xi32>
        %squeeze3A_1588 = vector.extract %slice3A_1587[0] : i32 from vector<1xi32>
        %and3A_1589 = arith.constant -128 : i32
        %and3A_1590 = arith.andi %squeeze3A_1586, %and3A_1589 : i32
        %multiple_of3A_1591 = tpu.assume_multiple %and3A_1590, 128 : i32
        %dma_start3A_1592 = arith.constant 3 : i32
        %dma_start3A_1593 = arith.constant 0 : i32
        %dma_start3A_1594 = arith.constant 0 : i32
        %dma_start3A_1595 = tpu.memref_slice %arg14[%dma_start3A_1592, %dma_start3A_1593, %dma_start3A_1594] : memref<8x16x128xf32, #tpu.memory_space<vmem>> -> memref<1x16x128xf32, #tpu.memory_space<vmem>>
        %dma_start3A_1596 = tpu.memref_squeeze %dma_start3A_1595 : memref<1x16x128xf32, #tpu.memory_space<vmem>> -> memref<16x128xf32, #tpu.memory_space<vmem>>
        %dma_start3A_1597 = arith.constant 0 : i32
        %dma_start3A_1598 = tpu.memref_slice %arg4[%dma_start3A_1597, %multiple_of3A_1591] : memref<16x1000000xf32, #tpu.memory_space<hbm>> -> memref<16x128xf32, #tpu.memory_space<hbm>>
        %dma_start3A_1599 = arith.constant 0 : i32
        %dma_start3A_1600 = arith.constant 0 : i32
        %dma_start3A_1601 = tpu.memref_slice %arg14[%dma_start3A_1592, %dma_start3A_1599, %dma_start3A_1600] : memref<8x16x128xf32, #tpu.memory_space<vmem>> -> memref<1x16x128xf32, #tpu.memory_space<vmem>>
        %dma_start3A_1602 = tpu.memref_squeeze %dma_start3A_1601 : memref<1x16x128xf32, #tpu.memory_space<vmem>> -> memref<16x128xf32, #tpu.memory_space<vmem>>
        %dma_start3A_1603 = arith.constant 0 : i32
        %dma_start3A_1604 = tpu.memref_slice %arg4[%dma_start3A_1603, %multiple_of3A_1591] : memref<16x1000000xf32, #tpu.memory_space<hbm>> -> memref<16x128xf32, #tpu.memory_space<hbm>>
        tpu.enqueue_dma source(%dma_start3A_1604 : memref<16x128xf32, #tpu.memory_space<hbm>>) target(%dma_start3A_1602 : memref<16x128xf32, #tpu.memory_space<vmem>>) target_semaphore(%arg22 : memref<!tpu.dma_semaphore, #tpu.memory_space<semaphore_mem>>)
        %and3A_1605 = arith.constant -128 : i32
        %and3A_1606 = arith.andi %squeeze3A_1588, %and3A_1605 : i32
        %multiple_of3A_1607 = tpu.assume_multiple %and3A_1606, 128 : i32
        %dma_start3A_1608 = arith.constant 3 : i32
        %dma_start3A_1609 = arith.constant 0 : i32
        %dma_start3A_1610 = arith.constant 0 : i32
        %dma_start3A_1611 = tpu.memref_slice %arg15[%dma_start3A_1608, %dma_start3A_1609, %dma_start3A_1610] : memref<8x16x128xf32, #tpu.memory_space<vmem>> -> memref<1x16x128xf32, #tpu.memory_space<vmem>>
        %dma_start3A_1612 = tpu.memref_squeeze %dma_start3A_1611 : memref<1x16x128xf32, #tpu.memory_space<vmem>> -> memref<16x128xf32, #tpu.memory_space<vmem>>
        %dma_start3A_1613 = arith.constant 0 : i32
        %dma_start3A_1614 = tpu.memref_slice %arg5[%dma_start3A_1613, %multiple_of3A_1607] : memref<16x1000000xf32, #tpu.memory_space<hbm>> -> memref<16x128xf32, #tpu.memory_space<hbm>>
        %dma_start3A_1615 = arith.constant 0 : i32
        %dma_start3A_1616 = arith.constant 0 : i32
        %dma_start3A_1617 = tpu.memref_slice %arg15[%dma_start3A_1608, %dma_start3A_1615, %dma_start3A_1616] : memref<8x16x128xf32, #tpu.memory_space<vmem>> -> memref<1x16x128xf32, #tpu.memory_space<vmem>>
        %dma_start3A_1618 = tpu.memref_squeeze %dma_start3A_1617 : memref<1x16x128xf32, #tpu.memory_space<vmem>> -> memref<16x128xf32, #tpu.memory_space<vmem>>
        %dma_start3A_1619 = arith.constant 0 : i32
        %dma_start3A_1620 = tpu.memref_slice %arg5[%dma_start3A_1619, %multiple_of3A_1607] : memref<16x1000000xf32, #tpu.memory_space<hbm>> -> memref<16x128xf32, #tpu.memory_space<hbm>>
        tpu.enqueue_dma source(%dma_start3A_1620 : memref<16x128xf32, #tpu.memory_space<hbm>>) target(%dma_start3A_1618 : memref<16x128xf32, #tpu.memory_space<vmem>>) target_semaphore(%arg24 : memref<!tpu.dma_semaphore, #tpu.memory_space<semaphore_mem>>)
        %and3A_1621 = arith.constant -128 : i32
        %and3A_1622 = arith.andi %squeeze3A_1586, %and3A_1621 : i32
        %multiple_of3A_1623 = tpu.assume_multiple %and3A_1622, 128 : i32
        %dma_start3A_1624 = arith.constant 3 : i32
        %dma_start3A_1625 = arith.constant 0 : i32
        %dma_start3A_1626 = arith.constant 0 : i32
        %dma_start3A_1627 = tpu.memref_slice %arg16[%dma_start3A_1624, %dma_start3A_1625, %dma_start3A_1626] : memref<8x16x128xf32, #tpu.memory_space<vmem>> -> memref<1x16x128xf32, #tpu.memory_space<vmem>>
        %dma_start3A_1628 = tpu.memref_squeeze %dma_start3A_1627 : memref<1x16x128xf32, #tpu.memory_space<vmem>> -> memref<16x128xf32, #tpu.memory_space<vmem>>
        %dma_start3A_1629 = arith.constant 0 : i32
        %dma_start3A_1630 = tpu.memref_slice %arg6[%dma_start3A_1629, %multiple_of3A_1623] : memref<16x1000000xf32, #tpu.memory_space<hbm>> -> memref<16x128xf32, #tpu.memory_space<hbm>>
        %dma_start3A_1631 = arith.constant 0 : i32
        %dma_start3A_1632 = arith.constant 0 : i32
        %dma_start3A_1633 = tpu.memref_slice %arg16[%dma_start3A_1624, %dma_start3A_1631, %dma_start3A_1632] : memref<8x16x128xf32, #tpu.memory_space<vmem>> -> memref<1x16x128xf32, #tpu.memory_space<vmem>>
        %dma_start3A_1634 = tpu.memref_squeeze %dma_start3A_1633 : memref<1x16x128xf32, #tpu.memory_space<vmem>> -> memref<16x128xf32, #tpu.memory_space<vmem>>
        %dma_start3A_1635 = arith.constant 0 : i32
        %dma_start3A_1636 = tpu.memref_slice %arg6[%dma_start3A_1635, %multiple_of3A_1623] : memref<16x1000000xf32, #tpu.memory_space<hbm>> -> memref<16x128xf32, #tpu.memory_space<hbm>>
        tpu.enqueue_dma source(%dma_start3A_1636 : memref<16x128xf32, #tpu.memory_space<hbm>>) target(%dma_start3A_1634 : memref<16x128xf32, #tpu.memory_space<vmem>>) target_semaphore(%arg26 : memref<!tpu.dma_semaphore, #tpu.memory_space<semaphore_mem>>)
        %and3A_1637 = arith.constant -128 : i32
        %and3A_1638 = arith.andi %squeeze3A_1588, %and3A_1637 : i32
        %multiple_of3A_1639 = tpu.assume_multiple %and3A_1638, 128 : i32
        %dma_start3A_1640 = arith.constant 3 : i32
        %dma_start3A_1641 = arith.constant 0 : i32
        %dma_start3A_1642 = arith.constant 0 : i32
        %dma_start3A_1643 = tpu.memref_slice %arg17[%dma_start3A_1640, %dma_start3A_1641, %dma_start3A_1642] : memref<8x16x128xf32, #tpu.memory_space<vmem>> -> memref<1x16x128xf32, #tpu.memory_space<vmem>>
        %dma_start3A_1644 = tpu.memref_squeeze %dma_start3A_1643 : memref<1x16x128xf32, #tpu.memory_space<vmem>> -> memref<16x128xf32, #tpu.memory_space<vmem>>
        %dma_start3A_1645 = arith.constant 0 : i32
        %dma_start3A_1646 = tpu.memref_slice %arg7[%dma_start3A_1645, %multiple_of3A_1639] : memref<16x1000000xf32, #tpu.memory_space<hbm>> -> memref<16x128xf32, #tpu.memory_space<hbm>>
        %dma_start3A_1647 = arith.constant 0 : i32
        %dma_start3A_1648 = arith.constant 0 : i32
        %dma_start3A_1649 = tpu.memref_slice %arg17[%dma_start3A_1640, %dma_start3A_1647, %dma_start3A_1648] : memref<8x16x128xf32, #tpu.memory_space<vmem>> -> memref<1x16x128xf32, #tpu.memory_space<vmem>>
        %dma_start3A_1650 = tpu.memref_squeeze %dma_start3A_1649 : memref<1x16x128xf32, #tpu.memory_space<vmem>> -> memref<16x128xf32, #tpu.memory_space<vmem>>
        %dma_start3A_1651 = arith.constant 0 : i32
        %dma_start3A_1652 = tpu.memref_slice %arg7[%dma_start3A_1651, %multiple_of3A_1639] : memref<16x1000000xf32, #tpu.memory_space<hbm>> -> memref<16x128xf32, #tpu.memory_space<hbm>>
        tpu.enqueue_dma source(%dma_start3A_1652 : memref<16x128xf32, #tpu.memory_space<hbm>>) target(%dma_start3A_1650 : memref<16x128xf32, #tpu.memory_space<vmem>>) target_semaphore(%arg28 : memref<!tpu.dma_semaphore, #tpu.memory_space<semaphore_mem>>)
      } else {
      }
      %dma_wait3A_979 = arith.constant 4 : i32
      %dma_wait3A_980 = arith.constant 0 : i32
      %dma_wait3A_981 = arith.constant 0 : i32
      %dma_wait3A_982 = tpu.memref_slice %arg14[%dma_wait3A_979, %dma_wait3A_980, %dma_wait3A_981] : memref<8x16x128xf32, #tpu.memory_space<vmem>> -> memref<1x16x128xf32, #tpu.memory_space<vmem>>
      %dma_wait3A_983 = tpu.memref_squeeze %dma_wait3A_982 : memref<1x16x128xf32, #tpu.memory_space<vmem>> -> memref<16x128xf32, #tpu.memory_space<vmem>>
      %dma_wait3A_984 = arith.constant 0 : i32
      %dma_wait3A_985 = arith.constant 0 : i32
      %dma_wait3A_986 = tpu.memref_slice %arg4[%dma_wait3A_984, %dma_wait3A_985] : memref<16x1000000xf32, #tpu.memory_space<hbm>> -> memref<16x128xf32, #tpu.memory_space<hbm>>
      %dma_wait3A_987 = arith.constant 0 : i32
      %dma_wait3A_988 = arith.constant 0 : i32
      %dma_wait3A_989 = tpu.memref_slice %arg14[%dma_wait3A_979, %dma_wait3A_987, %dma_wait3A_988] : memref<8x16x128xf32, #tpu.memory_space<vmem>> -> memref<1x16x128xf32, #tpu.memory_space<vmem>>
      %dma_wait3A_990 = tpu.memref_squeeze %dma_wait3A_989 : memref<1x16x128xf32, #tpu.memory_space<vmem>> -> memref<16x128xf32, #tpu.memory_space<vmem>>
      %dma_wait3A_991 = arith.constant 0 : i32
      %dma_wait3A_992 = arith.constant 0 : i32
      %dma_wait3A_993 = tpu.memref_slice %arg4[%dma_wait3A_991, %dma_wait3A_992] : memref<16x1000000xf32, #tpu.memory_space<hbm>> -> memref<16x128xf32, #tpu.memory_space<hbm>>
      tpu.wait_dma2 semaphore(%arg23 : memref<!tpu.dma_semaphore, #tpu.memory_space<semaphore_mem>>) src(%dma_wait3A_993 : memref<16x128xf32, #tpu.memory_space<hbm>>) dst(%dma_wait3A_990 : memref<16x128xf32, #tpu.memory_space<vmem>>)
      %dma_wait3A_994 = arith.constant 4 : i32
      %dma_wait3A_995 = arith.constant 0 : i32
      %dma_wait3A_996 = arith.constant 0 : i32
      %dma_wait3A_997 = tpu.memref_slice %arg15[%dma_wait3A_994, %dma_wait3A_995, %dma_wait3A_996] : memref<8x16x128xf32, #tpu.memory_space<vmem>> -> memref<1x16x128xf32, #tpu.memory_space<vmem>>
      %dma_wait3A_998 = tpu.memref_squeeze %dma_wait3A_997 : memref<1x16x128xf32, #tpu.memory_space<vmem>> -> memref<16x128xf32, #tpu.memory_space<vmem>>
      %dma_wait3A_999 = arith.constant 0 : i32
      %dma_wait3A_1000 = arith.constant 0 : i32
      %dma_wait3A_1001 = tpu.memref_slice %arg5[%dma_wait3A_999, %dma_wait3A_1000] : memref<16x1000000xf32, #tpu.memory_space<hbm>> -> memref<16x128xf32, #tpu.memory_space<hbm>>
      %dma_wait3A_1002 = arith.constant 0 : i32
      %dma_wait3A_1003 = arith.constant 0 : i32
      %dma_wait3A_1004 = tpu.memref_slice %arg15[%dma_wait3A_994, %dma_wait3A_1002, %dma_wait3A_1003] : memref<8x16x128xf32, #tpu.memory_space<vmem>> -> memref<1x16x128xf32, #tpu.memory_space<vmem>>
      %dma_wait3A_1005 = tpu.memref_squeeze %dma_wait3A_1004 : memref<1x16x128xf32, #tpu.memory_space<vmem>> -> memref<16x128xf32, #tpu.memory_space<vmem>>
      %dma_wait3A_1006 = arith.constant 0 : i32
      %dma_wait3A_1007 = arith.constant 0 : i32
      %dma_wait3A_1008 = tpu.memref_slice %arg5[%dma_wait3A_1006, %dma_wait3A_1007] : memref<16x1000000xf32, #tpu.memory_space<hbm>> -> memref<16x128xf32, #tpu.memory_space<hbm>>
      tpu.wait_dma2 semaphore(%arg25 : memref<!tpu.dma_semaphore, #tpu.memory_space<semaphore_mem>>) src(%dma_wait3A_1008 : memref<16x128xf32, #tpu.memory_space<hbm>>) dst(%dma_wait3A_1005 : memref<16x128xf32, #tpu.memory_space<vmem>>)
      %dma_wait3A_1009 = arith.constant 4 : i32
      %dma_wait3A_1010 = arith.constant 0 : i32
      %dma_wait3A_1011 = arith.constant 0 : i32
      %dma_wait3A_1012 = tpu.memref_slice %arg16[%dma_wait3A_1009, %dma_wait3A_1010, %dma_wait3A_1011] : memref<8x16x128xf32, #tpu.memory_space<vmem>> -> memref<1x16x128xf32, #tpu.memory_space<vmem>>
      %dma_wait3A_1013 = tpu.memref_squeeze %dma_wait3A_1012 : memref<1x16x128xf32, #tpu.memory_space<vmem>> -> memref<16x128xf32, #tpu.memory_space<vmem>>
      %dma_wait3A_1014 = arith.constant 0 : i32
      %dma_wait3A_1015 = arith.constant 0 : i32
      %dma_wait3A_1016 = tpu.memref_slice %arg6[%dma_wait3A_1014, %dma_wait3A_1015] : memref<16x1000000xf32, #tpu.memory_space<hbm>> -> memref<16x128xf32, #tpu.memory_space<hbm>>
      %dma_wait3A_1017 = arith.constant 0 : i32
      %dma_wait3A_1018 = arith.constant 0 : i32
      %dma_wait3A_1019 = tpu.memref_slice %arg16[%dma_wait3A_1009, %dma_wait3A_1017, %dma_wait3A_1018] : memref<8x16x128xf32, #tpu.memory_space<vmem>> -> memref<1x16x128xf32, #tpu.memory_space<vmem>>
      %dma_wait3A_1020 = tpu.memref_squeeze %dma_wait3A_1019 : memref<1x16x128xf32, #tpu.memory_space<vmem>> -> memref<16x128xf32, #tpu.memory_space<vmem>>
      %dma_wait3A_1021 = arith.constant 0 : i32
      %dma_wait3A_1022 = arith.constant 0 : i32
      %dma_wait3A_1023 = tpu.memref_slice %arg6[%dma_wait3A_1021, %dma_wait3A_1022] : memref<16x1000000xf32, #tpu.memory_space<hbm>> -> memref<16x128xf32, #tpu.memory_space<hbm>>
      tpu.wait_dma2 semaphore(%arg27 : memref<!tpu.dma_semaphore, #tpu.memory_space<semaphore_mem>>) src(%dma_wait3A_1023 : memref<16x128xf32, #tpu.memory_space<hbm>>) dst(%dma_wait3A_1020 : memref<16x128xf32, #tpu.memory_space<vmem>>)
      %dma_wait3A_1024 = arith.constant 4 : i32
      %dma_wait3A_1025 = arith.constant 0 : i32
      %dma_wait3A_1026 = arith.constant 0 : i32
      %dma_wait3A_1027 = tpu.memref_slice %arg17[%dma_wait3A_1024, %dma_wait3A_1025, %dma_wait3A_1026] : memref<8x16x128xf32, #tpu.memory_space<vmem>> -> memref<1x16x128xf32, #tpu.memory_space<vmem>>
      %dma_wait3A_1028 = tpu.memref_squeeze %dma_wait3A_1027 : memref<1x16x128xf32, #tpu.memory_space<vmem>> -> memref<16x128xf32, #tpu.memory_space<vmem>>
      %dma_wait3A_1029 = arith.constant 0 : i32
      %dma_wait3A_1030 = arith.constant 0 : i32
      %dma_wait3A_1031 = tpu.memref_slice %arg7[%dma_wait3A_1029, %dma_wait3A_1030] : memref<16x1000000xf32, #tpu.memory_space<hbm>> -> memref<16x128xf32, #tpu.memory_space<hbm>>
      %dma_wait3A_1032 = arith.constant 0 : i32
      %dma_wait3A_1033 = arith.constant 0 : i32
      %dma_wait3A_1034 = tpu.memref_slice %arg17[%dma_wait3A_1024, %dma_wait3A_1032, %dma_wait3A_1033] : memref<8x16x128xf32, #tpu.memory_space<vmem>> -> memref<1x16x128xf32, #tpu.memory_space<vmem>>
      %dma_wait3A_1035 = tpu.memref_squeeze %dma_wait3A_1034 : memref<1x16x128xf32, #tpu.memory_space<vmem>> -> memref<16x128xf32, #tpu.memory_space<vmem>>
      %dma_wait3A_1036 = arith.constant 0 : i32
      %dma_wait3A_1037 = arith.constant 0 : i32
      %dma_wait3A_1038 = tpu.memref_slice %arg7[%dma_wait3A_1036, %dma_wait3A_1037] : memref<16x1000000xf32, #tpu.memory_space<hbm>> -> memref<16x128xf32, #tpu.memory_space<hbm>>
      tpu.wait_dma2 semaphore(%arg29 : memref<!tpu.dma_semaphore, #tpu.memory_space<semaphore_mem>>) src(%dma_wait3A_1038 : memref<16x128xf32, #tpu.memory_space<hbm>>) dst(%dma_wait3A_1035 : memref<16x128xf32, #tpu.memory_space<vmem>>)
      %dma_wait3A_1039 = arith.constant 5 : i32
      %dma_wait3A_1040 = arith.constant 0 : i32
      %dma_wait3A_1041 = arith.constant 0 : i32
      %dma_wait3A_1042 = tpu.memref_slice %arg14[%dma_wait3A_1039, %dma_wait3A_1040, %dma_wait3A_1041] : memref<8x16x128xf32, #tpu.memory_space<vmem>> -> memref<1x16x128xf32, #tpu.memory_space<vmem>>
      %dma_wait3A_1043 = tpu.memref_squeeze %dma_wait3A_1042 : memref<1x16x128xf32, #tpu.memory_space<vmem>> -> memref<16x128xf32, #tpu.memory_space<vmem>>
      %dma_wait3A_1044 = arith.constant 0 : i32
      %dma_wait3A_1045 = arith.constant 0 : i32
      %dma_wait3A_1046 = tpu.memref_slice %arg4[%dma_wait3A_1044, %dma_wait3A_1045] : memref<16x1000000xf32, #tpu.memory_space<hbm>> -> memref<16x128xf32, #tpu.memory_space<hbm>>
      %dma_wait3A_1047 = arith.constant 0 : i32
      %dma_wait3A_1048 = arith.constant 0 : i32
      %dma_wait3A_1049 = tpu.memref_slice %arg14[%dma_wait3A_1039, %dma_wait3A_1047, %dma_wait3A_1048] : memref<8x16x128xf32, #tpu.memory_space<vmem>> -> memref<1x16x128xf32, #tpu.memory_space<vmem>>
      %dma_wait3A_1050 = tpu.memref_squeeze %dma_wait3A_1049 : memref<1x16x128xf32, #tpu.memory_space<vmem>> -> memref<16x128xf32, #tpu.memory_space<vmem>>
      %dma_wait3A_1051 = arith.constant 0 : i32
      %dma_wait3A_1052 = arith.constant 0 : i32
      %dma_wait3A_1053 = tpu.memref_slice %arg4[%dma_wait3A_1051, %dma_wait3A_1052] : memref<16x1000000xf32, #tpu.memory_space<hbm>> -> memref<16x128xf32, #tpu.memory_space<hbm>>
      tpu.wait_dma2 semaphore(%arg23 : memref<!tpu.dma_semaphore, #tpu.memory_space<semaphore_mem>>) src(%dma_wait3A_1053 : memref<16x128xf32, #tpu.memory_space<hbm>>) dst(%dma_wait3A_1050 : memref<16x128xf32, #tpu.memory_space<vmem>>)
      %dma_wait3A_1054 = arith.constant 5 : i32
      %dma_wait3A_1055 = arith.constant 0 : i32
      %dma_wait3A_1056 = arith.constant 0 : i32
      %dma_wait3A_1057 = tpu.memref_slice %arg15[%dma_wait3A_1054, %dma_wait3A_1055, %dma_wait3A_1056] : memref<8x16x128xf32, #tpu.memory_space<vmem>> -> memref<1x16x128xf32, #tpu.memory_space<vmem>>
      %dma_wait3A_1058 = tpu.memref_squeeze %dma_wait3A_1057 : memref<1x16x128xf32, #tpu.memory_space<vmem>> -> memref<16x128xf32, #tpu.memory_space<vmem>>
      %dma_wait3A_1059 = arith.constant 0 : i32
      %dma_wait3A_1060 = arith.constant 0 : i32
      %dma_wait3A_1061 = tpu.memref_slice %arg5[%dma_wait3A_1059, %dma_wait3A_1060] : memref<16x1000000xf32, #tpu.memory_space<hbm>> -> memref<16x128xf32, #tpu.memory_space<hbm>>
      %dma_wait3A_1062 = arith.constant 0 : i32
      %dma_wait3A_1063 = arith.constant 0 : i32
      %dma_wait3A_1064 = tpu.memref_slice %arg15[%dma_wait3A_1054, %dma_wait3A_1062, %dma_wait3A_1063] : memref<8x16x128xf32, #tpu.memory_space<vmem>> -> memref<1x16x128xf32, #tpu.memory_space<vmem>>
      %dma_wait3A_1065 = tpu.memref_squeeze %dma_wait3A_1064 : memref<1x16x128xf32, #tpu.memory_space<vmem>> -> memref<16x128xf32, #tpu.memory_space<vmem>>
      %dma_wait3A_1066 = arith.constant 0 : i32
      %dma_wait3A_1067 = arith.constant 0 : i32
      %dma_wait3A_1068 = tpu.memref_slice %arg5[%dma_wait3A_1066, %dma_wait3A_1067] : memref<16x1000000xf32, #tpu.memory_space<hbm>> -> memref<16x128xf32, #tpu.memory_space<hbm>>
      tpu.wait_dma2 semaphore(%arg25 : memref<!tpu.dma_semaphore, #tpu.memory_space<semaphore_mem>>) src(%dma_wait3A_1068 : memref<16x128xf32, #tpu.memory_space<hbm>>) dst(%dma_wait3A_1065 : memref<16x128xf32, #tpu.memory_space<vmem>>)
      %dma_wait3A_1069 = arith.constant 5 : i32
      %dma_wait3A_1070 = arith.constant 0 : i32
      %dma_wait3A_1071 = arith.constant 0 : i32
      %dma_wait3A_1072 = tpu.memref_slice %arg16[%dma_wait3A_1069, %dma_wait3A_1070, %dma_wait3A_1071] : memref<8x16x128xf32, #tpu.memory_space<vmem>> -> memref<1x16x128xf32, #tpu.memory_space<vmem>>
      %dma_wait3A_1073 = tpu.memref_squeeze %dma_wait3A_1072 : memref<1x16x128xf32, #tpu.memory_space<vmem>> -> memref<16x128xf32, #tpu.memory_space<vmem>>
      %dma_wait3A_1074 = arith.constant 0 : i32
      %dma_wait3A_1075 = arith.constant 0 : i32
      %dma_wait3A_1076 = tpu.memref_slice %arg6[%dma_wait3A_1074, %dma_wait3A_1075] : memref<16x1000000xf32, #tpu.memory_space<hbm>> -> memref<16x128xf32, #tpu.memory_space<hbm>>
      %dma_wait3A_1077 = arith.constant 0 : i32
      %dma_wait3A_1078 = arith.constant 0 : i32
      %dma_wait3A_1079 = tpu.memref_slice %arg16[%dma_wait3A_1069, %dma_wait3A_1077, %dma_wait3A_1078] : memref<8x16x128xf32, #tpu.memory_space<vmem>> -> memref<1x16x128xf32, #tpu.memory_space<vmem>>
      %dma_wait3A_1080 = tpu.memref_squeeze %dma_wait3A_1079 : memref<1x16x128xf32, #tpu.memory_space<vmem>> -> memref<16x128xf32, #tpu.memory_space<vmem>>
      %dma_wait3A_1081 = arith.constant 0 : i32
      %dma_wait3A_1082 = arith.constant 0 : i32
      %dma_wait3A_1083 = tpu.memref_slice %arg6[%dma_wait3A_1081, %dma_wait3A_1082] : memref<16x1000000xf32, #tpu.memory_space<hbm>> -> memref<16x128xf32, #tpu.memory_space<hbm>>
      tpu.wait_dma2 semaphore(%arg27 : memref<!tpu.dma_semaphore, #tpu.memory_space<semaphore_mem>>) src(%dma_wait3A_1083 : memref<16x128xf32, #tpu.memory_space<hbm>>) dst(%dma_wait3A_1080 : memref<16x128xf32, #tpu.memory_space<vmem>>)
      %dma_wait3A_1084 = arith.constant 5 : i32
      %dma_wait3A_1085 = arith.constant 0 : i32
      %dma_wait3A_1086 = arith.constant 0 : i32
      %dma_wait3A_1087 = tpu.memref_slice %arg17[%dma_wait3A_1084, %dma_wait3A_1085, %dma_wait3A_1086] : memref<8x16x128xf32, #tpu.memory_space<vmem>> -> memref<1x16x128xf32, #tpu.memory_space<vmem>>
      %dma_wait3A_1088 = tpu.memref_squeeze %dma_wait3A_1087 : memref<1x16x128xf32, #tpu.memory_space<vmem>> -> memref<16x128xf32, #tpu.memory_space<vmem>>
      %dma_wait3A_1089 = arith.constant 0 : i32
      %dma_wait3A_1090 = arith.constant 0 : i32
      %dma_wait3A_1091 = tpu.memref_slice %arg7[%dma_wait3A_1089, %dma_wait3A_1090] : memref<16x1000000xf32, #tpu.memory_space<hbm>> -> memref<16x128xf32, #tpu.memory_space<hbm>>
      %dma_wait3A_1092 = arith.constant 0 : i32
      %dma_wait3A_1093 = arith.constant 0 : i32
      %dma_wait3A_1094 = tpu.memref_slice %arg17[%dma_wait3A_1084, %dma_wait3A_1092, %dma_wait3A_1093] : memref<8x16x128xf32, #tpu.memory_space<vmem>> -> memref<1x16x128xf32, #tpu.memory_space<vmem>>
      %dma_wait3A_1095 = tpu.memref_squeeze %dma_wait3A_1094 : memref<1x16x128xf32, #tpu.memory_space<vmem>> -> memref<16x128xf32, #tpu.memory_space<vmem>>
      %dma_wait3A_1096 = arith.constant 0 : i32
      %dma_wait3A_1097 = arith.constant 0 : i32
      %dma_wait3A_1098 = tpu.memref_slice %arg7[%dma_wait3A_1096, %dma_wait3A_1097] : memref<16x1000000xf32, #tpu.memory_space<hbm>> -> memref<16x128xf32, #tpu.memory_space<hbm>>
      tpu.wait_dma2 semaphore(%arg29 : memref<!tpu.dma_semaphore, #tpu.memory_space<semaphore_mem>>) src(%dma_wait3A_1098 : memref<16x128xf32, #tpu.memory_space<hbm>>) dst(%dma_wait3A_1095 : memref<16x128xf32, #tpu.memory_space<vmem>>)
      %dma_wait3A_1099 = arith.constant 6 : i32
      %dma_wait3A_1100 = arith.constant 0 : i32
      %dma_wait3A_1101 = arith.constant 0 : i32
      %dma_wait3A_1102 = tpu.memref_slice %arg14[%dma_wait3A_1099, %dma_wait3A_1100, %dma_wait3A_1101] : memref<8x16x128xf32, #tpu.memory_space<vmem>> -> memref<1x16x128xf32, #tpu.memory_space<vmem>>
      %dma_wait3A_1103 = tpu.memref_squeeze %dma_wait3A_1102 : memref<1x16x128xf32, #tpu.memory_space<vmem>> -> memref<16x128xf32, #tpu.memory_space<vmem>>
      %dma_wait3A_1104 = arith.constant 0 : i32
      %dma_wait3A_1105 = arith.constant 0 : i32
      %dma_wait3A_1106 = tpu.memref_slice %arg4[%dma_wait3A_1104, %dma_wait3A_1105] : memref<16x1000000xf32, #tpu.memory_space<hbm>> -> memref<16x128xf32, #tpu.memory_space<hbm>>
      %dma_wait3A_1107 = arith.constant 0 : i32
      %dma_wait3A_1108 = arith.constant 0 : i32
      %dma_wait3A_1109 = tpu.memref_slice %arg14[%dma_wait3A_1099, %dma_wait3A_1107, %dma_wait3A_1108] : memref<8x16x128xf32, #tpu.memory_space<vmem>> -> memref<1x16x128xf32, #tpu.memory_space<vmem>>
      %dma_wait3A_1110 = tpu.memref_squeeze %dma_wait3A_1109 : memref<1x16x128xf32, #tpu.memory_space<vmem>> -> memref<16x128xf32, #tpu.memory_space<vmem>>
      %dma_wait3A_1111 = arith.constant 0 : i32
      %dma_wait3A_1112 = arith.constant 0 : i32
      %dma_wait3A_1113 = tpu.memref_slice %arg4[%dma_wait3A_1111, %dma_wait3A_1112] : memref<16x1000000xf32, #tpu.memory_space<hbm>> -> memref<16x128xf32, #tpu.memory_space<hbm>>
      tpu.wait_dma2 semaphore(%arg23 : memref<!tpu.dma_semaphore, #tpu.memory_space<semaphore_mem>>) src(%dma_wait3A_1113 : memref<16x128xf32, #tpu.memory_space<hbm>>) dst(%dma_wait3A_1110 : memref<16x128xf32, #tpu.memory_space<vmem>>)
      %dma_wait3A_1114 = arith.constant 6 : i32
      %dma_wait3A_1115 = arith.constant 0 : i32
      %dma_wait3A_1116 = arith.constant 0 : i32
      %dma_wait3A_1117 = tpu.memref_slice %arg15[%dma_wait3A_1114, %dma_wait3A_1115, %dma_wait3A_1116] : memref<8x16x128xf32, #tpu.memory_space<vmem>> -> memref<1x16x128xf32, #tpu.memory_space<vmem>>
      %dma_wait3A_1118 = tpu.memref_squeeze %dma_wait3A_1117 : memref<1x16x128xf32, #tpu.memory_space<vmem>> -> memref<16x128xf32, #tpu.memory_space<vmem>>
      %dma_wait3A_1119 = arith.constant 0 : i32
      %dma_wait3A_1120 = arith.constant 0 : i32
      %dma_wait3A_1121 = tpu.memref_slice %arg5[%dma_wait3A_1119, %dma_wait3A_1120] : memref<16x1000000xf32, #tpu.memory_space<hbm>> -> memref<16x128xf32, #tpu.memory_space<hbm>>
      %dma_wait3A_1122 = arith.constant 0 : i32
      %dma_wait3A_1123 = arith.constant 0 : i32
      %dma_wait3A_1124 = tpu.memref_slice %arg15[%dma_wait3A_1114, %dma_wait3A_1122, %dma_wait3A_1123] : memref<8x16x128xf32, #tpu.memory_space<vmem>> -> memref<1x16x128xf32, #tpu.memory_space<vmem>>
      %dma_wait3A_1125 = tpu.memref_squeeze %dma_wait3A_1124 : memref<1x16x128xf32, #tpu.memory_space<vmem>> -> memref<16x128xf32, #tpu.memory_space<vmem>>
      %dma_wait3A_1126 = arith.constant 0 : i32
      %dma_wait3A_1127 = arith.constant 0 : i32
      %dma_wait3A_1128 = tpu.memref_slice %arg5[%dma_wait3A_1126, %dma_wait3A_1127] : memref<16x1000000xf32, #tpu.memory_space<hbm>> -> memref<16x128xf32, #tpu.memory_space<hbm>>
      tpu.wait_dma2 semaphore(%arg25 : memref<!tpu.dma_semaphore, #tpu.memory_space<semaphore_mem>>) src(%dma_wait3A_1128 : memref<16x128xf32, #tpu.memory_space<hbm>>) dst(%dma_wait3A_1125 : memref<16x128xf32, #tpu.memory_space<vmem>>)
      %dma_wait3A_1129 = arith.constant 6 : i32
      %dma_wait3A_1130 = arith.constant 0 : i32
      %dma_wait3A_1131 = arith.constant 0 : i32
      %dma_wait3A_1132 = tpu.memref_slice %arg16[%dma_wait3A_1129, %dma_wait3A_1130, %dma_wait3A_1131] : memref<8x16x128xf32, #tpu.memory_space<vmem>> -> memref<1x16x128xf32, #tpu.memory_space<vmem>>
      %dma_wait3A_1133 = tpu.memref_squeeze %dma_wait3A_1132 : memref<1x16x128xf32, #tpu.memory_space<vmem>> -> memref<16x128xf32, #tpu.memory_space<vmem>>
      %dma_wait3A_1134 = arith.constant 0 : i32
      %dma_wait3A_1135 = arith.constant 0 : i32
      %dma_wait3A_1136 = tpu.memref_slice %arg6[%dma_wait3A_1134, %dma_wait3A_1135] : memref<16x1000000xf32, #tpu.memory_space<hbm>> -> memref<16x128xf32, #tpu.memory_space<hbm>>
      %dma_wait3A_1137 = arith.constant 0 : i32
      %dma_wait3A_1138 = arith.constant 0 : i32
      %dma_wait3A_1139 = tpu.memref_slice %arg16[%dma_wait3A_1129, %dma_wait3A_1137, %dma_wait3A_1138] : memref<8x16x128xf32, #tpu.memory_space<vmem>> -> memref<1x16x128xf32, #tpu.memory_space<vmem>>
      %dma_wait3A_1140 = tpu.memref_squeeze %dma_wait3A_1139 : memref<1x16x128xf32, #tpu.memory_space<vmem>> -> memref<16x128xf32, #tpu.memory_space<vmem>>
      %dma_wait3A_1141 = arith.constant 0 : i32
      %dma_wait3A_1142 = arith.constant 0 : i32
      %dma_wait3A_1143 = tpu.memref_slice %arg6[%dma_wait3A_1141, %dma_wait3A_1142] : memref<16x1000000xf32, #tpu.memory_space<hbm>> -> memref<16x128xf32, #tpu.memory_space<hbm>>
      tpu.wait_dma2 semaphore(%arg27 : memref<!tpu.dma_semaphore, #tpu.memory_space<semaphore_mem>>) src(%dma_wait3A_1143 : memref<16x128xf32, #tpu.memory_space<hbm>>) dst(%dma_wait3A_1140 : memref<16x128xf32, #tpu.memory_space<vmem>>)
      %dma_wait3A_1144 = arith.constant 6 : i32
      %dma_wait3A_1145 = arith.constant 0 : i32
      %dma_wait3A_1146 = arith.constant 0 : i32
      %dma_wait3A_1147 = tpu.memref_slice %arg17[%dma_wait3A_1144, %dma_wait3A_1145, %dma_wait3A_1146] : memref<8x16x128xf32, #tpu.memory_space<vmem>> -> memref<1x16x128xf32, #tpu.memory_space<vmem>>
      %dma_wait3A_1148 = tpu.memref_squeeze %dma_wait3A_1147 : memref<1x16x128xf32, #tpu.memory_space<vmem>> -> memref<16x128xf32, #tpu.memory_space<vmem>>
      %dma_wait3A_1149 = arith.constant 0 : i32
      %dma_wait3A_1150 = arith.constant 0 : i32
      %dma_wait3A_1151 = tpu.memref_slice %arg7[%dma_wait3A_1149, %dma_wait3A_1150] : memref<16x1000000xf32, #tpu.memory_space<hbm>> -> memref<16x128xf32, #tpu.memory_space<hbm>>
      %dma_wait3A_1152 = arith.constant 0 : i32
      %dma_wait3A_1153 = arith.constant 0 : i32
      %dma_wait3A_1154 = tpu.memref_slice %arg17[%dma_wait3A_1144, %dma_wait3A_1152, %dma_wait3A_1153] : memref<8x16x128xf32, #tpu.memory_space<vmem>> -> memref<1x16x128xf32, #tpu.memory_space<vmem>>
      %dma_wait3A_1155 = tpu.memref_squeeze %dma_wait3A_1154 : memref<1x16x128xf32, #tpu.memory_space<vmem>> -> memref<16x128xf32, #tpu.memory_space<vmem>>
      %dma_wait3A_1156 = arith.constant 0 : i32
      %dma_wait3A_1157 = arith.constant 0 : i32
      %dma_wait3A_1158 = tpu.memref_slice %arg7[%dma_wait3A_1156, %dma_wait3A_1157] : memref<16x1000000xf32, #tpu.memory_space<hbm>> -> memref<16x128xf32, #tpu.memory_space<hbm>>
      tpu.wait_dma2 semaphore(%arg29 : memref<!tpu.dma_semaphore, #tpu.memory_space<semaphore_mem>>) src(%dma_wait3A_1158 : memref<16x128xf32, #tpu.memory_space<hbm>>) dst(%dma_wait3A_1155 : memref<16x128xf32, #tpu.memory_space<vmem>>)
      %dma_wait3A_1159 = arith.constant 7 : i32
      %dma_wait3A_1160 = arith.constant 0 : i32
      %dma_wait3A_1161 = arith.constant 0 : i32
      %dma_wait3A_1162 = tpu.memref_slice %arg14[%dma_wait3A_1159, %dma_wait3A_1160, %dma_wait3A_1161] : memref<8x16x128xf32, #tpu.memory_space<vmem>> -> memref<1x16x128xf32, #tpu.memory_space<vmem>>
      %dma_wait3A_1163 = tpu.memref_squeeze %dma_wait3A_1162 : memref<1x16x128xf32, #tpu.memory_space<vmem>> -> memref<16x128xf32, #tpu.memory_space<vmem>>
      %dma_wait3A_1164 = arith.constant 0 : i32
      %dma_wait3A_1165 = arith.constant 0 : i32
      %dma_wait3A_1166 = tpu.memref_slice %arg4[%dma_wait3A_1164, %dma_wait3A_1165] : memref<16x1000000xf32, #tpu.memory_space<hbm>> -> memref<16x128xf32, #tpu.memory_space<hbm>>
      %dma_wait3A_1167 = arith.constant 0 : i32
      %dma_wait3A_1168 = arith.constant 0 : i32
      %dma_wait3A_1169 = tpu.memref_slice %arg14[%dma_wait3A_1159, %dma_wait3A_1167, %dma_wait3A_1168] : memref<8x16x128xf32, #tpu.memory_space<vmem>> -> memref<1x16x128xf32, #tpu.memory_space<vmem>>
      %dma_wait3A_1170 = tpu.memref_squeeze %dma_wait3A_1169 : memref<1x16x128xf32, #tpu.memory_space<vmem>> -> memref<16x128xf32, #tpu.memory_space<vmem>>
      %dma_wait3A_1171 = arith.constant 0 : i32
      %dma_wait3A_1172 = arith.constant 0 : i32
      %dma_wait3A_1173 = tpu.memref_slice %arg4[%dma_wait3A_1171, %dma_wait3A_1172] : memref<16x1000000xf32, #tpu.memory_space<hbm>> -> memref<16x128xf32, #tpu.memory_space<hbm>>
      tpu.wait_dma2 semaphore(%arg23 : memref<!tpu.dma_semaphore, #tpu.memory_space<semaphore_mem>>) src(%dma_wait3A_1173 : memref<16x128xf32, #tpu.memory_space<hbm>>) dst(%dma_wait3A_1170 : memref<16x128xf32, #tpu.memory_space<vmem>>)
      %dma_wait3A_1174 = arith.constant 7 : i32
      %dma_wait3A_1175 = arith.constant 0 : i32
      %dma_wait3A_1176 = arith.constant 0 : i32
      %dma_wait3A_1177 = tpu.memref_slice %arg15[%dma_wait3A_1174, %dma_wait3A_1175, %dma_wait3A_1176] : memref<8x16x128xf32, #tpu.memory_space<vmem>> -> memref<1x16x128xf32, #tpu.memory_space<vmem>>
      %dma_wait3A_1178 = tpu.memref_squeeze %dma_wait3A_1177 : memref<1x16x128xf32, #tpu.memory_space<vmem>> -> memref<16x128xf32, #tpu.memory_space<vmem>>
      %dma_wait3A_1179 = arith.constant 0 : i32
      %dma_wait3A_1180 = arith.constant 0 : i32
      %dma_wait3A_1181 = tpu.memref_slice %arg5[%dma_wait3A_1179, %dma_wait3A_1180] : memref<16x1000000xf32, #tpu.memory_space<hbm>> -> memref<16x128xf32, #tpu.memory_space<hbm>>
      %dma_wait3A_1182 = arith.constant 0 : i32
      %dma_wait3A_1183 = arith.constant 0 : i32
      %dma_wait3A_1184 = tpu.memref_slice %arg15[%dma_wait3A_1174, %dma_wait3A_1182, %dma_wait3A_1183] : memref<8x16x128xf32, #tpu.memory_space<vmem>> -> memref<1x16x128xf32, #tpu.memory_space<vmem>>
      %dma_wait3A_1185 = tpu.memref_squeeze %dma_wait3A_1184 : memref<1x16x128xf32, #tpu.memory_space<vmem>> -> memref<16x128xf32, #tpu.memory_space<vmem>>
      %dma_wait3A_1186 = arith.constant 0 : i32
      %dma_wait3A_1187 = arith.constant 0 : i32
      %dma_wait3A_1188 = tpu.memref_slice %arg5[%dma_wait3A_1186, %dma_wait3A_1187] : memref<16x1000000xf32, #tpu.memory_space<hbm>> -> memref<16x128xf32, #tpu.memory_space<hbm>>
      tpu.wait_dma2 semaphore(%arg25 : memref<!tpu.dma_semaphore, #tpu.memory_space<semaphore_mem>>) src(%dma_wait3A_1188 : memref<16x128xf32, #tpu.memory_space<hbm>>) dst(%dma_wait3A_1185 : memref<16x128xf32, #tpu.memory_space<vmem>>)
      %dma_wait3A_1189 = arith.constant 7 : i32
      %dma_wait3A_1190 = arith.constant 0 : i32
      %dma_wait3A_1191 = arith.constant 0 : i32
      %dma_wait3A_1192 = tpu.memref_slice %arg16[%dma_wait3A_1189, %dma_wait3A_1190, %dma_wait3A_1191] : memref<8x16x128xf32, #tpu.memory_space<vmem>> -> memref<1x16x128xf32, #tpu.memory_space<vmem>>
      %dma_wait3A_1193 = tpu.memref_squeeze %dma_wait3A_1192 : memref<1x16x128xf32, #tpu.memory_space<vmem>> -> memref<16x128xf32, #tpu.memory_space<vmem>>
      %dma_wait3A_1194 = arith.constant 0 : i32
      %dma_wait3A_1195 = arith.constant 0 : i32
      %dma_wait3A_1196 = tpu.memref_slice %arg6[%dma_wait3A_1194, %dma_wait3A_1195] : memref<16x1000000xf32, #tpu.memory_space<hbm>> -> memref<16x128xf32, #tpu.memory_space<hbm>>
      %dma_wait3A_1197 = arith.constant 0 : i32
      %dma_wait3A_1198 = arith.constant 0 : i32
      %dma_wait3A_1199 = tpu.memref_slice %arg16[%dma_wait3A_1189, %dma_wait3A_1197, %dma_wait3A_1198] : memref<8x16x128xf32, #tpu.memory_space<vmem>> -> memref<1x16x128xf32, #tpu.memory_space<vmem>>
      %dma_wait3A_1200 = tpu.memref_squeeze %dma_wait3A_1199 : memref<1x16x128xf32, #tpu.memory_space<vmem>> -> memref<16x128xf32, #tpu.memory_space<vmem>>
      %dma_wait3A_1201 = arith.constant 0 : i32
      %dma_wait3A_1202 = arith.constant 0 : i32
      %dma_wait3A_1203 = tpu.memref_slice %arg6[%dma_wait3A_1201, %dma_wait3A_1202] : memref<16x1000000xf32, #tpu.memory_space<hbm>> -> memref<16x128xf32, #tpu.memory_space<hbm>>
      tpu.wait_dma2 semaphore(%arg27 : memref<!tpu.dma_semaphore, #tpu.memory_space<semaphore_mem>>) src(%dma_wait3A_1203 : memref<16x128xf32, #tpu.memory_space<hbm>>) dst(%dma_wait3A_1200 : memref<16x128xf32, #tpu.memory_space<vmem>>)
      %dma_wait3A_1204 = arith.constant 7 : i32
      %dma_wait3A_1205 = arith.constant 0 : i32
      %dma_wait3A_1206 = arith.constant 0 : i32
      %dma_wait3A_1207 = tpu.memref_slice %arg17[%dma_wait3A_1204, %dma_wait3A_1205, %dma_wait3A_1206] : memref<8x16x128xf32, #tpu.memory_space<vmem>> -> memref<1x16x128xf32, #tpu.memory_space<vmem>>
      %dma_wait3A_1208 = tpu.memref_squeeze %dma_wait3A_1207 : memref<1x16x128xf32, #tpu.memory_space<vmem>> -> memref<16x128xf32, #tpu.memory_space<vmem>>
      %dma_wait3A_1209 = arith.constant 0 : i32
      %dma_wait3A_1210 = arith.constant 0 : i32
      %dma_wait3A_1211 = tpu.memref_slice %arg7[%dma_wait3A_1209, %dma_wait3A_1210] : memref<16x1000000xf32, #tpu.memory_space<hbm>> -> memref<16x128xf32, #tpu.memory_space<hbm>>
      %dma_wait3A_1212 = arith.constant 0 : i32
      %dma_wait3A_1213 = arith.constant 0 : i32
      %dma_wait3A_1214 = tpu.memref_slice %arg17[%dma_wait3A_1204, %dma_wait3A_1212, %dma_wait3A_1213] : memref<8x16x128xf32, #tpu.memory_space<vmem>> -> memref<1x16x128xf32, #tpu.memory_space<vmem>>
      %dma_wait3A_1215 = tpu.memref_squeeze %dma_wait3A_1214 : memref<1x16x128xf32, #tpu.memory_space<vmem>> -> memref<16x128xf32, #tpu.memory_space<vmem>>
      %dma_wait3A_1216 = arith.constant 0 : i32
      %dma_wait3A_1217 = arith.constant 0 : i32
      %dma_wait3A_1218 = tpu.memref_slice %arg7[%dma_wait3A_1216, %dma_wait3A_1217] : memref<16x1000000xf32, #tpu.memory_space<hbm>> -> memref<16x128xf32, #tpu.memory_space<hbm>>
      tpu.wait_dma2 semaphore(%arg29 : memref<!tpu.dma_semaphore, #tpu.memory_space<semaphore_mem>>) src(%dma_wait3A_1218 : memref<16x128xf32, #tpu.memory_space<hbm>>) dst(%dma_wait3A_1215 : memref<16x128xf32, #tpu.memory_space<vmem>>)
      %add3A_1219 = arith.constant 1 : i32
      %add3A_1220 = arith.addi %mul3A_279, %add3A_1219 : i32
      %mul3A_1221 = arith.constant 4 : i32
      %mul3A_1222 = arith.muli %add3A_1220, %mul3A_1221 : i32
      %add3A_1223 = arith.constant 0 : i32
      %add3A_1224 = arith.addi %mul3A_1222, %add3A_1223 : i32
      %slice3A_1225 = vector.extract_strided_slice %get3A_285 {offsets = [4], sizes = [1], strides = [1]} : vector<16xi32> to vector<1xi32>
      %squeeze3A_1226 = vector.extract %slice3A_1225[0] : i32 from vector<1xi32>
      %and3A_1227 = arith.constant 127 : i32
      %and3A_1228 = arith.andi %squeeze3A_1226, %and3A_1227 : i32
      %broadcast_in_dim3A_1229 = arith.constant 4 : i32
      %broadcast_in_dim3A_1230 = vector.broadcast %broadcast_in_dim3A_1229 : i32 to vector<16xi32>
      %broadcast_in_dim3A_1231 = vector.broadcast %and3A_1228 : i32 to vector<16xi32>
      %gather3A_1232 = tpu.vector_load_idx %arg14[%broadcast_in_dim3A_1230, %iota3A, %broadcast_in_dim3A_1231] : memref<8x16x128xf32, #tpu.memory_space<vmem>>[vector<16xi32>, vector<16xi32>, vector<16xi32>], vector<16xf32>,
      %broadcast_in_dim3A_1233 = vector.broadcast %add3A_1224 : i32 to vector<16xi32>
      tpu.vector_store_idx %arg18[%iota3A, %broadcast_in_dim3A_1233], %gather3A_1232 : memref<16x512xf32, #tpu.memory_space<vmem>>[vector<16xi32>, vector<16xi32>], vector<16xf32>,
      %slice3A_1234 = vector.extract_strided_slice %get3A_291 {offsets = [4], sizes = [1], strides = [1]} : vector<16xi32> to vector<1xi32>
      %squeeze3A_1235 = vector.extract %slice3A_1234[0] : i32 from vector<1xi32>
      %and3A_1236 = arith.constant 127 : i32
      %and3A_1237 = arith.andi %squeeze3A_1235, %and3A_1236 : i32
      %broadcast_in_dim3A_1238 = arith.constant 4 : i32
      %broadcast_in_dim3A_1239 = vector.broadcast %broadcast_in_dim3A_1238 : i32 to vector<16xi32>
      %broadcast_in_dim3A_1240 = vector.broadcast %and3A_1237 : i32 to vector<16xi32>
      %gather3A_1241 = tpu.vector_load_idx %arg15[%broadcast_in_dim3A_1239, %iota3A, %broadcast_in_dim3A_1240] : memref<8x16x128xf32, #tpu.memory_space<vmem>>[vector<16xi32>, vector<16xi32>, vector<16xi32>], vector<16xf32>,
      %broadcast_in_dim3A_1242 = vector.broadcast %add3A_1224 : i32 to vector<16xi32>
      tpu.vector_store_idx %arg19[%iota3A, %broadcast_in_dim3A_1242], %gather3A_1241 : memref<16x512xf32, #tpu.memory_space<vmem>>[vector<16xi32>, vector<16xi32>], vector<16xf32>,
      %slice3A_1243 = vector.extract_strided_slice %get3A_285 {offsets = [4], sizes = [1], strides = [1]} : vector<16xi32> to vector<1xi32>
      %squeeze3A_1244 = vector.extract %slice3A_1243[0] : i32 from vector<1xi32>
      %and3A_1245 = arith.constant 127 : i32
      %and3A_1246 = arith.andi %squeeze3A_1244, %and3A_1245 : i32
      %broadcast_in_dim3A_1247 = arith.constant 4 : i32
      %broadcast_in_dim3A_1248 = vector.broadcast %broadcast_in_dim3A_1247 : i32 to vector<16xi32>
      %broadcast_in_dim3A_1249 = vector.broadcast %and3A_1246 : i32 to vector<16xi32>
      %gather3A_1250 = tpu.vector_load_idx %arg16[%broadcast_in_dim3A_1248, %iota3A, %broadcast_in_dim3A_1249] : memref<8x16x128xf32, #tpu.memory_space<vmem>>[vector<16xi32>, vector<16xi32>, vector<16xi32>], vector<16xf32>,
      %broadcast_in_dim3A_1251 = vector.broadcast %add3A_1224 : i32 to vector<16xi32>
      tpu.vector_store_idx %arg20[%iota3A, %broadcast_in_dim3A_1251], %gather3A_1250 : memref<16x512xf32, #tpu.memory_space<vmem>>[vector<16xi32>, vector<16xi32>], vector<16xf32>,
      %slice3A_1252 = vector.extract_strided_slice %get3A_291 {offsets = [4], sizes = [1], strides = [1]} : vector<16xi32> to vector<1xi32>
      %squeeze3A_1253 = vector.extract %slice3A_1252[0] : i32 from vector<1xi32>
      %and3A_1254 = arith.constant 127 : i32
      %and3A_1255 = arith.andi %squeeze3A_1253, %and3A_1254 : i32
      %broadcast_in_dim3A_1256 = arith.constant 4 : i32
      %broadcast_in_dim3A_1257 = vector.broadcast %broadcast_in_dim3A_1256 : i32 to vector<16xi32>
      %broadcast_in_dim3A_1258 = vector.broadcast %and3A_1255 : i32 to vector<16xi32>
      %gather3A_1259 = tpu.vector_load_idx %arg17[%broadcast_in_dim3A_1257, %iota3A, %broadcast_in_dim3A_1258] : memref<8x16x128xf32, #tpu.memory_space<vmem>>[vector<16xi32>, vector<16xi32>, vector<16xi32>], vector<16xf32>,
      %broadcast_in_dim3A_1260 = vector.broadcast %add3A_1224 : i32 to vector<16xi32>
      tpu.vector_store_idx %arg21[%iota3A, %broadcast_in_dim3A_1260], %gather3A_1259 : memref<16x512xf32, #tpu.memory_space<vmem>>[vector<16xi32>, vector<16xi32>], vector<16xf32>,
      %mul3A_1261 = arith.constant 4 : i32
      %mul3A_1262 = arith.muli %add3A_1220, %mul3A_1261 : i32
      %add3A_1263 = arith.constant 1 : i32
      %add3A_1264 = arith.addi %mul3A_1262, %add3A_1263 : i32
      %slice3A_1265 = vector.extract_strided_slice %get3A_285 {offsets = [5], sizes = [1], strides = [1]} : vector<16xi32> to vector<1xi32>
      %squeeze3A_1266 = vector.extract %slice3A_1265[0] : i32 from vector<1xi32>
      %and3A_1267 = arith.constant 127 : i32
      %and3A_1268 = arith.andi %squeeze3A_1266, %and3A_1267 : i32
      %broadcast_in_dim3A_1269 = arith.constant 5 : i32
      %broadcast_in_dim3A_1270 = vector.broadcast %broadcast_in_dim3A_1269 : i32 to vector<16xi32>
      %broadcast_in_dim3A_1271 = vector.broadcast %and3A_1268 : i32 to vector<16xi32>
      %gather3A_1272 = tpu.vector_load_idx %arg14[%broadcast_in_dim3A_1270, %iota3A, %broadcast_in_dim3A_1271] : memref<8x16x128xf32, #tpu.memory_space<vmem>>[vector<16xi32>, vector<16xi32>, vector<16xi32>], vector<16xf32>,
      %broadcast_in_dim3A_1273 = vector.broadcast %add3A_1264 : i32 to vector<16xi32>
      tpu.vector_store_idx %arg18[%iota3A, %broadcast_in_dim3A_1273], %gather3A_1272 : memref<16x512xf32, #tpu.memory_space<vmem>>[vector<16xi32>, vector<16xi32>], vector<16xf32>,
      %slice3A_1274 = vector.extract_strided_slice %get3A_291 {offsets = [5], sizes = [1], strides = [1]} : vector<16xi32> to vector<1xi32>
      %squeeze3A_1275 = vector.extract %slice3A_1274[0] : i32 from vector<1xi32>
      %and3A_1276 = arith.constant 127 : i32
      %and3A_1277 = arith.andi %squeeze3A_1275, %and3A_1276 : i32
      %broadcast_in_dim3A_1278 = arith.constant 5 : i32
      %broadcast_in_dim3A_1279 = vector.broadcast %broadcast_in_dim3A_1278 : i32 to vector<16xi32>
      %broadcast_in_dim3A_1280 = vector.broadcast %and3A_1277 : i32 to vector<16xi32>
      %gather3A_1281 = tpu.vector_load_idx %arg15[%broadcast_in_dim3A_1279, %iota3A, %broadcast_in_dim3A_1280] : memref<8x16x128xf32, #tpu.memory_space<vmem>>[vector<16xi32>, vector<16xi32>, vector<16xi32>], vector<16xf32>,
      %broadcast_in_dim3A_1282 = vector.broadcast %add3A_1264 : i32 to vector<16xi32>
      tpu.vector_store_idx %arg19[%iota3A, %broadcast_in_dim3A_1282], %gather3A_1281 : memref<16x512xf32, #tpu.memory_space<vmem>>[vector<16xi32>, vector<16xi32>], vector<16xf32>,
      %slice3A_1283 = vector.extract_strided_slice %get3A_285 {offsets = [5], sizes = [1], strides = [1]} : vector<16xi32> to vector<1xi32>
      %squeeze3A_1284 = vector.extract %slice3A_1283[0] : i32 from vector<1xi32>
      %and3A_1285 = arith.constant 127 : i32
      %and3A_1286 = arith.andi %squeeze3A_1284, %and3A_1285 : i32
      %broadcast_in_dim3A_1287 = arith.constant 5 : i32
      %broadcast_in_dim3A_1288 = vector.broadcast %broadcast_in_dim3A_1287 : i32 to vector<16xi32>
      %broadcast_in_dim3A_1289 = vector.broadcast %and3A_1286 : i32 to vector<16xi32>
      %gather3A_1290 = tpu.vector_load_idx %arg16[%broadcast_in_dim3A_1288, %iota3A, %broadcast_in_dim3A_1289] : memref<8x16x128xf32, #tpu.memory_space<vmem>>[vector<16xi32>, vector<16xi32>, vector<16xi32>], vector<16xf32>,
      %broadcast_in_dim3A_1291 = vector.broadcast %add3A_1264 : i32 to vector<16xi32>
      tpu.vector_store_idx %arg20[%iota3A, %broadcast_in_dim3A_1291], %gather3A_1290 : memref<16x512xf32, #tpu.memory_space<vmem>>[vector<16xi32>, vector<16xi32>], vector<16xf32>,
      %slice3A_1292 = vector.extract_strided_slice %get3A_291 {offsets = [5], sizes = [1], strides = [1]} : vector<16xi32> to vector<1xi32>
      %squeeze3A_1293 = vector.extract %slice3A_1292[0] : i32 from vector<1xi32>
      %and3A_1294 = arith.constant 127 : i32
      %and3A_1295 = arith.andi %squeeze3A_1293, %and3A_1294 : i32
      %broadcast_in_dim3A_1296 = arith.constant 5 : i32
      %broadcast_in_dim3A_1297 = vector.broadcast %broadcast_in_dim3A_1296 : i32 to vector<16xi32>
      %broadcast_in_dim3A_1298 = vector.broadcast %and3A_1295 : i32 to vector<16xi32>
      %gather3A_1299 = tpu.vector_load_idx %arg17[%broadcast_in_dim3A_1297, %iota3A, %broadcast_in_dim3A_1298] : memref<8x16x128xf32, #tpu.memory_space<vmem>>[vector<16xi32>, vector<16xi32>, vector<16xi32>], vector<16xf32>,
      %broadcast_in_dim3A_1300 = vector.broadcast %add3A_1264 : i32 to vector<16xi32>
      tpu.vector_store_idx %arg21[%iota3A, %broadcast_in_dim3A_1300], %gather3A_1299 : memref<16x512xf32, #tpu.memory_space<vmem>>[vector<16xi32>, vector<16xi32>], vector<16xf32>,
      %mul3A_1301 = arith.constant 4 : i32
      %mul3A_1302 = arith.muli %add3A_1220, %mul3A_1301 : i32
      %add3A_1303 = arith.constant 2 : i32
      %add3A_1304 = arith.addi %mul3A_1302, %add3A_1303 : i32
      %slice3A_1305 = vector.extract_strided_slice %get3A_285 {offsets = [6], sizes = [1], strides = [1]} : vector<16xi32> to vector<1xi32>
      %squeeze3A_1306 = vector.extract %slice3A_1305[0] : i32 from vector<1xi32>
      %and3A_1307 = arith.constant 127 : i32
      %and3A_1308 = arith.andi %squeeze3A_1306, %and3A_1307 : i32
      %broadcast_in_dim3A_1309 = arith.constant 6 : i32
      %broadcast_in_dim3A_1310 = vector.broadcast %broadcast_in_dim3A_1309 : i32 to vector<16xi32>
      %broadcast_in_dim3A_1311 = vector.broadcast %and3A_1308 : i32 to vector<16xi32>
      %gather3A_1312 = tpu.vector_load_idx %arg14[%broadcast_in_dim3A_1310, %iota3A, %broadcast_in_dim3A_1311] : memref<8x16x128xf32, #tpu.memory_space<vmem>>[vector<16xi32>, vector<16xi32>, vector<16xi32>], vector<16xf32>,
      %broadcast_in_dim3A_1313 = vector.broadcast %add3A_1304 : i32 to vector<16xi32>
      tpu.vector_store_idx %arg18[%iota3A, %broadcast_in_dim3A_1313], %gather3A_1312 : memref<16x512xf32, #tpu.memory_space<vmem>>[vector<16xi32>, vector<16xi32>], vector<16xf32>,
      %slice3A_1314 = vector.extract_strided_slice %get3A_291 {offsets = [6], sizes = [1], strides = [1]} : vector<16xi32> to vector<1xi32>
      %squeeze3A_1315 = vector.extract %slice3A_1314[0] : i32 from vector<1xi32>
      %and3A_1316 = arith.constant 127 : i32
      %and3A_1317 = arith.andi %squeeze3A_1315, %and3A_1316 : i32
      %broadcast_in_dim3A_1318 = arith.constant 6 : i32
      %broadcast_in_dim3A_1319 = vector.broadcast %broadcast_in_dim3A_1318 : i32 to vector<16xi32>
      %broadcast_in_dim3A_1320 = vector.broadcast %and3A_1317 : i32 to vector<16xi32>
      %gather3A_1321 = tpu.vector_load_idx %arg15[%broadcast_in_dim3A_1319, %iota3A, %broadcast_in_dim3A_1320] : memref<8x16x128xf32, #tpu.memory_space<vmem>>[vector<16xi32>, vector<16xi32>, vector<16xi32>], vector<16xf32>,
      %broadcast_in_dim3A_1322 = vector.broadcast %add3A_1304 : i32 to vector<16xi32>
      tpu.vector_store_idx %arg19[%iota3A, %broadcast_in_dim3A_1322], %gather3A_1321 : memref<16x512xf32, #tpu.memory_space<vmem>>[vector<16xi32>, vector<16xi32>], vector<16xf32>,
      %slice3A_1323 = vector.extract_strided_slice %get3A_285 {offsets = [6], sizes = [1], strides = [1]} : vector<16xi32> to vector<1xi32>
      %squeeze3A_1324 = vector.extract %slice3A_1323[0] : i32 from vector<1xi32>
      %and3A_1325 = arith.constant 127 : i32
      %and3A_1326 = arith.andi %squeeze3A_1324, %and3A_1325 : i32
      %broadcast_in_dim3A_1327 = arith.constant 6 : i32
      %broadcast_in_dim3A_1328 = vector.broadcast %broadcast_in_dim3A_1327 : i32 to vector<16xi32>
      %broadcast_in_dim3A_1329 = vector.broadcast %and3A_1326 : i32 to vector<16xi32>
      %gather3A_1330 = tpu.vector_load_idx %arg16[%broadcast_in_dim3A_1328, %iota3A, %broadcast_in_dim3A_1329] : memref<8x16x128xf32, #tpu.memory_space<vmem>>[vector<16xi32>, vector<16xi32>, vector<16xi32>], vector<16xf32>,
      %broadcast_in_dim3A_1331 = vector.broadcast %add3A_1304 : i32 to vector<16xi32>
      tpu.vector_store_idx %arg20[%iota3A, %broadcast_in_dim3A_1331], %gather3A_1330 : memref<16x512xf32, #tpu.memory_space<vmem>>[vector<16xi32>, vector<16xi32>], vector<16xf32>,
      %slice3A_1332 = vector.extract_strided_slice %get3A_291 {offsets = [6], sizes = [1], strides = [1]} : vector<16xi32> to vector<1xi32>
      %squeeze3A_1333 = vector.extract %slice3A_1332[0] : i32 from vector<1xi32>
      %and3A_1334 = arith.constant 127 : i32
      %and3A_1335 = arith.andi %squeeze3A_1333, %and3A_1334 : i32
      %broadcast_in_dim3A_1336 = arith.constant 6 : i32
      %broadcast_in_dim3A_1337 = vector.broadcast %broadcast_in_dim3A_1336 : i32 to vector<16xi32>
      %broadcast_in_dim3A_1338 = vector.broadcast %and3A_1335 : i32 to vector<16xi32>
      %gather3A_1339 = tpu.vector_load_idx %arg17[%broadcast_in_dim3A_1337, %iota3A, %broadcast_in_dim3A_1338] : memref<8x16x128xf32, #tpu.memory_space<vmem>>[vector<16xi32>, vector<16xi32>, vector<16xi32>], vector<16xf32>,
      %broadcast_in_dim3A_1340 = vector.broadcast %add3A_1304 : i32 to vector<16xi32>
      tpu.vector_store_idx %arg21[%iota3A, %broadcast_in_dim3A_1340], %gather3A_1339 : memref<16x512xf32, #tpu.memory_space<vmem>>[vector<16xi32>, vector<16xi32>], vector<16xf32>,
      %mul3A_1341 = arith.constant 4 : i32
      %mul3A_1342 = arith.muli %add3A_1220, %mul3A_1341 : i32
      %add3A_1343 = arith.constant 3 : i32
      %add3A_1344 = arith.addi %mul3A_1342, %add3A_1343 : i32
      %slice3A_1345 = vector.extract_strided_slice %get3A_285 {offsets = [7], sizes = [1], strides = [1]} : vector<16xi32> to vector<1xi32>
      %squeeze3A_1346 = vector.extract %slice3A_1345[0] : i32 from vector<1xi32>
      %and3A_1347 = arith.constant 127 : i32
      %and3A_1348 = arith.andi %squeeze3A_1346, %and3A_1347 : i32
      %broadcast_in_dim3A_1349 = arith.constant 7 : i32
      %broadcast_in_dim3A_1350 = vector.broadcast %broadcast_in_dim3A_1349 : i32 to vector<16xi32>
      %broadcast_in_dim3A_1351 = vector.broadcast %and3A_1348 : i32 to vector<16xi32>
      %gather3A_1352 = tpu.vector_load_idx %arg14[%broadcast_in_dim3A_1350, %iota3A, %broadcast_in_dim3A_1351] : memref<8x16x128xf32, #tpu.memory_space<vmem>>[vector<16xi32>, vector<16xi32>, vector<16xi32>], vector<16xf32>,
      %broadcast_in_dim3A_1353 = vector.broadcast %add3A_1344 : i32 to vector<16xi32>
      tpu.vector_store_idx %arg18[%iota3A, %broadcast_in_dim3A_1353], %gather3A_1352 : memref<16x512xf32, #tpu.memory_space<vmem>>[vector<16xi32>, vector<16xi32>], vector<16xf32>,
      %slice3A_1354 = vector.extract_strided_slice %get3A_291 {offsets = [7], sizes = [1], strides = [1]} : vector<16xi32> to vector<1xi32>
      %squeeze3A_1355 = vector.extract %slice3A_1354[0] : i32 from vector<1xi32>
      %and3A_1356 = arith.constant 127 : i32
      %and3A_1357 = arith.andi %squeeze3A_1355, %and3A_1356 : i32
      %broadcast_in_dim3A_1358 = arith.constant 7 : i32
      %broadcast_in_dim3A_1359 = vector.broadcast %broadcast_in_dim3A_1358 : i32 to vector<16xi32>
      %broadcast_in_dim3A_1360 = vector.broadcast %and3A_1357 : i32 to vector<16xi32>
      %gather3A_1361 = tpu.vector_load_idx %arg15[%broadcast_in_dim3A_1359, %iota3A, %broadcast_in_dim3A_1360] : memref<8x16x128xf32, #tpu.memory_space<vmem>>[vector<16xi32>, vector<16xi32>, vector<16xi32>], vector<16xf32>,
      %broadcast_in_dim3A_1362 = vector.broadcast %add3A_1344 : i32 to vector<16xi32>
      tpu.vector_store_idx %arg19[%iota3A, %broadcast_in_dim3A_1362], %gather3A_1361 : memref<16x512xf32, #tpu.memory_space<vmem>>[vector<16xi32>, vector<16xi32>], vector<16xf32>,
      %slice3A_1363 = vector.extract_strided_slice %get3A_285 {offsets = [7], sizes = [1], strides = [1]} : vector<16xi32> to vector<1xi32>
      %squeeze3A_1364 = vector.extract %slice3A_1363[0] : i32 from vector<1xi32>
      %and3A_1365 = arith.constant 127 : i32
      %and3A_1366 = arith.andi %squeeze3A_1364, %and3A_1365 : i32
      %broadcast_in_dim3A_1367 = arith.constant 7 : i32
      %broadcast_in_dim3A_1368 = vector.broadcast %broadcast_in_dim3A_1367 : i32 to vector<16xi32>
      %broadcast_in_dim3A_1369 = vector.broadcast %and3A_1366 : i32 to vector<16xi32>
      %gather3A_1370 = tpu.vector_load_idx %arg16[%broadcast_in_dim3A_1368, %iota3A, %broadcast_in_dim3A_1369] : memref<8x16x128xf32, #tpu.memory_space<vmem>>[vector<16xi32>, vector<16xi32>, vector<16xi32>], vector<16xf32>,
      %broadcast_in_dim3A_1371 = vector.broadcast %add3A_1344 : i32 to vector<16xi32>
      tpu.vector_store_idx %arg20[%iota3A, %broadcast_in_dim3A_1371], %gather3A_1370 : memref<16x512xf32, #tpu.memory_space<vmem>>[vector<16xi32>, vector<16xi32>], vector<16xf32>,
      %slice3A_1372 = vector.extract_strided_slice %get3A_291 {offsets = [7], sizes = [1], strides = [1]} : vector<16xi32> to vector<1xi32>
      %squeeze3A_1373 = vector.extract %slice3A_1372[0] : i32 from vector<1xi32>
      %and3A_1374 = arith.constant 127 : i32
      %and3A_1375 = arith.andi %squeeze3A_1373, %and3A_1374 : i32
      %broadcast_in_dim3A_1376 = arith.constant 7 : i32
      %broadcast_in_dim3A_1377 = vector.broadcast %broadcast_in_dim3A_1376 : i32 to vector<16xi32>
      %broadcast_in_dim3A_1378 = vector.broadcast %and3A_1375 : i32 to vector<16xi32>
      %gather3A_1379 = tpu.vector_load_idx %arg17[%broadcast_in_dim3A_1377, %iota3A, %broadcast_in_dim3A_1378] : memref<8x16x128xf32, #tpu.memory_space<vmem>>[vector<16xi32>, vector<16xi32>, vector<16xi32>], vector<16xf32>,
      %broadcast_in_dim3A_1380 = vector.broadcast %add3A_1344 : i32 to vector<16xi32>
      tpu.vector_store_idx %arg21[%iota3A, %broadcast_in_dim3A_1380], %gather3A_1379 : memref<16x512xf32, #tpu.memory_space<vmem>>[vector<16xi32>, vector<16xi32>], vector<16xf32>,
    }
    %scan3A_276 = arith.constant 64 : i32
    "tpu.region"() ({
      %run_scoped3A = tpu.sem_alloc : memref<!tpu.dma_semaphore, #tpu.memory_space<semaphore_mem>>
      %dma_start3A_277 = arith.constant 0 : i32
      %dma_start3A_278 = tpu.memref_slice %arg8[%dma_start3A_277, %mul3A_2] : memref<16x16384xf32, #tpu.memory_space<hbm>> -> memref<16x512xf32, #tpu.memory_space<hbm>>
      %dma_start3A_279 = arith.constant 0 : i32
      %dma_start3A_280 = tpu.memref_slice %arg8[%dma_start3A_279, %mul3A_2] : memref<16x16384xf32, #tpu.memory_space<hbm>> -> memref<16x512xf32, #tpu.memory_space<hbm>>
      tpu.enqueue_dma source(%arg18 : memref<16x512xf32, #tpu.memory_space<vmem>>) target(%dma_start3A_280 : memref<16x512xf32, #tpu.memory_space<hbm>>) target_semaphore(%run_scoped3A : memref<!tpu.dma_semaphore, #tpu.memory_space<semaphore_mem>>)
      %dma_wait3A = arith.constant 0 : i32
      %dma_wait3A_281 = tpu.memref_slice %arg8[%dma_wait3A, %mul3A_2] : memref<16x16384xf32, #tpu.memory_space<hbm>> -> memref<16x512xf32, #tpu.memory_space<hbm>>
      %dma_wait3A_282 = arith.constant 0 : i32
      %dma_wait3A_283 = tpu.memref_slice %arg8[%dma_wait3A_282, %mul3A_2] : memref<16x16384xf32, #tpu.memory_space<hbm>> -> memref<16x512xf32, #tpu.memory_space<hbm>>
      tpu.wait_dma2 semaphore(%run_scoped3A : memref<!tpu.dma_semaphore, #tpu.memory_space<semaphore_mem>>) src(%arg18 : memref<16x512xf32, #tpu.memory_space<vmem>>) dst(%dma_wait3A_283 : memref<16x512xf32, #tpu.memory_space<hbm>>)
      tpu.yield
    }) : () -> ()
    "tpu.region"() ({
      %run_scoped3A = tpu.sem_alloc : memref<!tpu.dma_semaphore, #tpu.memory_space<semaphore_mem>>
      %dma_start3A_277 = arith.constant 0 : i32
      %dma_start3A_278 = tpu.memref_slice %arg9[%dma_start3A_277, %mul3A_2] : memref<16x16384xf32, #tpu.memory_space<hbm>> -> memref<16x512xf32, #tpu.memory_space<hbm>>
      %dma_start3A_279 = arith.constant 0 : i32
      %dma_start3A_280 = tpu.memref_slice %arg9[%dma_start3A_279, %mul3A_2] : memref<16x16384xf32, #tpu.memory_space<hbm>> -> memref<16x512xf32, #tpu.memory_space<hbm>>
      tpu.enqueue_dma source(%arg19 : memref<16x512xf32, #tpu.memory_space<vmem>>) target(%dma_start3A_280 : memref<16x512xf32, #tpu.memory_space<hbm>>) target_semaphore(%run_scoped3A : memref<!tpu.dma_semaphore, #tpu.memory_space<semaphore_mem>>)
      %dma_wait3A = arith.constant 0 : i32
      %dma_wait3A_281 = tpu.memref_slice %arg9[%dma_wait3A, %mul3A_2] : memref<16x16384xf32, #tpu.memory_space<hbm>> -> memref<16x512xf32, #tpu.memory_space<hbm>>
      %dma_wait3A_282 = arith.constant 0 : i32
      %dma_wait3A_283 = tpu.memref_slice %arg9[%dma_wait3A_282, %mul3A_2] : memref<16x16384xf32, #tpu.memory_space<hbm>> -> memref<16x512xf32, #tpu.memory_space<hbm>>
      tpu.wait_dma2 semaphore(%run_scoped3A : memref<!tpu.dma_semaphore, #tpu.memory_space<semaphore_mem>>) src(%arg19 : memref<16x512xf32, #tpu.memory_space<vmem>>) dst(%dma_wait3A_283 : memref<16x512xf32, #tpu.memory_space<hbm>>)
      tpu.yield
    }) : () -> ()
    "tpu.region"() ({
      %run_scoped3A = tpu.sem_alloc : memref<!tpu.dma_semaphore, #tpu.memory_space<semaphore_mem>>
      %dma_start3A_277 = arith.constant 0 : i32
      %dma_start3A_278 = tpu.memref_slice %arg10[%dma_start3A_277, %mul3A_2] : memref<16x16384xf32, #tpu.memory_space<hbm>> -> memref<16x512xf32, #tpu.memory_space<hbm>>
      %dma_start3A_279 = arith.constant 0 : i32
      %dma_start3A_280 = tpu.memref_slice %arg10[%dma_start3A_279, %mul3A_2] : memref<16x16384xf32, #tpu.memory_space<hbm>> -> memref<16x512xf32, #tpu.memory_space<hbm>>
      tpu.enqueue_dma source(%arg20 : memref<16x512xf32, #tpu.memory_space<vmem>>) target(%dma_start3A_280 : memref<16x512xf32, #tpu.memory_space<hbm>>) target_semaphore(%run_scoped3A : memref<!tpu.dma_semaphore, #tpu.memory_space<semaphore_mem>>)
      %dma_wait3A = arith.constant 0 : i32
      %dma_wait3A_281 = tpu.memref_slice %arg10[%dma_wait3A, %mul3A_2] : memref<16x16384xf32, #tpu.memory_space<hbm>> -> memref<16x512xf32, #tpu.memory_space<hbm>>
      %dma_wait3A_282 = arith.constant 0 : i32
      %dma_wait3A_283 = tpu.memref_slice %arg10[%dma_wait3A_282, %mul3A_2] : memref<16x16384xf32, #tpu.memory_space<hbm>> -> memref<16x512xf32, #tpu.memory_space<hbm>>
      tpu.wait_dma2 semaphore(%run_scoped3A : memref<!tpu.dma_semaphore, #tpu.memory_space<semaphore_mem>>) src(%arg20 : memref<16x512xf32, #tpu.memory_space<vmem>>) dst(%dma_wait3A_283 : memref<16x512xf32, #tpu.memory_space<hbm>>)
      tpu.yield
    }) : () -> ()
    "tpu.region"() ({
      %run_scoped3A = tpu.sem_alloc : memref<!tpu.dma_semaphore, #tpu.memory_space<semaphore_mem>>
      %dma_start3A_277 = arith.constant 0 : i32
      %dma_start3A_278 = tpu.memref_slice %arg11[%dma_start3A_277, %mul3A_2] : memref<16x16384xf32, #tpu.memory_space<hbm>> -> memref<16x512xf32, #tpu.memory_space<hbm>>
      %dma_start3A_279 = arith.constant 0 : i32
      %dma_start3A_280 = tpu.memref_slice %arg11[%dma_start3A_279, %mul3A_2] : memref<16x16384xf32, #tpu.memory_space<hbm>> -> memref<16x512xf32, #tpu.memory_space<hbm>>
      tpu.enqueue_dma source(%arg21 : memref<16x512xf32, #tpu.memory_space<vmem>>) target(%dma_start3A_280 : memref<16x512xf32, #tpu.memory_space<hbm>>) target_semaphore(%run_scoped3A : memref<!tpu.dma_semaphore, #tpu.memory_space<semaphore_mem>>)
      %dma_wait3A = arith.constant 0 : i32
      %dma_wait3A_281 = tpu.memref_slice %arg11[%dma_wait3A, %mul3A_2] : memref<16x16384xf32, #tpu.memory_space<hbm>> -> memref<16x512xf32, #tpu.memory_space<hbm>>
      %dma_wait3A_282 = arith.constant 0 : i32
      %dma_wait3A_283 = tpu.memref_slice %arg11[%dma_wait3A_282, %mul3A_2] : memref<16x16384xf32, #tpu.memory_space<hbm>> -> memref<16x512xf32, #tpu.memory_space<hbm>>
      tpu.wait_dma2 semaphore(%run_scoped3A : memref<!tpu.dma_semaphore, #tpu.memory_space<semaphore_mem>>) src(%arg21 : memref<16x512xf32, #tpu.memory_space<vmem>>) dst(%dma_wait3A_283 : memref<16x512xf32, #tpu.memory_space<hbm>>)
      tpu.yield
    }) : () -> ()
    return
  }
}

module attributes {stable_mosaic.version = 14 : i64} {
  func.func @_tc_mlp_body(%arg0: i32, %arg1: memref<16x2048xf32, #tpu.memory_space<vmem>>, %arg2: memref<16x2048xf32, #tpu.memory_space<vmem>>, %arg3: memref<16x2048xf32, #tpu.memory_space<vmem>>, %arg4: memref<16x2048xf32, #tpu.memory_space<vmem>>, %arg5: memref<32x64xf32, #tpu.memory_space<vmem>>, %arg6: memref<64x1xf32, #tpu.memory_space<vmem>>, %arg7: memref<64x32xf32, #tpu.memory_space<vmem>>, %arg8: memref<32x1xf32, #tpu.memory_space<vmem>>, %arg9: memref<32x16xf32, #tpu.memory_space<vmem>>, %arg10: memref<16x1xf32, #tpu.memory_space<vmem>>, %arg11: memref<16x8xf32, #tpu.memory_space<vmem>>, %arg12: memref<8x1xf32, #tpu.memory_space<vmem>>, %arg13: memref<24x1xf32, #tpu.memory_space<vmem>>, %arg14: memref<1x1xf32, #tpu.memory_space<vmem>>, %arg15: memref<1x2048xf32, #tpu.memory_space<vmem>>) attributes {dimension_semantics = [#tpu.dimension_semantics<arbitrary>], iteration_bounds = array<i64: 8>, scalar_prefetch = 0 : i64, scratch_operands = 0 : i64, tpu.core_type = #tpu.core_type<tc>, window_params = [{transform_indices = @transform_0, window_bounds = array<i64: 16, 2048>}, {transform_indices = @transform_1, window_bounds = array<i64: 16, 2048>}, {transform_indices = @transform_2, window_bounds = array<i64: 16, 2048>}, {transform_indices = @transform_3, window_bounds = array<i64: 16, 2048>}, {pipeline_mode = #tpu.pipeline_mode<synchronous>, transform_indices = @transform_4, window_bounds = array<i64: 32, 64>}, {pipeline_mode = #tpu.pipeline_mode<synchronous>, transform_indices = @transform_5, window_bounds = array<i64: 64, 1>}, {pipeline_mode = #tpu.pipeline_mode<synchronous>, transform_indices = @transform_6, window_bounds = array<i64: 64, 32>}, {pipeline_mode = #tpu.pipeline_mode<synchronous>, transform_indices = @transform_7, window_bounds = array<i64: 32, 1>}, {pipeline_mode = #tpu.pipeline_mode<synchronous>, transform_indices = @transform_8, window_bounds = array<i64: 32, 16>}, {pipeline_mode = #tpu.pipeline_mode<synchronous>, transform_indices = @transform_9, window_bounds = array<i64: 16, 1>}, {pipeline_mode = #tpu.pipeline_mode<synchronous>, transform_indices = @transform_10, window_bounds = array<i64: 16, 8>}, {pipeline_mode = #tpu.pipeline_mode<synchronous>, transform_indices = @transform_11, window_bounds = array<i64: 8, 1>}, {pipeline_mode = #tpu.pipeline_mode<synchronous>, transform_indices = @transform_12, window_bounds = array<i64: 24, 1>}, {pipeline_mode = #tpu.pipeline_mode<synchronous>, transform_indices = @transform_13, window_bounds = array<i64: 1, 1>}, {transform_indices = @transform_14, window_bounds = array<i64: 1, 2048>}]} {
    %get3A = arith.constant 0 : index
    %get3A_0 = arith.constant 0 : index
    %get3A_1 = vector.load %arg5[%get3A, %get3A_0] : memref<32x64xf32, #tpu.memory_space<vmem>>, vector<16x64xf32>
    %get3A_2 = arith.constant 0 : index
    %get3A_3 = arith.constant 0 : index
    %get3A_4 = vector.load %arg3[%get3A_2, %get3A_3] : memref<16x2048xf32, #tpu.memory_space<vmem>>, vector<16x2048xf32>
    %dot_general3A = arith.constant dense<0.000000e+00> : vector<64x2048xf32>
    %dot_general3A_5 = tpu.matmul %get3A_1, %get3A_4, %dot_general3A {dimension_numbers = #tpu.dot_dimension_numbers<[0], [0], [1], [1], [0, 1, 1, 1], [], []>, transpose_lhs_hint = false} : vector<16x64xf32>, vector<16x2048xf32>, vector<64x2048xf32> -> vector<64x2048xf32>
    %get3A_6 = arith.constant 16 : index
    %get3A_7 = arith.constant 0 : index
    %get3A_8 = vector.load %arg5[%get3A_6, %get3A_7] : memref<32x64xf32, #tpu.memory_space<vmem>>, vector<16x64xf32>
    %get3A_9 = arith.constant 0 : index
    %get3A_10 = arith.constant 0 : index
    %get3A_11 = vector.load %arg4[%get3A_9, %get3A_10] : memref<16x2048xf32, #tpu.memory_space<vmem>>, vector<16x2048xf32>
    %dot_general3A_12 = arith.constant dense<0.000000e+00> : vector<64x2048xf32>
    %dot_general3A_13 = tpu.matmul %get3A_8, %get3A_11, %dot_general3A_12 {dimension_numbers = #tpu.dot_dimension_numbers<[0], [0], [1], [1], [0, 1, 1, 1], [], []>, transpose_lhs_hint = false} : vector<16x64xf32>, vector<16x2048xf32>, vector<64x2048xf32> -> vector<64x2048xf32>
    %add3A = arith.addf %dot_general3A_5, %dot_general3A_13 : vector<64x2048xf32>
    %get3A_14 = arith.constant 0 : index
    %get3A_15 = arith.constant 0 : index
    %get3A_16 = vector.load %arg6[%get3A_14, %get3A_15] : memref<64x1xf32, #tpu.memory_space<vmem>>, vector<64x1xf32>
    %add3A_17 = vector.broadcast %get3A_16 : vector<64x1xf32> to vector<64x2048xf32>
    %add3A_18 = arith.addf %add3A, %add3A_17 : vector<64x2048xf32>
    %max3A = arith.constant 0.000000e+00 : f32
    %max3A_19 = vector.broadcast %max3A : f32 to vector<64x2048xf32>
    %max3A_20 = arith.maximumf %add3A_18, %max3A_19 : vector<64x2048xf32>
    %get3A_21 = arith.constant 0 : index
    %get3A_22 = arith.constant 0 : index
    %get3A_23 = vector.load %arg7[%get3A_21, %get3A_22] : memref<64x32xf32, #tpu.memory_space<vmem>>, vector<64x32xf32>
    %dot_general3A_24 = arith.constant dense<0.000000e+00> : vector<32x2048xf32>
    %dot_general3A_25 = tpu.matmul %get3A_23, %max3A_20, %dot_general3A_24 {dimension_numbers = #tpu.dot_dimension_numbers<[0], [0], [1], [1], [0, 1, 1, 1], [], []>, transpose_lhs_hint = false} : vector<64x32xf32>, vector<64x2048xf32>, vector<32x2048xf32> -> vector<32x2048xf32>
    %get3A_26 = arith.constant 0 : index
    %get3A_27 = arith.constant 0 : index
    %get3A_28 = vector.load %arg8[%get3A_26, %get3A_27] : memref<32x1xf32, #tpu.memory_space<vmem>>, vector<32x1xf32>
    %add3A_29 = vector.broadcast %get3A_28 : vector<32x1xf32> to vector<32x2048xf32>
    %add3A_30 = arith.addf %dot_general3A_25, %add3A_29 : vector<32x2048xf32>
    %max3A_31 = arith.constant 0.000000e+00 : f32
    %max3A_32 = vector.broadcast %max3A_31 : f32 to vector<32x2048xf32>
    %max3A_33 = arith.maximumf %add3A_30, %max3A_32 : vector<32x2048xf32>
    %get3A_34 = arith.constant 0 : index
    %get3A_35 = arith.constant 0 : index
    %get3A_36 = vector.load %arg9[%get3A_34, %get3A_35] : memref<32x16xf32, #tpu.memory_space<vmem>>, vector<32x16xf32>
    %dot_general3A_37 = arith.constant dense<0.000000e+00> : vector<16x2048xf32>
    %dot_general3A_38 = tpu.matmul %get3A_36, %max3A_33, %dot_general3A_37 {dimension_numbers = #tpu.dot_dimension_numbers<[0], [0], [1], [1], [0, 1, 1, 1], [], []>, transpose_lhs_hint = false} : vector<32x16xf32>, vector<32x2048xf32>, vector<16x2048xf32> -> vector<16x2048xf32>
    %get3A_39 = arith.constant 0 : index
    %get3A_40 = arith.constant 0 : index
    %get3A_41 = vector.load %arg10[%get3A_39, %get3A_40] : memref<16x1xf32, #tpu.memory_space<vmem>>, vector<16x1xf32>
    %add3A_42 = vector.broadcast %get3A_41 : vector<16x1xf32> to vector<16x2048xf32>
    %add3A_43 = arith.addf %dot_general3A_38, %add3A_42 : vector<16x2048xf32>
    %max3A_44 = arith.constant 0.000000e+00 : f32
    %max3A_45 = vector.broadcast %max3A_44 : f32 to vector<16x2048xf32>
    %max3A_46 = arith.maximumf %add3A_43, %max3A_45 : vector<16x2048xf32>
    %get3A_47 = arith.constant 0 : index
    %get3A_48 = arith.constant 0 : index
    %get3A_49 = vector.load %arg11[%get3A_47, %get3A_48] : memref<16x8xf32, #tpu.memory_space<vmem>>, vector<16x8xf32>
    %dot_general3A_50 = arith.constant dense<0.000000e+00> : vector<8x2048xf32>
    %dot_general3A_51 = tpu.matmul %get3A_49, %max3A_46, %dot_general3A_50 {dimension_numbers = #tpu.dot_dimension_numbers<[0], [0], [1], [1], [0, 1, 1, 1], [], []>, transpose_lhs_hint = false} : vector<16x8xf32>, vector<16x2048xf32>, vector<8x2048xf32> -> vector<8x2048xf32>
    %get3A_52 = arith.constant 0 : index
    %get3A_53 = arith.constant 0 : index
    %get3A_54 = vector.load %arg12[%get3A_52, %get3A_53] : memref<8x1xf32, #tpu.memory_space<vmem>>, vector<8x1xf32>
    %add3A_55 = vector.broadcast %get3A_54 : vector<8x1xf32> to vector<8x2048xf32>
    %add3A_56 = arith.addf %dot_general3A_51, %add3A_55 : vector<8x2048xf32>
    %max3A_57 = arith.constant 0.000000e+00 : f32
    %max3A_58 = vector.broadcast %max3A_57 : f32 to vector<8x2048xf32>
    %max3A_59 = arith.maximumf %add3A_56, %max3A_58 : vector<8x2048xf32>
    %get3A_60 = arith.constant 0 : index
    %get3A_61 = arith.constant 0 : index
    %get3A_62 = vector.load %arg1[%get3A_60, %get3A_61] : memref<16x2048xf32, #tpu.memory_space<vmem>>, vector<16x2048xf32>
    %get3A_63 = arith.constant 0 : index
    %get3A_64 = arith.constant 0 : index
    %get3A_65 = vector.load %arg2[%get3A_63, %get3A_64] : memref<16x2048xf32, #tpu.memory_space<vmem>>, vector<16x2048xf32>
    %mul3A = arith.mulf %get3A_62, %get3A_65 : vector<16x2048xf32>
    %get3A_66 = arith.constant 0 : index
    %get3A_67 = arith.constant 0 : index
    %get3A_68 = vector.load %arg13[%get3A_66, %get3A_67] : memref<24x1xf32, #tpu.memory_space<vmem>>, vector<16x1xf32>
    %dot_general3A_69 = arith.constant dense<0.000000e+00> : vector<1x2048xf32>
    %dot_general3A_70 = tpu.matmul %get3A_68, %mul3A, %dot_general3A_69 {dimension_numbers = #tpu.dot_dimension_numbers<[0], [0], [1], [1], [0, 1, 1, 1], [], []>, transpose_lhs_hint = false} : vector<16x1xf32>, vector<16x2048xf32>, vector<1x2048xf32> -> vector<1x2048xf32>
    %mul3A_71 = arith.constant 5.000000e-01 : f32
    %mul3A_72 = vector.broadcast %mul3A_71 : f32 to vector<1x2048xf32>
    %mul3A_73 = arith.mulf %mul3A_72, %dot_general3A_70 : vector<1x2048xf32>
    %get3A_74 = arith.constant 16 : index
    %get3A_75 = arith.constant 0 : index
    %get3A_76 = vector.load %arg13[%get3A_74, %get3A_75] : memref<24x1xf32, #tpu.memory_space<vmem>>, vector<8x1xf32>
    %dot_general3A_77 = arith.constant dense<0.000000e+00> : vector<1x2048xf32>
    %dot_general3A_78 = tpu.matmul %get3A_76, %max3A_59, %dot_general3A_77 {dimension_numbers = #tpu.dot_dimension_numbers<[0], [0], [1], [1], [0, 1, 1, 1], [], []>, transpose_lhs_hint = false} : vector<8x1xf32>, vector<8x2048xf32>, vector<1x2048xf32> -> vector<1x2048xf32>
    %mul3A_79 = arith.constant 5.000000e-01 : f32
    %mul3A_80 = vector.broadcast %mul3A_79 : f32 to vector<1x2048xf32>
    %mul3A_81 = arith.mulf %mul3A_80, %dot_general3A_78 : vector<1x2048xf32>
    %add3A_82 = arith.addf %mul3A_73, %mul3A_81 : vector<1x2048xf32>
    %get3A_83 = arith.constant 0 : index
    %get3A_84 = arith.constant 0 : index
    %get3A_85 = vector.load %arg14[%get3A_83, %get3A_84] : memref<1x1xf32, #tpu.memory_space<vmem>>, vector<1x1xf32>
    %add3A_86 = vector.broadcast %get3A_85 : vector<1x1xf32> to vector<1x2048xf32>
    %add3A_87 = arith.addf %add3A_82, %add3A_86 : vector<1x2048xf32>
    %swap3A = arith.constant 0 : index
    %swap3A_88 = arith.constant 0 : index
    %swap3A_89 = vector.load %arg15[%swap3A, %swap3A_88] : memref<1x2048xf32, #tpu.memory_space<vmem>>, vector<1x2048xf32>
    tpu.vector_store %arg15[%swap3A, %swap3A_88], %add3A_87 {strides = array<i32>} : memref<1x2048xf32, #tpu.memory_space<vmem>>, vector<1x2048xf32>,
    return
  }
  func.func @transform_0(%arg0: i32) -> (i32, i32) {
    %c0_i32 = arith.constant 0 : i32
    %c0_i32_0 = arith.constant 0 : i32
    return %c0_i32, %arg0 : i32, i32
  }
  func.func @transform_1(%arg0: i32) -> (i32, i32) {
    %c0_i32 = arith.constant 0 : i32
    %c0_i32_0 = arith.constant 0 : i32
    return %c0_i32, %arg0 : i32, i32
  }
  func.func @transform_2(%arg0: i32) -> (i32, i32) {
    %c0_i32 = arith.constant 0 : i32
    %c0_i32_0 = arith.constant 0 : i32
    return %c0_i32, %arg0 : i32, i32
  }
  func.func @transform_3(%arg0: i32) -> (i32, i32) {
    %c0_i32 = arith.constant 0 : i32
    %c0_i32_0 = arith.constant 0 : i32
    return %c0_i32, %arg0 : i32, i32
  }
  func.func @transform_4(%arg0: i32) -> (i32, i32) {
    %c0_i32 = arith.constant 0 : i32
    %c0_i32_0 = arith.constant 0 : i32
    %c0_i32_1 = arith.constant 0 : i32
    return %c0_i32, %c0_i32_0 : i32, i32
  }
  func.func @transform_5(%arg0: i32) -> (i32, i32) {
    %c0_i32 = arith.constant 0 : i32
    %c0_i32_0 = arith.constant 0 : i32
    %c0_i32_1 = arith.constant 0 : i32
    return %c0_i32, %c0_i32_0 : i32, i32
  }
  func.func @transform_6(%arg0: i32) -> (i32, i32) {
    %c0_i32 = arith.constant 0 : i32
    %c0_i32_0 = arith.constant 0 : i32
    %c0_i32_1 = arith.constant 0 : i32
    return %c0_i32, %c0_i32_0 : i32, i32
  }
  func.func @transform_7(%arg0: i32) -> (i32, i32) {
    %c0_i32 = arith.constant 0 : i32
    %c0_i32_0 = arith.constant 0 : i32
    %c0_i32_1 = arith.constant 0 : i32
    return %c0_i32, %c0_i32_0 : i32, i32
  }
  func.func @transform_8(%arg0: i32) -> (i32, i32) {
    %c0_i32 = arith.constant 0 : i32
    %c0_i32_0 = arith.constant 0 : i32
    %c0_i32_1 = arith.constant 0 : i32
    return %c0_i32, %c0_i32_0 : i32, i32
  }
  func.func @transform_9(%arg0: i32) -> (i32, i32) {
    %c0_i32 = arith.constant 0 : i32
    %c0_i32_0 = arith.constant 0 : i32
    %c0_i32_1 = arith.constant 0 : i32
    return %c0_i32, %c0_i32_0 : i32, i32
  }
  func.func @transform_10(%arg0: i32) -> (i32, i32) {
    %c0_i32 = arith.constant 0 : i32
    %c0_i32_0 = arith.constant 0 : i32
    %c0_i32_1 = arith.constant 0 : i32
    return %c0_i32, %c0_i32_0 : i32, i32
  }
  func.func @transform_11(%arg0: i32) -> (i32, i32) {
    %c0_i32 = arith.constant 0 : i32
    %c0_i32_0 = arith.constant 0 : i32
    %c0_i32_1 = arith.constant 0 : i32
    return %c0_i32, %c0_i32_0 : i32, i32
  }
  func.func @transform_12(%arg0: i32) -> (i32, i32) {
    %c0_i32 = arith.constant 0 : i32
    %c0_i32_0 = arith.constant 0 : i32
    %c0_i32_1 = arith.constant 0 : i32
    return %c0_i32, %c0_i32_0 : i32, i32
  }
  func.func @transform_13(%arg0: i32) -> (i32, i32) {
    %c0_i32 = arith.constant 0 : i32
    %c0_i32_0 = arith.constant 0 : i32
    %c0_i32_1 = arith.constant 0 : i32
    return %c0_i32, %c0_i32_0 : i32, i32
  }
  func.func @transform_14(%arg0: i32) -> (i32, i32) {
    %c0_i32 = arith.constant 0 : i32
    %c0_i32_0 = arith.constant 0 : i32
    return %c0_i32, %arg0 : i32, i32
  }
}

</mosaic_0001>

<sc_bundles>
// kernel: kernel.4.cloned.1.call-start
scs
__scs_entry_jumppad:
0x0: {  	(pc) =	sbr.rel $0x88, $3  }
0x1: {  	(tag) =	ssettag $0x0;
	lr =	simm.s32 $0x1  }
0x2: {  	[smem:$0x3F91] =	sst lr;
	_ =	strace $0xD0000000  }
0x3: {  	_ = 	snop  }
0x4: {  	_ = 	snop  }
0x5: {  	_ = 	snop  }
0x6: {  	_ = 	snop  }
0x7: {  	_ = 	snop  }
__scs_overlays_trampoline_lowered:
0x8: {  	[smem:$0x3FA0] =	sst s0  }
0x9: {  	[smem:$0x3FA1] =	sst s1  }
0xa: {  	[smem:$0x3FA2] =	sst s2  }
0xb: {  	[smem:$0x3FA3] =	sst s3  }
0xc: {  	[smem:$0x3FA4] =	sst s4  }
0xd: {  	[smem:$0x3FA5] =	sst s5  }
0xe: {  	[smem:$0x3FA6] =	sst s6  }
0xf: {  	[smem:$0x3FA7] =	sst s7  }
0x10: {  	[smem:$0x3FA8] =	sst s8  }
0x11: {  	[smem:$0x3FA9] =	sst s9;
	s0 =	simm.s32 @!p0 $0x0  }
0x12: {  	s1 =	sld [smem:$0x3F8F];
	s0 =	simm.s32 @p0 $0x1  }
0x13: {  	[smem:$0x3FAA] =	sst s0;
	s0 =	simm.s32 @!p1 $0x0  }
0x14: {  	s2 =	sld [smem:$0x3F8E];
	s0 =	simm.s32 @p1 $0x1  }
0x15: {  	[smem:$0x3FAB] =	sst s0;
	s0 =	simm.s32 @!p2 $0x0  }
0x16: {  	s3 =	sld [smem:$0x3FDB];
	s0 =	simm.s32 @p2 $0x1  }
0x17: {  	s4 =	simm.s32 $0x1BF5;
	[smem:$0x3FAD] =	sst s0  }
0x18: {  	s0 =	sld [smem:$0x3F90];
	_ =	swait.ge [sflag:s4], $0x0  }
0x19: {  	s7 =	sld [smem:$0x3F91]  }
0x1a: {  	s8 =	sadd.s32 $0xFFFFE003, lr  }
0x1b: {  	s9 =	sadd.s32 $0xFFFFFEF7, lr;
	s5 =	simm.s32 $0xFFFFFFFF;
	p2 =	slt.u32 s8, $0xFFFFF086  }
0x1c: {  	p1 =	slt.u32 s9, $0xF7A;
	s5 =	simm.s32 @!p2 $0x0  }
0x1d: {  	s5 =	simm.s32 @p1 $0x1;
	p0 =	seq.s32 s7, s2  }
0x1e: {  	s7 =	smul.u32 @!p0 $0xF7A, s2;
	p2 =	seq.s32 @!p0 s5, $0x0  }
0x1f: {  	s9 =	smul.u32 $0xF7A, s1;
	s8 =	simm.s32 @!p0 $0x1BF5;
	p2 =	por !p2, p0  }
0x20: {  	[sflag:s8] =	ssyncset.s32 @!p0 $0xFFFFF086;
	s6 =	sadd.s32 @!p0 s3, s7;
	s7 =	simm.s32 @!p0 $0x108  }
0x21: {  	s3 =	sadd.s32 s3, s9;
	s6 =	sadd.s32 @!p0 $0x88, s6;
	s7 =	simm.s32 @p2 $0x1082  }
0x22: {  	[simem:s7], [sflag:s8] =	dma.local @!p0 [hbm:s6], $0xF7A  }
0x23: {  	s9 =	sor.u32 $0xD0000000, s2;
	s6 =	simm.s32 $0x108;
	_ =	swait.ge @!p0 [sflag:s8], $0x0  }
0x24: {  	s3 =	sadd.s32 $0x88, s3;
	s6 =	simm.s32 @!p1 $0x1082;
	[sflag:s4] =	ssyncset.s32 $0xFFFFF086  }
0x25: {  	[simem:s6], [sflag:s4] =	dma.local [hbm:s3], $0xF7A  }
0x26: {  	[smem:$0x3F91] =	sst s1;
	(tag) =	ssettag s2;
	_ =	strace s9  }
0x27: {  	s1 =	sld [smem:$0x3FA1]  }
0x28: {  	s2 =	sld [smem:$0x3FA2]  }
0x29: {  	s4 =	sld [smem:$0x3FA4]  }
0x2a: {  	p0 =	seq.s32 s5, $0x0;
	s5 =	sld [smem:$0x3FA5]  }
0x2b: {  	s6 =	sld [smem:$0x3FA6]  }
0x2c: {  	s7 =	sld [smem:$0x3FA7]  }
0x2d: {  	s3 =	simm.s32 $0x108;
	s8 =	sld [smem:$0x3FA8]  }
0x2e: {  	s3 =	simm.s32 @!p0 $0x1082;
	s9 =	sld [smem:$0x3FA9]  }
0x2f: {  	lr =	sadd.s32 s0, s3;
	s0 =	sld [smem:$0x3FA0]  }
0x30: {  	s3 =	sld [smem:$0x3FA3]  }
0x31: {  	[smem:$0x3FAC] =	sst s10  }
0x32: {  	s10 =	sld [smem:$0x3FAA];
	_ =	sdelay $0x3  }
0x33: {  	p0 =	seq.s32 s10, $0x1;
	s10 =	sld [smem:$0x3FAC];
	_ =	sdelay $0x3  }
0x34: {  	[smem:$0x3FAC] =	sst s10  }
0x35: {  	s10 =	sld [smem:$0x3FAB];
	_ =	sdelay $0x3  }
0x36: {  	p1 =	seq.s32 s10, $0x1;
	s10 =	sld [smem:$0x3FAC];
	_ =	sdelay $0x3  }
0x37: {  	[smem:$0x3FAC] =	sst s10  }
0x38: {  	s10 =	sld [smem:$0x3FAD]  }
0x39: {  	_ = 	snop;
	(pc) =	sbr.ind lr, $3  }
0x3a: {  	_ = 	snop  }
0x3b: {  	_ = 	snop  }
0x3c: {  	p2 =	seq.s32 s10, $0x1;
	s10 =	sld [smem:$0x3FAC]  }
0x3d: {  	_ =	shalt  }
0x3e: {  	_ =	shalt  }
0x3f: {  	_ =	shalt  }
0x40: {  	_ =	shalt  }
0x41: {  	_ =	shalt  }
0x42: {  	_ =	shalt  }
0x43: {  	_ =	shalt  }
0x44: {  	_ =	shalt  }
0x45: {  	_ =	shalt  }
0x46: {  	_ =	shalt  }
0x47: {  	_ =	shalt  }
0x48: {  	_ =	shalt  }
0x49: {  	_ =	shalt  }
0x4a: {  	_ =	shalt  }
0x4b: {  	_ =	shalt  }
0x4c: {  	_ =	shalt  }
0x4d: {  	_ =	shalt  }
0x4e: {  	_ =	shalt  }
0x4f: {  	_ =	shalt  }
0x50: {  	_ =	shalt  }
0x51: {  	_ =	shalt  }
0x52: {  	_ =	shalt  }
0x53: {  	_ =	shalt  }
0x54: {  	_ =	shalt  }
0x55: {  	_ =	shalt  }
0x56: {  	_ =	shalt  }
0x57: {  	_ =	shalt  }
0x58: {  	_ =	shalt  }
0x59: {  	_ =	shalt  }
0x5a: {  	_ =	shalt  }
0x5b: {  	_ =	shalt  }
0x5c: {  	_ =	shalt  }
0x5d: {  	_ =	shalt  }
0x5e: {  	_ =	shalt  }
0x5f: {  	_ =	shalt  }
0x60: {  	_ =	shalt  }
0x61: {  	_ =	shalt  }
0x62: {  	_ =	shalt  }
0x63: {  	_ =	shalt  }
0x64: {  	_ =	shalt  }
0x65: {  	_ =	shalt  }
0x66: {  	_ =	shalt  }
0x67: {  	_ =	shalt  }
0x68: {  	_ =	shalt  }
0x69: {  	_ =	shalt  }
0x6a: {  	_ =	shalt  }
0x6b: {  	_ =	shalt  }
0x6c: {  	_ =	shalt  }
0x6d: {  	_ =	shalt  }
0x6e: {  	_ =	shalt  }
0x6f: {  	_ =	shalt  }
0x70: {  	_ =	shalt  }
0x71: {  	_ =	shalt  }
0x72: {  	_ =	shalt  }
0x73: {  	_ =	shalt  }
0x74: {  	_ =	shalt  }
0x75: {  	_ =	shalt  }
0x76: {  	_ =	shalt  }
0x77: {  	_ =	shalt  }
0x78: {  	_ =	shalt  }
0x79: {  	_ =	shalt  }
0x7a: {  	_ =	shalt  }
0x7b: {  	_ =	shalt  }
0x7c: {  	_ =	shalt  }
0x7d: {  	_ =	shalt  }
0x7e: {  	_ =	shalt  }
0x7f: {  	_ =	shalt  }
0x80: {  	_ =	shalt  }
0x81: {  	_ =	shalt  }
0x82: {  	_ =	shalt  }
0x83: {  	_ =	shalt  }
0x84: {  	_ =	shalt  }
0x85: {  	_ =	shalt  }
0x86: {  	_ =	shalt  }
0x87: {  	_ =	shalt  }
.Lfunc_end0:
.L_simem_size_0:
called_computation_lowered:
.L_overlay_start_0:
0x88: {  	s2 =	sld [smem:$0x3FD9]  }
0x89: {  	s3 =	sld [smem:$0x3FFE];
	_ =	sdelay $0x1  }
0x8a: {  	s1 =	srdreg.scid  }
0x8b: {  	s0 =	sand.u32 $0x1, s1  }
0x8c: {  	s17 =	sshll.u32 s0, $0xA;
	s2 =	sadd.s32 s3, s2  }
0x8d: {  	s2 =	sadd.s32 s2, s17  }
0x8e: {  	[smem:$0x3FB8] =	sst s2  }
0x8f: {  	_ = 	snop  }
0x90: {  	s2 =	sld [smem:$0x3FC7]  }
0x91: {  	s18 =	sld [smem:$0x3FC6]  }
0x92: {  	s4 =	sld [smem:$0x3FC5]  }
0x93: {  	s5 =	sld [smem:$0x3FC4]  }
0x94: {  	s6 =	sld [smem:$0x3FD0];
	(tm) =	ssettm $0x1  }
0x95: {  	s7 =	sld [smem:$0x3FFB];
	_ =	sdelay $0x3  }
0x96: {  	_ =	strace s7  }
0x97: {  	s7 =	sld [smem:$0x3FFC];
	_ =	sdelay $0x3  }
0x98: {  	_ =	strace s7  }
0x99: {  	s7 =	sld [smem:$0x3FFD];
	_ =	sdelay $0x3  }
0x9a: {  	_ =	strace s7  }
0x9b: {  	_ =	strace $0x8FFFFFFF  }
0x9c: {  	s19 =	sld [smem:$0x3FDB];
	_ =	sdelay $0x1  }
0x9d: {  	s8 =	simm.s32 $_scs_section_size  }
0x9e: {  	s9 =	simm.s32 $_size__tile_overlayer_lowered;
	s10 =	simm.s32 $_tile_overlayer_lowered  }
0x9f: {  	s22 =	simm.s32 $0x1BFF;
	s21 =	sshll.u32 s10, $0x1;
	s7 =	sadd.s32 s8, s19  }
0xa0: {  	s11 =	simm.s32 $0x0;
	s20 =	sshll.u32 s9, $0x1;
	s9 =	sadd.s32 s21, s7  }
0xa1: {  	[timem:s11], [sflag:s22] =	dma.local [hbm:s9], s20  }
0xa2: {  	_ =	swait.ge [sflag:s22], s20  }
0xa3: {  	s8 =	ssub.s32 $0x0, s20;
	[sflag:s22] =	ssyncset.done $0x0  }
0xa4: {  	[sflag:s22] =	ssyncadd.s32 s8;
	_ =	sdelay $0x1  }
0xa5: {  	s23 =	simm.s32 $0x1B8B  }
0xa6: {  	_ =	swait.ge [sflag:s23], $0x1  }
0xa7: {  	[sflag:s23] =	ssyncset.done $0x0  }
0xa8: {  	s25 =	simm.s32 $0x1B8E;
	s24 =	sld [smem:$0x3FFE];
	[sflag:s23] =	ssyncadd.s32 $0xFFFFFFFF  }
0xa9: {  	s26 =	simm.s32 $execute0_lowered;
	[smem:$0x3FD2] =	sst s25  }
0xaa: {  	s9 =	sshll.u32 s26, $0x1;
	_ =	strace $0x80000046;
	[dreg:$0x1] =	wrdreg $0xFFFFFFFF  }
0xab: {  	s28 =	simm.s32 $_size_execute0_lowered;
	s7 =	sadd.s32 s7, s9;
	[dreg:$0x0] =	wrdreg $0x0  }
0xac: {  	s9 =	sshll.u32 s28, $0x1;
	[dreg:$0x2] =	wrdreg s7  }
0xad: {  	[dreg:$0x3] =	wrdreg s9  }
0xae: {  	[dreg:$0x4] =	wrdreg $0xC0  }
0xaf: {  	_ =	task [dreg:s11], $0x5FFFF  }
0xb0: {  	[dreg:$0x1] =	wrdreg $0xFFFFFFFF  }
0xb1: {  	[dreg:$0x0] =	wrdreg $0x60  }
0xb2: {  	[dreg:$0x2] =	wrdreg s6  }
0xb3: {  	[dreg:$0x3] =	wrdreg s24  }
0xb4: {  	[dreg:$0x4] =	wrdreg s2  }
0xb5: {  	[dreg:$0x5] =	wrdreg s18  }
0xb6: {  	[dreg:$0x6] =	wrdreg s4  }
0xb7: {  	[dreg:$0x7] =	wrdreg s5  }
0xb8: {  	[dreg:$0x8] =	wrdreg $0x9  }
0xb9: {  	_ =	task.clear_ibuf [dreg:s11], $0x9FFFF;
	_ =	strace $0x90000046  }
0xba: {  	s29 =	simm.s32 $0x9;
	_ =	strace $0x80000048  }
0xbb: {  	_ =	swait.ge [sflag:s29], $0x1  }
0xbc: {  	[sflag:s29] =	ssyncadd.s32 $0xFFFFFFFF  }
0xbd: {  	_ =	strace $0x90000048  }
0xbe: {  	_ =	sfence  }
0xbf: {  	s30 =	sld [smem:$0x0];
	_ =	sdelay $0x2  }
0xc0: {  	s31 =	sshll.u32 s1, $0xD;
	s1 =	sshrl.u32 s1, $0x2  }
0xc1: {  	s3 =	sand.u32 $0x4000, s31;
	s1 =	sadd.s32 s1, s30  }
0xc2: {  	s0 =	sor.u32 s3, s0;
	s1 =	sshll.u32 s1, $0x11  }
0xc3: {  	s0 =	sor.u32 s1, s0  }
0xc4: {  	s0 =	sadd.s32 $0x8F2B, s0  }
0xc5: {  	[sflag:s0] =	ssyncadd.remote.s32 $0x1  }
0xc6: {  	_ =	sfence.sel $0xFFFF  }
0xc7: {  	[dreg:$0x0] =	wrdreg $0xFFFFFFFF;
	(pc) =	sbr.abs _section_cstart, $3  }
0xc8: {  	[dreg:$0x1] =	wrdreg $0xFFFFFFFF  }
0xc9: {  	_ =	task.clear_ibuf [dreg:s11], $0x2FFFF;
	_ =	strace $0x9FFFFFFF  }
0xca: {  	(tm) =	ssettm $0x7FFFFFFF  }
0xcb: {  	_ =	shalt  }
tec
execute0_lowered:
.L_overlay_start_1:
0x0: {  	(tag) =	ssettag $0x1  }
0x1: {  	s0 =	rddreg [dreg:$0x0]  }
0x2: {  	s1 =	rddreg [dreg:$0x1]  }
0x3: {  	s20 =	rddreg [dreg:$0x3]  }
0x4: {  	s2 =	srdreg.scid;
	s21 =	rddreg [dreg:$0x4]  }
0x5: {  	s3 =	stileid.u32;
	s22 =	rddreg [dreg:$0x5];
	v0 =	vimm.s32 $0x1380;
	vm0 =	vcmask $0x300  }
0x6: {  	s4 =	simm.s32 $0x0;
	s15 =	simm.s32 $0x400;
	s5 =	simm.s32 $0x9;
	vm14 =	vcmask $0x704;
	v0 =	vsel vm0, $0x0, v0  }
0x7: {  	s18 =	simm.s32 $0x7A1400;
	s16 =	simm.s32 $0x500;
	s14 =	simm.s32 $0x4500;
	vm15 =	vcmask $0xB08;
	v0 =	vsel vm14, $0x80, v0  }
0x8: {  	s19 =	simm.s32 $0x8500;
	vm4 =	vcmask $0xF0C;
	s17 =	simm.s32 $0x7;
	s9 =	simm.s32 $0x2;
	v0 =	vsel vm15, $0x100, v0  }
0x9: {  	vm5 =	vcmask $0x1310;
	s10 =	simm.s32 $0x4;
	s2 =	sand.u32 $0x1, s2;
	s3 =	sshll.u32 s3, $0x1;
	v0 =	vsel vm4, $0x180, v0  }
0xa: {  	vm6 =	vcmask $0x1714;
	s11 =	simm.s32 $0x6;
	s12 =	simm.s32 $0x8;
	s3 =	sor.u32 s2, s3;
	v0 =	vsel vm5, $0x200, v0  }
0xb: {  	vm7 =	vcmask $0x1B18;
	s2 =	ssub.s32 $0x2, s2;
	s6 =	sshll.u32 s3, $0x9;
	s3 =	sshll.u32 s3, $0x7;
	v0 =	vsel vm6, $0x280, v0  }
0xc: {  	vm8 =	vcmask $0x1F1C;
	s24 =	sshrl.u32 s2, $0x1;
	s7 =	sand.u32 $0x3000, s6;
	s3 =	sand.u32 $0x380, s3;
	v0 =	vsel vm7, $0x300, v0  }
0xd: {  	vm9 =	vcmask $0x2320;
	[smem:$0x7FF] =	sst s4;
	s2 =	ssub.s32 s2, s24;
	s3 =	sor.u32 s3, s7;
	v0 =	vsel vm8, $0x380, v0  }
0xe: {  	vm10 =	vcmask $0x2724;
	_ =	strace $0x80000047;
	s31 =	smax.u32 s2, $0x1;
	s3 =	sshrl.u32 s3, $0x3;
	v0 =	vsel vm9, $0x1000, v0  }
0xf: {  	vm11 =	vcmask $0x2B28;
	[dreg:$0xd] =	wrdreg s31;
	s23 =	sadd.s32 s3, s1;
	s0 =	sadd.s32 s0, s3;
	v0 =	vsel vm10, $0x1080, v0  }
0x10: {  	vm12 =	vcmask $0x2F2C;
	v1 =	vlaneseq.u32;
	s1 =	sadd.s32 s6, s1;
	[dreg:$0x7] =	wrdreg s0;
	s25 =	sadd.s32 $0x2200, s23;
	v0 =	vsel vm11, $0x1100, v0  }
.Ltmp0:
0x11: {  	vm13 =	vcmask $0x3330;
	s26 =	sadd.s32 $0x2A00, s1;
	[dreg:$0x8] =	wrdreg s25;
	v2 =	vsel vm12, $0x1180, v0;
	v0 =	vmul.u32 $0x80, v1;
	(pc) =	sbr.rel .LBB2_1-.Ltmp0, $4  }
0x12: {  	vm14 =	vcmask $0x3734;
	vm15 =	vcmask $0x3B38;
	s7 =	simm.s32 $0xC500;
	s28 =	sadd.s32 $0xAA00, s1;
	[dreg:$0x9] =	wrdreg s26;
	v1 =	vsel vm13, $0x1200, v2  }
0x13: {  	s2 =	simm.s32 $0x0;
	s29 =	sadd.s32 $0x12A00, s1;
	[dreg:$0xa] =	wrdreg s28;
	v1 =	vsel vm14, $0x1280, v1;
	v2 =	vor.u32 $0x800, v0;
	v3 =	vor.u32 $0x1000, v0  }
0x14: {  	s3 =	simm.s32 $0x1;
	s30 =	sadd.s32 $0x1AA00, s1;
	[dreg:$0xb] =	wrdreg s29;
	v4 =	vor.u32 $0x1800, v0;
	v5 =	vor.u32 $0x2000, v0;
	v6 =	vor.u32 $0x2800, v0  }
0x15: {  	s6 =	simm.s32 $0x5;
	s0 =	simm.s32 $0x3;
	[dreg:$0xc] =	wrdreg s30;
	v7 =	vor.u32 $0x3000, v0;
	v8 =	vor.u32 $0x3800, v0;
	v1 =	vsel vm15, $0x1300, v1  }
.LBB2_5:
0x16: {  	s1 =	rddreg [dreg:$0x9]  }
0x17: {  	s2 =	simm.s32 $0x1000;
	s4 =	simm.s32 $0x20000;
	s5 =	simm.s32 $0x9  }
0x18: {  	[hbm4b:s1+s2] =	stream.strided.scatter [tilespmem:s8], [sflag:$0x9], $0x2000, s4, s2, $0x38;
	[tilespmem:$0x18500] =	vst v63  }
0x19: {  	_ =	swait.ge [sflag:s5], $0x2000  }
0x1a: {  	[sflag:s5] =	ssyncset.done $0x0  }
0x1b: {  	s26 =	rddreg [dreg:$0xa];
	[sflag:s5] =	ssyncadd.s32 $0xFFFFE000  }
0x1c: {  	[hbm4b:s26+s2] =	stream.strided.scatter [tilespmem:s29], [sflag:$0x9], $0x2000, s4, s2, $0x38;
	[tilespmem:$0x18500] =	vst v63  }
0x1d: {  	_ =	swait.ge [sflag:s5], $0x2000  }
0x1e: {  	[sflag:s5] =	ssyncset.done $0x0  }
0x1f: {  	s28 =	rddreg [dreg:$0xb];
	[sflag:s5] =	ssyncadd.s32 $0xFFFFE000  }
0x20: {  	[hbm4b:s28+s2] =	stream.strided.scatter [tilespmem:s30], [sflag:$0x9], $0x2000, s4, s2, $0x38;
	[tilespmem:$0x18500] =	vst v63  }
0x21: {  	_ =	swait.ge [sflag:s5], $0x2000  }
0x22: {  	[sflag:s5] =	ssyncset.done $0x0  }
0x23: {  	s29 =	rddreg [dreg:$0xc];
	[sflag:s5] =	ssyncadd.s32 $0xFFFFE000  }
0x24: {  	[hbm4b:s29+s2] =	stream.strided.scatter [tilespmem:s31], [sflag:$0x9], $0x2000, s4, s2, $0x38;
	[tilespmem:$0x18500] =	vst v63  }
0x25: {  	_ =	swait.ge [sflag:s5], $0x2000  }
0x26: {  	s30 =	rddreg [dreg:$0xe]  }
0x27: {  	s31 =	rddreg [dreg:$0xd];
	s2 =	sadd.s32 $0x1, s30  }
0x28: {  	p0 =	sne.s32 s2, s31  }
.Ltmp1:
0x29: {  	_ = 	snop;
	(pc) =	sbr.rel @!p0 .LBB2_6-.Ltmp1, $3  }
0x2a: {  	_ =	sdelay $0x1  }
0x2b: {  	[sflag:s5] =	ssyncset.done $0x0  }
0x2c: {  	[sflag:s5] =	ssyncadd.s32 $0xFFFFE000  }
.LBB2_1:
0x2d: {  	[dreg:$0xe] =	wrdreg s2  }
0x2e: {  	s1 =	simm.s32 $0x0;
	s28 =	rddreg [dreg:$0x7];
	s4 =	simm.s32 $0x80  }
0x2f: {  	[tilespmem:s1], [sflag:$0x9] =	stream.strided.gather [hbm4b:s28+s4], $0x200, s15, s4, $0x38;
	[tilespmem:$0x18500] =	vst v63  }
0x30: {  	_ =	swait.ge [sflag:s5], $0x200  }
0x31: {  	[sflag:s5] =	ssyncset.done $0x0  }
0x32: {  	s8 =	simm.s32 $0x280;
	s2 =	rddreg [dreg:$0x8];
	[sflag:s5] =	ssyncadd.s32 $0xFFFFFE00  }
0x33: {  	[tilespmem:s8], [sflag:$0x9] =	stream.strided.gather [hbm4b:s2+s4], $0x200, s15, s4, $0x38;
	[tilespmem:$0x18500] =	vst v63  }
0x34: {  	_ =	swait.ge [sflag:s5], $0x200  }
0x35: {  	[sflag:s5] =	ssyncset.done $0x0  }
0x36: {  	[sflag:s5] =	ssyncadd.s32 $0xFFFFFE00  }
0x37: {  	v9 =	vld [tilespmem:$0x0]  }
0x38: {  	v10 =	vld [tilespmem:$0x280];
	_ =	sdelay $0x3  }
0x39: {  	(v2sf) =	vpush v9, $0x0  }
0x3a: {  	(v2sf) =	vpush v10, $0x0;
	_ =	sdelay $0x4  }
0x3b: {  	(v2sf) =	vpush v9, $0x1;
	_ =	sdelay $0x1  }
0x3c: {  	(v2sf) =	vpush v10, $0x1;
	_ =	sdelay $0x6  }
0x3d: {  	s13 =	spop (v2sf)  }
0x3e: {  	s4 =	rddreg [dreg:$0x2];
	(v2sf) =	vpush v9, $0x2;
	s1 =	sand.u32 $0xFFFFF80, s13;
	s23 =	spop (v2sf)  }
0x3f: {  	(v2sf) =	vpush v10, $0x2;
	s13 =	sadd.s32 s4, s1;
	s2 =	sand.u32 $0xFFFFF80, s23  }
0x40: {  	[tilespmem:s16], [sflag:$0x1] =	stream.strided.gather [hbm4b:s13+s15], $0x800, s18, s15, $0x38;
	[tilespmem:$0x18500] =	vst v63  }
0x41: {  	s24 =	sadd.s32 s20, s2  }
0x42: {  	[tilespmem:s14], [sflag:$0x3] =	stream.strided.gather [hbm4b:s24+s15], $0x800, s18, s15, $0x38;
	[tilespmem:$0x18500] =	vst v63  }
0x43: {  	s1 =	sadd.s32 s21, s1;
	s26 =	spop (v2sf)  }
0x44: {  	[tilespmem:s19], [sflag:$0x5] =	stream.strided.gather [hbm4b:s1+s15], $0x800, s18, s15, $0x38;
	[tilespmem:$0x18500] =	vst v63  }
0x45: {  	(v2sf) =	vpush v9, $0x3;
	s25 =	sadd.s32 s22, s2;
	s28 =	spop (v2sf);
	s1 =	sand.u32 $0xFFFFF80, s26  }
0x46: {  	[tilespmem:s7], [sflag:$0x7] =	stream.strided.gather [hbm4b:s25+s15], $0x800, s18, s15, $0x38;
	[tilespmem:$0x18500] =	vst v63  }
0x47: {  	s8 =	simm.s32 $0xD00;
	(v2sf) =	vpush v10, $0x3;
	s2 =	sand.u32 $0xFFFFF80, s28;
	s5 =	sadd.s32 s4, s1  }
0x48: {  	[tilespmem:s8], [sflag:$0x1] =	stream.strided.gather [hbm4b:s5+s15], $0x800, s18, s15, $0x38;
	[tilespmem:$0x18500] =	vst v63  }
0x49: {  	s23 =	simm.s32 $0x4D00;
	s19 =	sadd.s32 s20, s2  }
0x4a: {  	[tilespmem:s23], [sflag:$0x3] =	stream.strided.gather [hbm4b:s19+s15], $0x800, s18, s15, $0x38;
	[tilespmem:$0x18500] =	vst v63  }
0x4b: {  	s24 =	simm.s32 $0x8D00;
	s1 =	sadd.s32 s21, s1  }
0x4c: {  	[tilespmem:s24], [sflag:$0x5] =	stream.strided.gather [hbm4b:s1+s15], $0x800, s18, s15, $0x38;
	[tilespmem:$0x18500] =	vst v63  }
0x4d: {  	s31 =	simm.s32 $0x16500;
	s2 =	sadd.s32 s22, s2;
	s25 =	spop (v2sf)  }
0x4e: {  	s26 =	simm.s32 $0xCD00;
	s1 =	sand.u32 $0xFFFFF80, s25;
	s28 =	spop (v2sf)  }
0x4f: {  	[tilespmem:s26], [sflag:$0x7] =	stream.strided.gather [hbm4b:s2+s15], $0x800, s18, s15, $0x38;
	[tilespmem:$0x18500] =	vst v63  }
0x50: {  	s19 =	simm.s32 $0x1500;
	s8 =	sadd.s32 s4, s1;
	s2 =	sand.u32 $0xFFFFF80, s28  }
0x51: {  	[tilespmem:s19], [sflag:$0x1] =	stream.strided.gather [hbm4b:s8+s15], $0x800, s18, s15, $0x38;
	[tilespmem:$0x18500] =	vst v63  }
0x52: {  	s24 =	simm.s32 $0x5500;
	s25 =	simm.s32 $0x9500;
	s23 =	sadd.s32 s20, s2  }
0x53: {  	[tilespmem:s24], [sflag:$0x3] =	stream.strided.gather [hbm4b:s23+s15], $0x800, s18, s15, $0x38;
	[tilespmem:$0x18500] =	vst v63  }
0x54: {  	s1 =	sadd.s32 s21, s1;
	s26 =	spop (v2sf);
	s28 =	simm.s32 $0xD500  }
0x55: {  	[tilespmem:s25], [sflag:$0x5] =	stream.strided.gather [hbm4b:s1+s15], $0x800, s18, s15, $0x38;
	[tilespmem:$0x18500] =	vst v63  }
0x56: {  	s2 =	sadd.s32 s22, s2;
	s5 =	spop (v2sf);
	s1 =	sand.u32 $0xFFFFF80, s26  }
0x57: {  	[tilespmem:s28], [sflag:$0x7] =	stream.strided.gather [hbm4b:s2+s15], $0x800, s18, s15, $0x38;
	[tilespmem:$0x18500] =	vst v63  }
0x58: {  	s19 =	simm.s32 $0x1D00;
	s8 =	sadd.s32 s4, s1;
	s2 =	sand.u32 $0xFFFFF80, s5  }
0x59: {  	[tilespmem:s19], [sflag:$0x1] =	stream.strided.gather [hbm4b:s8+s15], $0x800, s18, s15, $0x38;
	[tilespmem:$0x18500] =	vst v63  }
0x5a: {  	s30 =	simm.s32 $0x14500;
	s24 =	simm.s32 $0x5D00;
	s23 =	sadd.s32 s20, s2  }
0x5b: {  	[tilespmem:s24], [sflag:$0x3] =	stream.strided.gather [hbm4b:s23+s15], $0x800, s18, s15, $0x38;
	[tilespmem:$0x18500] =	vst v63  }
.Ltmp2:
0x5c: {  	s29 =	simm.s32 $0x12500;
	s13 =	simm.s32 $0x288;
	(pc) =	sbr.rel .LBB2_2-.Ltmp2, $4  }
0x5d: {  	s25 =	simm.s32 $0x9D00;
	s1 =	sadd.s32 s21, s1;
	s28 =	simm.s32 $0xDD00  }
0x5e: {  	[tilespmem:s25], [sflag:$0x5] =	stream.strided.gather [hbm4b:s1+s15], $0x800, s18, s15, $0x38;
	[tilespmem:$0x18500] =	vst v63  }
0x5f: {  	s26 =	sadd.s32 s22, s2;
	s23 =	simm.s32 $0x8;
	s24 =	simm.s32 $0x0  }
0x60: {  	[tilespmem:s28], [sflag:$0x7] =	stream.strided.gather [hbm4b:s26+s15], $0x800, s18, s15, $0x38;
	[tilespmem:$0x18500] =	vst v63  }
.LBB2_4:
0x61: {  	_ =	swait.ge [sflag:s9], $0x800  }
0x62: {  	[sflag:s9] =	ssyncset.done $0x0  }
0x63: {  	[sflag:s9] =	ssyncadd.s32 $0xFFFFF800  }
0x64: {  	_ =	swait.ge [sflag:s10], $0x800  }
0x65: {  	[sflag:s10] =	ssyncset.done $0x0  }
0x66: {  	[sflag:s10] =	ssyncadd.s32 $0xFFFFF800  }
0x67: {  	_ =	swait.ge [sflag:s11], $0x800  }
0x68: {  	[sflag:s11] =	ssyncset.done $0x0  }
0x69: {  	[sflag:s11] =	ssyncadd.s32 $0xFFFFF800  }
0x6a: {  	_ =	swait.ge [sflag:s12], $0x800  }
0x6b: {  	[sflag:s12] =	ssyncset.done $0x0  }
0x6c: {  	[sflag:s12] =	ssyncadd.s32 $0xFFFFF800  }
0x6d: {  	_ =	swait.ge [sflag:s9], $0x800  }
0x6e: {  	[sflag:s9] =	ssyncset.done $0x0  }
0x6f: {  	[sflag:s9] =	ssyncadd.s32 $0xFFFFF800  }
0x70: {  	_ =	swait.ge [sflag:s10], $0x800  }
0x71: {  	[sflag:s10] =	ssyncset.done $0x0  }
0x72: {  	[sflag:s10] =	ssyncadd.s32 $0xFFFFF800  }
0x73: {  	_ =	swait.ge [sflag:s11], $0x800  }
0x74: {  	[sflag:s11] =	ssyncset.done $0x0  }
0x75: {  	[sflag:s11] =	ssyncadd.s32 $0xFFFFF800  }
0x76: {  	_ =	swait.ge [sflag:s12], $0x800  }
0x77: {  	[sflag:s12] =	ssyncset.done $0x0  }
0x78: {  	[sflag:s12] =	ssyncadd.s32 $0xFFFFF800  }
0x79: {  	_ =	swait.ge [sflag:s9], $0x800  }
0x7a: {  	[sflag:s9] =	ssyncset.done $0x0  }
0x7b: {  	[sflag:s9] =	ssyncadd.s32 $0xFFFFF800  }
0x7c: {  	_ =	swait.ge [sflag:s10], $0x800  }
0x7d: {  	[sflag:s10] =	ssyncset.done $0x0  }
0x7e: {  	[sflag:s10] =	ssyncadd.s32 $0xFFFFF800  }
0x7f: {  	_ =	swait.ge [sflag:s11], $0x800  }
0x80: {  	[sflag:s11] =	ssyncset.done $0x0  }
0x81: {  	[sflag:s11] =	ssyncadd.s32 $0xFFFFF800  }
0x82: {  	_ =	swait.ge [sflag:s12], $0x800  }
0x83: {  	[sflag:s12] =	ssyncset.done $0x0  }
0x84: {  	[sflag:s12] =	ssyncadd.s32 $0xFFFFF800  }
0x85: {  	_ =	swait.ge [sflag:s9], $0x800  }
0x86: {  	[sflag:s9] =	ssyncset.done $0x0  }
0x87: {  	[sflag:s9] =	ssyncadd.s32 $0xFFFFF800  }
0x88: {  	_ =	swait.ge [sflag:s10], $0x800  }
0x89: {  	[sflag:s10] =	ssyncset.done $0x0  }
0x8a: {  	[sflag:s10] =	ssyncadd.s32 $0xFFFFF800  }
0x8b: {  	s2 =	sand.u32 $0x7F, s2;
	_ =	swait.ge [sflag:s11], $0x800  }
0x8c: {  	s4 =	sadd.s32 $0x4, s24;
	v9 =	vor.u32 s2, v5;
	[sflag:s11] =	ssyncset.done $0x0  }
0x8d: {  	v10 =	vmov s4;
	[sflag:s11] =	ssyncadd.s32 $0xFFFFF800  }
0x8e: {  	v11 =	vshll.u32 v10, $0x3;
	_ =	swait.ge [sflag:s12], $0x800  }
0x8f: {  	v10 =	vand.u32 $0x7C, v10;
	v11 =	vand.u32 $0xC00, v11;
	[sflag:s12] =	ssyncset.done $0x0  }
0x90: {  	v10 =	vor.u32 v11, v10;
	s4 =	rddreg [dreg:$0x11];
	[sflag:s12] =	ssyncadd.s32 $0xFFFFF800  }
0x91: {  	v10 =	vor.u32 v1, v10;
	s2 =	sand.u32 $0x7F, s4;
	v11 =	vld.idx.msk [tilespmem:v9+s16+$0x0], $0xffff  }
0x92: {  	v12 =	vor.u32 s2, v5;
	_ =	sdelay $0x3  }
0x93: {  	[tilespmem:v10+s8+$0x0] =	vst.idx.msk $0xffff, v11  }
0x94: {  	v11 =	vld.idx.msk [tilespmem:v12+s14+$0x0], $0xffff;
	_ =	sdelay $0x4  }
0x95: {  	[tilespmem:v10+s5+$0x0] =	vst.idx.msk $0xffff, v11  }
0x96: {  	v9 =	vld.idx.msk [tilespmem:v9+s19+$0x0], $0xffff;
	_ =	sdelay $0x4  }
0x97: {  	[tilespmem:v10+s29+$0x0] =	vst.idx.msk $0xffff, v9  }
0x98: {  	s1 =	sand.u32 $0x7F, s1;
	v9 =	vld.idx.msk [tilespmem:v12+s7+$0x0], $0xffff  }
0x99: {  	s4 =	sadd.s32 $0x5, s24;
	v11 =	vor.u32 s1, v6  }
0x9a: {  	v56 =	vmov s4  }
0x9b: {  	v13 =	vshll.u32 v56, $0x3  }
0x9c: {  	v13 =	vand.u32 $0xC00, v13;
	v12 =	vand.u32 $0x7D, v56  }
0x9d: {  	s4 =	rddreg [dreg:$0xf];
	[tilespmem:v10+s30+$0x0] =	vst.idx.msk $0xffff, v9;
	v9 =	vor.u32 v13, v12  }
0x9e: {  	s1 =	sand.u32 $0x7F, s4;
	v10 =	vld.idx.msk [tilespmem:v11+s16+$0x0], $0xffff;
	v9 =	vor.u32 v1, v9  }
0x9f: {  	v57 =	vor.u32 s1, v6;
	_ =	sdelay $0x3  }
0xa0: {  	[tilespmem:v9+s8+$0x0] =	vst.idx.msk $0xffff, v10  }
0xa1: {  	v10 =	vld.idx.msk [tilespmem:v57+s14+$0x0], $0xffff;
	_ =	sdelay $0x4  }
0xa2: {  	[tilespmem:v9+s5+$0x0] =	vst.idx.msk $0xffff, v10  }
0xa3: {  	v10 =	vld.idx.msk [tilespmem:v11+s19+$0x0], $0xffff;
	_ =	sdelay $0x4  }
0xa4: {  	s2 =	rddreg [dreg:$0x10];
	[tilespmem:v9+s29+$0x0] =	vst.idx.msk $0xffff, v10  }
0xa5: {  	s1 =	sand.u32 $0x7F, s2;
	v10 =	vld.idx.msk [tilespmem:v57+s7+$0x0], $0xffff  }
0xa6: {  	s4 =	sadd.s32 $0x6, s24;
	v11 =	vor.u32 s1, v7  }
0xa7: {  	v58 =	vmov s4  }
0xa8: {  	v59 =	vshll.u32 v58, $0x3  }
0xa9: {  	v12 =	vand.u32 $0x7E, v58;
	v13 =	vand.u32 $0xC00, v59  }
0xaa: {  	[tilespmem:v9+s30+$0x0] =	vst.idx.msk $0xffff, v10;
	v9 =	vor.u32 v13, v12  }
0xab: {  	s2 =	sand.u32 $0x7F, s26;
	v10 =	vld.idx.msk [tilespmem:v11+s16+$0x0], $0xffff;
	v9 =	vor.u32 v1, v9  }
0xac: {  	v60 =	vor.u32 s2, v7;
	_ =	sdelay $0x3  }
0xad: {  	[tilespmem:v9+s8+$0x0] =	vst.idx.msk $0xffff, v10  }
0xae: {  	v10 =	vld.idx.msk [tilespmem:v60+s14+$0x0], $0xffff;
	_ =	sdelay $0x4  }
0xaf: {  	[tilespmem:v9+s5+$0x0] =	vst.idx.msk $0xffff, v10  }
0xb0: {  	v10 =	vld.idx.msk [tilespmem:v11+s19+$0x0], $0xffff;
	_ =	sdelay $0x4  }
0xb1: {  	[tilespmem:v9+s29+$0x0] =	vst.idx.msk $0xffff, v10  }
0xb2: {  	s4 =	sand.u32 $0x7F, s28;
	v10 =	vld.idx.msk [tilespmem:v60+s7+$0x0], $0xffff  }
0xb3: {  	s26 =	sadd.s32 $0x7, s24;
	v11 =	vor.u32 s4, v8  }
0xb4: {  	v61 =	vmov s26  }
0xb5: {  	v62 =	vshll.u32 v61, $0x3  }
0xb6: {  	v12 =	vand.u32 $0x7F, v61;
	v13 =	vand.u32 $0xC00, v62  }
0xb7: {  	[tilespmem:v9+s30+$0x0] =	vst.idx.msk $0xffff, v10;
	v9 =	vor.u32 v13, v12  }
0xb8: {  	s28 =	sand.u32 $0x7F, s25;
	v10 =	vld.idx.msk [tilespmem:v11+s16+$0x0], $0xffff;
	v9 =	vor.u32 v1, v9  }
0xb9: {  	v63 =	vor.u32 s28, v8;
	_ =	sdelay $0x3  }
0xba: {  	[tilespmem:v9+s8+$0x0] =	vst.idx.msk $0xffff, v10  }
0xbb: {  	v10 =	vld.idx.msk [tilespmem:v63+s14+$0x0], $0xffff;
	_ =	sdelay $0x4  }
0xbc: {  	[tilespmem:v9+s5+$0x0] =	vst.idx.msk $0xffff, v10  }
0xbd: {  	v10 =	vld.idx.msk [tilespmem:v11+s19+$0x0], $0xffff;
	_ =	sdelay $0x4  }
0xbe: {  	s24 =	sadd.s32 $0x8, s24;
	[tilespmem:v9+s29+$0x0] =	vst.idx.msk $0xffff, v10  }
0xbf: {  	p0 =	sne.s32 s24, $0x200;
	v10 =	vld.idx.msk [tilespmem:v63+s7+$0x0], $0xffff  }
.Ltmp3:
0xc0: {  	_ = 	snop;
	(pc) =	sbr.rel @!p0 .LBB2_5-.Ltmp3, $3  }
0xc1: {  	_ =	sdelay $0x1  }
0xc2: {  	s13 =	sadd.s32 $0x8, s13;
	s23 =	sadd.s32 $0x8, s23  }
0xc3: {  	s31 =	simm.s32 $0x16500;
	s29 =	simm.s32 $0x12500;
	[tilespmem:v9+s30+$0x0] =	vst.idx.msk $0xffff, v10;
	s30 =	simm.s32 $0x14500  }
.LBB2_2:
0xc4: {  	v12 =	vld [tilespmem:s23+$0xFFFFFFF8];
	_ =	sdelay $0x1  }
0xc5: {  	v11 =	vld [tilespmem:s13+$0xFFFFFFF8];
	_ =	sdelay $0x2  }
0xc6: {  	(v2sf) =	vpush v12, $0x4;
	_ =	sdelay $0x1  }
0xc7: {  	(v2sf) =	vpush v11, $0x4;
	_ =	sdelay $0x6  }
0xc8: {  	(v2sf) =	vpush v12, $0x5;
	_ =	sdelay $0x1  }
0xc9: {  	(v2sf) =	vpush v11, $0x5;
	_ =	sdelay $0x3  }
0xca: {  	s2 =	spop (v2sf)  }
0xcb: {  	s5 =	rddreg [dreg:$0x2];
	s1 =	sand.u32 $0xFFFFF80, s2  }
0xcc: {  	v10 =	vld [tilespmem:s23+$0x0];
	s4 =	simm.s32 $0x2500;
	s8 =	spop (v2sf);
	s25 =	sadd.s32 s5, s1  }
0xcd: {  	v9 =	vld [tilespmem:s13+$0x0];
	(v2sf) =	vpush v12, $0x6;
	[tilespmem:s4], [sflag:$0x2] =	stream.strided.gather [hbm4b:s25+s15], $0x800, s18, s15, $0x38  }
0xce: {  	s25 =	sand.u32 $0xFFFFF80, s8  }
0xcf: {  	[dreg:$0x11] =	wrdreg s8;
	s8 =	simm.s32 $0x6500;
	s26 =	sadd.s32 s20, s25  }
0xd0: {  	(v2sf) =	vpush v11, $0x6;
	[tilespmem:s8], [sflag:$0x4] =	stream.strided.gather [hbm4b:s26+s15], $0x800, s18, s15, $0x38;
	[tilespmem:$0x18500] =	vst v63  }
0xd1: {  	s19 =	simm.s32 $0xA500;
	s1 =	sadd.s32 s21, s1  }
0xd2: {  	[tilespmem:s19], [sflag:$0x6] =	stream.strided.gather [hbm4b:s1+s15], $0x800, s18, s15, $0x38;
	[tilespmem:$0x18500] =	vst v63  }
0xd3: {  	s25 =	sadd.s32 s22, s25;
	s26 =	simm.s32 $0xE500;
	s1 =	spop (v2sf)  }
0xd4: {  	[tilespmem:s26], [sflag:$0x8] =	stream.strided.gather [hbm4b:s25+s15], $0x800, s18, s15, $0x38;
	[tilespmem:$0x18500] =	vst v63  }
0xd5: {  	(v2sf) =	vpush v12, $0x7;
	s8 =	spop (v2sf);
	s25 =	sand.u32 $0xFFFFF80, s1  }
0xd6: {  	s19 =	simm.s32 $0x2D00;
	s26 =	sand.u32 $0xFFFFF80, s8;
	s4 =	sadd.s32 s5, s25  }
0xd7: {  	[tilespmem:s19], [sflag:$0x2] =	stream.strided.gather [hbm4b:s4+s15], $0x800, s18, s15, $0x38;
	[tilespmem:$0x18500] =	vst v63  }
0xd8: {  	s28 =	sadd.s32 s20, s26;
	s19 =	simm.s32 $0x6D00  }
0xd9: {  	(v2sf) =	vpush v11, $0x7;
	[tilespmem:s19], [sflag:$0x4] =	stream.strided.gather [hbm4b:s28+s15], $0x800, s18, s15, $0x38;
	[tilespmem:$0x18500] =	vst v63  }
0xda: {  	[dreg:$0xf] =	wrdreg s8;
	s8 =	simm.s32 $0xAD00;
	s25 =	sadd.s32 s21, s25  }
0xdb: {  	[tilespmem:s8], [sflag:$0x6] =	stream.strided.gather [hbm4b:s25+s15], $0x800, s18, s15, $0x38;
	[tilespmem:$0x18500] =	vst v63  }
0xdc: {  	s8 =	spop (v2sf)  }
0xdd: {  	s19 =	sadd.s32 s22, s26;
	s26 =	simm.s32 $0xED00;
	s25 =	sand.u32 $0xFFFFF80, s8  }
0xde: {  	[tilespmem:s26], [sflag:$0x8] =	stream.strided.gather [hbm4b:s19+s15], $0x800, s18, s15, $0x38;
	[tilespmem:$0x18500] =	vst v63  }
0xdf: {  	s26 =	spop (v2sf);
	s28 =	sadd.s32 s5, s25;
	s19 =	simm.s32 $0x3500  }
0xe0: {  	[tilespmem:s19], [sflag:$0x2] =	stream.strided.gather [hbm4b:s28+s15], $0x800, s18, s15, $0x38;
	[tilespmem:$0x18500] =	vst v63  }
0xe1: {  	[dreg:$0x10] =	wrdreg s8;
	s28 =	sand.u32 $0xFFFFF80, s26  }
0xe2: {  	s25 =	sadd.s32 s21, s25;
	s19 =	simm.s32 $0x7500;
	s8 =	sadd.s32 s20, s28  }
0xe3: {  	[tilespmem:s19], [sflag:$0x4] =	stream.strided.gather [hbm4b:s8+s15], $0x800, s18, s15, $0x38;
	[tilespmem:$0x18500] =	vst v63  }
0xe4: {  	s8 =	simm.s32 $0xB500;
	s19 =	sadd.s32 s22, s28;
	s28 =	spop (v2sf)  }
0xe5: {  	[tilespmem:s8], [sflag:$0x6] =	stream.strided.gather [hbm4b:s25+s15], $0x800, s18, s15, $0x38;
	[tilespmem:$0x18500] =	vst v63  }
0xe6: {  	s25 =	simm.s32 $0xF500;
	s4 =	sand.u32 $0xFFFFF80, s28  }
0xe7: {  	[tilespmem:s25], [sflag:$0x8] =	stream.strided.gather [hbm4b:s19+s15], $0x800, s18, s15, $0x38;
	[tilespmem:$0x18500] =	vst v63  }
0xe8: {  	s8 =	simm.s32 $0x3D00;
	s5 =	sadd.s32 s5, s4;
	s25 =	spop (v2sf)  }
0xe9: {  	[tilespmem:s8], [sflag:$0x2] =	stream.strided.gather [hbm4b:s5+s15], $0x800, s18, s15, $0x38;
	[tilespmem:$0x18500] =	vst v63  }
0xea: {  	s5 =	sand.u32 $0xFFFFF80, s25  }
0xeb: {  	s8 =	simm.s32 $0x7D00;
	s19 =	sadd.s32 s20, s5  }
0xec: {  	[tilespmem:s8], [sflag:$0x4] =	stream.strided.gather [hbm4b:s19+s15], $0x800, s18, s15, $0x38;
	[tilespmem:$0x18500] =	vst v63  }
0xed: {  	s4 =	sadd.s32 s21, s4;
	s8 =	simm.s32 $0xBD00  }
0xee: {  	[tilespmem:s8], [sflag:$0x6] =	stream.strided.gather [hbm4b:s4+s15], $0x800, s18, s15, $0x38;
	[tilespmem:$0x18500] =	vst v63  }
0xef: {  	s4 =	sadd.s32 s22, s5;
	s5 =	simm.s32 $0xFD00  }
0xf0: {  	[tilespmem:s5], [sflag:$0x8] =	stream.strided.gather [hbm4b:s4+s15], $0x800, s18, s15, $0x38;
	[tilespmem:$0x18500] =	vst v63  }
0xf1: {  	_ =	swait.ge [sflag:s3], $0x800  }
0xf2: {  	[sflag:s3] =	ssyncset.done $0x0  }
0xf3: {  	[sflag:s3] =	ssyncadd.s32 $0xFFFFF800  }
0xf4: {  	_ =	swait.ge [sflag:s0], $0x800  }
0xf5: {  	[sflag:s0] =	ssyncset.done $0x0  }
0xf6: {  	[sflag:s0] =	ssyncadd.s32 $0xFFFFF800  }
0xf7: {  	_ =	swait.ge [sflag:s6], $0x800  }
0xf8: {  	[sflag:s6] =	ssyncset.done $0x0  }
0xf9: {  	[sflag:s6] =	ssyncadd.s32 $0xFFFFF800  }
0xfa: {  	_ =	swait.ge [sflag:s17], $0x800  }
0xfb: {  	[sflag:s17] =	ssyncset.done $0x0  }
0xfc: {  	[sflag:s17] =	ssyncadd.s32 $0xFFFFF800  }
0xfd: {  	_ =	swait.ge [sflag:s3], $0x800  }
0xfe: {  	[sflag:s3] =	ssyncset.done $0x0  }
0xff: {  	[sflag:s3] =	ssyncadd.s32 $0xFFFFF800  }
0x100: {  	_ =	swait.ge [sflag:s0], $0x800  }
0x101: {  	[sflag:s0] =	ssyncset.done $0x0  }
0x102: {  	[sflag:s0] =	ssyncadd.s32 $0xFFFFF800  }
0x103: {  	_ =	swait.ge [sflag:s6], $0x800  }
0x104: {  	[sflag:s6] =	ssyncset.done $0x0  }
0x105: {  	[sflag:s6] =	ssyncadd.s32 $0xFFFFF800  }
0x106: {  	_ =	swait.ge [sflag:s17], $0x800  }
0x107: {  	[sflag:s17] =	ssyncset.done $0x0  }
0x108: {  	[sflag:s17] =	ssyncadd.s32 $0xFFFFF800  }
0x109: {  	_ =	swait.ge [sflag:s3], $0x800  }
0x10a: {  	[sflag:s3] =	ssyncset.done $0x0  }
0x10b: {  	[sflag:s3] =	ssyncadd.s32 $0xFFFFF800  }
0x10c: {  	_ =	swait.ge [sflag:s0], $0x800  }
0x10d: {  	[sflag:s0] =	ssyncset.done $0x0  }
0x10e: {  	[sflag:s0] =	ssyncadd.s32 $0xFFFFF800  }
0x10f: {  	_ =	swait.ge [sflag:s6], $0x800  }
0x110: {  	[sflag:s6] =	ssyncset.done $0x0  }
0x111: {  	[sflag:s6] =	ssyncadd.s32 $0xFFFFF800  }
0x112: {  	_ =	swait.ge [sflag:s17], $0x800  }
0x113: {  	[sflag:s17] =	ssyncset.done $0x0  }
0x114: {  	[sflag:s17] =	ssyncadd.s32 $0xFFFFF800  }
0x115: {  	_ =	swait.ge [sflag:s3], $0x800  }
0x116: {  	[sflag:s3] =	ssyncset.done $0x0  }
0x117: {  	[sflag:s3] =	ssyncadd.s32 $0xFFFFF800  }
0x118: {  	_ =	swait.ge [sflag:s0], $0x800  }
0x119: {  	[sflag:s0] =	ssyncset.done $0x0  }
0x11a: {  	[sflag:s0] =	ssyncadd.s32 $0xFFFFF800  }
0x11b: {  	_ =	swait.ge [sflag:s6], $0x800  }
0x11c: {  	[sflag:s6] =	ssyncset.done $0x0  }
0x11d: {  	[sflag:s6] =	ssyncadd.s32 $0xFFFFF800  }
0x11e: {  	_ =	swait.ge [sflag:s17], $0x800  }
0x11f: {  	(v2sf) =	vpush v12, $0x0;
	_ =	sdelay $0x5  }
0x120: {  	(v2sf) =	vpush v11, $0x0;
	_ =	sdelay $0x8  }
0x121: {  	s5 =	spop (v2sf)  }
0x122: {  	s4 =	sand.u32 $0x7F, s5  }
0x123: {  	v13 =	vor.u32 s4, v0  }
0x124: {  	v14 =	vmov s24  }
0x125: {  	v15 =	vshll.u32 v14, $0x3  }
0x126: {  	v14 =	vand.u32 $0x78, v14;
	v15 =	vand.u32 $0xC00, v15;
	[sflag:s17] =	ssyncset.done $0x0  }
0x127: {  	v14 =	vor.u32 v15, v14;
	[sflag:s17] =	ssyncadd.s32 $0xFFFFF800;
	s5 =	spop (v2sf)  }
0x128: {  	v14 =	vor.u32 v1, v14;
	s4 =	sand.u32 $0x7F, s5;
	v49 =	vld.idx.msk [tilespmem:v13+s16+$0x0], $0xffff  }
0x129: {  	v16 =	vor.u32 s4, v0  }
0x12a: {  	(v2sf) =	vpush v12, $0x1;
	_ =	sdelay $0x1  }
0x12b: {  	s8 =	simm.s32 $0x10500  }
0x12c: {  	[tilespmem:v14+s8+$0x0] =	vst.idx.msk $0xffff, v49  }
0x12d: {  	v15 =	vld.idx.msk [tilespmem:v16+s14+$0x0], $0xffff;
	_ =	sdelay $0x1  }
0x12e: {  	(v2sf) =	vpush v11, $0x1;
	_ =	sdelay $0x2  }
0x12f: {  	s19 =	simm.s32 $0x8500;
	[tilespmem:v14+s29+$0x0] =	vst.idx.msk $0xffff, v15  }
0x130: {  	v13 =	vld.idx.msk [tilespmem:v13+s19+$0x0], $0xffff;
	_ =	sdelay $0x4  }
0x131: {  	s5 =	spop (v2sf);
	[tilespmem:v14+s30+$0x0] =	vst.idx.msk $0xffff, v13  }
0x132: {  	s4 =	sand.u32 $0x7F, s5;
	v13 =	vld.idx.msk [tilespmem:v16+s7+$0x0], $0xffff  }
0x133: {  	s5 =	sadd.s32 $0x1, s24;
	v50 =	vor.u32 s4, v2  }
0x134: {  	v51 =	vmov s5  }
0x135: {  	v17 =	vshll.u32 v51, $0x3  }
0x136: {  	v17 =	vand.u32 $0xC00, v17;
	v16 =	vand.u32 $0x79, v51  }
0x137: {  	s5 =	spop (v2sf);
	v52 =	vor.u32 v17, v16;
	[tilespmem:v14+s31+$0x0] =	vst.idx.msk $0xffff, v13  }
0x138: {  	s4 =	sand.u32 $0x7F, s5;
	v13 =	vor.u32 v1, v52;
	v14 =	vld.idx.msk [tilespmem:v50+s16+$0x0], $0xffff  }
0x139: {  	v53 =	vor.u32 s4, v2  }
0x13a: {  	(v2sf) =	vpush v12, $0x2;
	_ =	sdelay $0x2  }
0x13b: {  	[tilespmem:v13+s8+$0x0] =	vst.idx.msk $0xffff, v14  }
0x13c: {  	v14 =	vld.idx.msk [tilespmem:v53+s14+$0x0], $0xffff;
	_ =	sdelay $0x1  }
0x13d: {  	(v2sf) =	vpush v11, $0x2;
	_ =	sdelay $0x2  }
0x13e: {  	[tilespmem:v13+s29+$0x0] =	vst.idx.msk $0xffff, v14  }
0x13f: {  	v14 =	vld.idx.msk [tilespmem:v50+s19+$0x0], $0xffff;
	_ =	sdelay $0x4  }
0x140: {  	s5 =	spop (v2sf);
	[tilespmem:v13+s30+$0x0] =	vst.idx.msk $0xffff, v14  }
0x141: {  	s4 =	sand.u32 $0x7F, s5;
	v14 =	vld.idx.msk [tilespmem:v53+s7+$0x0], $0xffff  }
0x142: {  	s5 =	sadd.s32 $0x2, s24;
	v54 =	vor.u32 s4, v3  }
0x143: {  	v55 =	vmov s5  }
0x144: {  	v56 =	vshll.u32 v55, $0x3  }
0x145: {  	v16 =	vand.u32 $0x7A, v55;
	v17 =	vand.u32 $0xC00, v56  }
0x146: {  	s5 =	spop (v2sf);
	v57 =	vor.u32 v17, v16;
	[tilespmem:v13+s31+$0x0] =	vst.idx.msk $0xffff, v14  }
0x147: {  	s4 =	sand.u32 $0x7F, s5;
	v13 =	vor.u32 v1, v57;
	v14 =	vld.idx.msk [tilespmem:v54+s16+$0x0], $0xffff  }
0x148: {  	v58 =	vor.u32 s4, v3  }
0x149: {  	(v2sf) =	vpush v12, $0x3;
	_ =	sdelay $0x2  }
0x14a: {  	[tilespmem:v13+s8+$0x0] =	vst.idx.msk $0xffff, v14  }
0x14b: {  	v59 =	vld.idx.msk [tilespmem:v58+s14+$0x0], $0xffff;
	_ =	sdelay $0x1  }
0x14c: {  	(v2sf) =	vpush v11, $0x3;
	_ =	sdelay $0x2  }
0x14d: {  	[tilespmem:v13+s29+$0x0] =	vst.idx.msk $0xffff, v59  }
0x14e: {  	v11 =	vld.idx.msk [tilespmem:v54+s19+$0x0], $0xffff;
	_ =	sdelay $0x4  }
0x14f: {  	s5 =	spop (v2sf);
	[tilespmem:v13+s30+$0x0] =	vst.idx.msk $0xffff, v11  }
0x150: {  	s4 =	sand.u32 $0x7F, s5;
	v11 =	vld.idx.msk [tilespmem:v58+s7+$0x0], $0xffff  }
0x151: {  	s5 =	sadd.s32 $0x3, s24;
	v60 =	vor.u32 s4, v4  }
0x152: {  	v61 =	vmov s5  }
0x153: {  	v62 =	vshll.u32 v61, $0x3  }
0x154: {  	v15 =	vand.u32 $0xC00, v62;
	v14 =	vand.u32 $0x7B, v61  }
0x155: {  	s5 =	spop (v2sf);
	[tilespmem:v13+s31+$0x0] =	vst.idx.msk $0xffff, v11;
	v11 =	vor.u32 v15, v14  }
0x156: {  	s4 =	sand.u32 $0x7F, s5;
	v13 =	vld.idx.msk [tilespmem:v60+s16+$0x0], $0xffff;
	v11 =	vor.u32 v1, v11  }
0x157: {  	v63 =	vor.u32 s4, v4;
	_ =	sdelay $0x3  }
0x158: {  	[tilespmem:v11+s8+$0x0] =	vst.idx.msk $0xffff, v13  }
0x159: {  	v13 =	vld.idx.msk [tilespmem:v63+s14+$0x0], $0xffff;
	_ =	sdelay $0x4  }
0x15a: {  	[tilespmem:v11+s29+$0x0] =	vst.idx.msk $0xffff, v13  }
0x15b: {  	v12 =	vld.idx.msk [tilespmem:v60+s19+$0x0], $0xffff;
	_ =	sdelay $0x4  }
0x15c: {  	[tilespmem:v11+s30+$0x0] =	vst.idx.msk $0xffff, v12  }
0x15d: {  	p0 =	seq.s32 s24, $0x1F8;
	v12 =	vld.idx.msk [tilespmem:v63+s7+$0x0], $0xffff  }
.Ltmp4:
0x15e: {  	_ = 	snop;
	(pc) =	sbr.rel @p0 .LBB2_4-.Ltmp4, $2  }
0x15f: {  	_ =	sdelay $0x2  }
0x160: {  	s5 =	simm.s32 $0x12500;
	s29 =	simm.s32 $0x14500;
	s30 =	simm.s32 $0x16500;
	[tilespmem:v11+s31+$0x0] =	vst.idx.msk $0xffff, v12  }
0x161: {  	(v2sf) =	vpush v10, $0x0  }
0x162: {  	(v2sf) =	vpush v9, $0x0;
	_ =	sdelay $0x4  }
0x163: {  	(v2sf) =	vpush v10, $0x1;
	_ =	sdelay $0x1  }
0x164: {  	(v2sf) =	vpush v9, $0x1;
	_ =	sdelay $0x6  }
0x165: {  	s4 =	spop (v2sf)  }
0x166: {  	s16 =	rddreg [dreg:$0x2];
	(v2sf) =	vpush v10, $0x2;
	s4 =	sand.u32 $0xFFFFF80, s4;
	s5 =	spop (v2sf)  }
0x167: {  	s14 =	simm.s32 $0x500;
	s19 =	sadd.s32 s16, s4;
	s5 =	sand.u32 $0xFFFFF80, s5  }
0x168: {  	(v2sf) =	vpush v9, $0x2;
	[tilespmem:s14], [sflag:$0x1] =	stream.strided.gather [hbm4b:s19+s15], $0x800, s18, s15, $0x38;
	[tilespmem:$0x18500] =	vst v63  }
0x169: {  	s7 =	simm.s32 $0x8500;
	s14 =	simm.s32 $0x4500;
	s31 =	sadd.s32 s20, s5  }
0x16a: {  	[tilespmem:s14], [sflag:$0x3] =	stream.strided.gather [hbm4b:s31+s15], $0x800, s18, s15, $0x38;
	[tilespmem:$0x18500] =	vst v63  }
0x16b: {  	s4 =	sadd.s32 s21, s4;
	s8 =	sadd.s32 s22, s5;
	s19 =	spop (v2sf)  }
0x16c: {  	[tilespmem:s7], [sflag:$0x5] =	stream.strided.gather [hbm4b:s4+s15], $0x800, s18, s15, $0x38;
	[tilespmem:$0x18500] =	vst v63  }
0x16d: {  	s5 =	spop (v2sf);
	s7 =	simm.s32 $0xC500;
	s4 =	sand.u32 $0xFFFFF80, s19  }
0x16e: {  	[tilespmem:s7], [sflag:$0x7] =	stream.strided.gather [hbm4b:s8+s15], $0x800, s18, s15, $0x38;
	[tilespmem:$0x18500] =	vst v63  }
0x16f: {  	(v2sf) =	vpush v10, $0x3;
	s5 =	sand.u32 $0xFFFFF80, s5;
	s31 =	sadd.s32 s16, s4;
	s8 =	simm.s32 $0xD00  }
0x170: {  	[tilespmem:s8], [sflag:$0x1] =	stream.strided.gather [hbm4b:s31+s15], $0x800, s18, s15, $0x38;
	[tilespmem:$0x18500] =	vst v63  }
0x171: {  	(v2sf) =	vpush v9, $0x3;
	s8 =	sadd.s32 s20, s5;
	s31 =	simm.s32 $0x4D00  }
0x172: {  	[tilespmem:s31], [sflag:$0x3] =	stream.strided.gather [hbm4b:s8+s15], $0x800, s18, s15, $0x38;
	[tilespmem:$0x18500] =	vst v63  }
0x173: {  	s4 =	sadd.s32 s21, s4;
	s31 =	simm.s32 $0x8D00  }
0x174: {  	[tilespmem:s31], [sflag:$0x5] =	stream.strided.gather [hbm4b:s4+s15], $0x800, s18, s15, $0x38;
	[tilespmem:$0x18500] =	vst v63  }
0x175: {  	s5 =	sadd.s32 s22, s5;
	s19 =	spop (v2sf);
	s31 =	simm.s32 $0xCD00  }
0x176: {  	[tilespmem:s31], [sflag:$0x7] =	stream.strided.gather [hbm4b:s5+s15], $0x800, s18, s15, $0x38;
	[tilespmem:$0x18500] =	vst v63  }
0x177: {  	s4 =	sand.u32 $0xFFFFF80, s19;
	s5 =	spop (v2sf)  }
0x178: {  	s8 =	sadd.s32 s16, s4;
	s31 =	simm.s32 $0x1500;
	s5 =	sand.u32 $0xFFFFF80, s5  }
0x179: {  	[tilespmem:s31], [sflag:$0x1] =	stream.strided.gather [hbm4b:s8+s15], $0x800, s18, s15, $0x38;
	[tilespmem:$0x18500] =	vst v63  }
0x17a: {  	s8 =	sadd.s32 s20, s5;
	s31 =	simm.s32 $0x5500  }
0x17b: {  	[tilespmem:s31], [sflag:$0x3] =	stream.strided.gather [hbm4b:s8+s15], $0x800, s18, s15, $0x38;
	[tilespmem:$0x18500] =	vst v63  }
0x17c: {  	s4 =	sadd.s32 s21, s4;
	s31 =	simm.s32 $0x9500  }
0x17d: {  	[tilespmem:s31], [sflag:$0x5] =	stream.strided.gather [hbm4b:s4+s15], $0x800, s18, s15, $0x38;
	[tilespmem:$0x18500] =	vst v63  }
0x17e: {  	s19 =	spop (v2sf);
	s5 =	sadd.s32 s22, s5;
	s31 =	simm.s32 $0xD500  }
0x17f: {  	[tilespmem:s31], [sflag:$0x7] =	stream.strided.gather [hbm4b:s5+s15], $0x800, s18, s15, $0x38;
	[tilespmem:$0x18500] =	vst v63  }
0x180: {  	s4 =	sand.u32 $0xFFFFF80, s19;
	s5 =	spop (v2sf)  }
0x181: {  	s8 =	sadd.s32 s16, s4;
	s31 =	simm.s32 $0x1D00;
	s5 =	sand.u32 $0xFFFFF80, s5  }
0x182: {  	[tilespmem:s31], [sflag:$0x1] =	stream.strided.gather [hbm4b:s8+s15], $0x800, s18, s15, $0x38;
	[tilespmem:$0x18500] =	vst v63  }
0x183: {  	s8 =	sadd.s32 s20, s5;
	s31 =	simm.s32 $0x5D00  }
0x184: {  	[tilespmem:s31], [sflag:$0x3] =	stream.strided.gather [hbm4b:s8+s15], $0x800, s18, s15, $0x38;
	[tilespmem:$0x18500] =	vst v63  }
.Ltmp5:
0x185: {  	s4 =	sadd.s32 s21, s4;
	s31 =	simm.s32 $0x9D00;
	(pc) =	sbr.rel .LBB2_4-.Ltmp5, $4  }
0x186: {  	[tilespmem:s31], [sflag:$0x5] =	stream.strided.gather [hbm4b:s4+s15], $0x800, s18, s15, $0x38;
	[tilespmem:$0x18500] =	vst v63  }
0x187: {  	s19 =	simm.s32 $0x8500;
	s5 =	sadd.s32 s22, s5;
	s31 =	simm.s32 $0xDD00  }
0x188: {  	[tilespmem:s31], [sflag:$0x7] =	stream.strided.gather [hbm4b:s5+s15], $0x800, s18, s15, $0x38;
	[tilespmem:$0x18500] =	vst v63  }
0x189: {  	s16 =	simm.s32 $0x500;
	s8 =	simm.s32 $0x10500;
	s5 =	simm.s32 $0x12500  }
.LBB2_6:
0x18a: {  	_ =	sfence.sel $0x180000  }
0x18b: {  	[bflag:$0x0] =	sbarrier.arrive $0xFFFF  }
0x18c: {  	_ =	strace $0x90000047  }
0x18d: {  	s0 =	stileid.u32;
	[bflag:$0x2] =	sbarrier.arrive $0xFFFF  }
0x18e: {  	p0 =	sne.s32 s0, $0x0;
	s0 =	rddreg [dreg:$0x6]  }
0x18f: {  	s0 =	sadd.s32 @!p0 $0x100000, s0  }
0x190: {  	[sflag:s0] =	ssyncadd.tile.s32 @!p0 $0x1;
	_ =	shalt  }
.Lfunc_end2:
_tile_overlayer_lowered:
.L_overlay_start_2:
0x191: {  	(tag) =	ssettag $0x2  }
0x192: {  	s0 =	rddreg [dreg:$0x0];
	s2 =	stileid.u32  }
0x193: {  	s1 =	rddreg [dreg:$0x1];
	p0 =	sne.s32 s2, $0x0  }
0x194: {  	s3 =	rddreg [dreg:$0x2];
	[bflag:$0x3] =	sbarrier.arrive $0xFFFF;
	s2 =	simm.s32 @!p0 $0x1C09  }
0x195: {  	[timem:s3], [sflag:s2] =	dma.local @!p0 [hbm:s0], s1  }
0x196: {  	s0 =	simm.s32 @!p0 $0x9  }
0x197: {  	_ =	swait.ge @!p0 [sflag:s0], s1  }
0x198: {  	s1 =	ssub.s32 @!p0 $0x0, s1;
	[sflag:s0] =	ssyncset.done @!p0 $0x0  }
0x199: {  	[sflag:s0] =	ssyncadd.s32 @!p0 s1  }
0x19a: {  	[bflag:$0x3] =	sbarrier.arrive $0xFFFF  }
0x19b: {  	_ =	shalt  }

</sc_bundles>
